<compile_context>
chip_gen: v7x
topology: tpu7x:2x2x1
jax: 0.10.2.dev20260603
libtpu: 0.0.44.dev20260713+nightly
codegen_flags: <defaults>
</compile_context>

<pallas_src>
import functools

import jax
import jax.numpy as jnp
from jax import lax
from jax.experimental import pallas as pl
from jax.experimental.pallas import tpu as pltpu
from jax.experimental.pallas import tpu_sc as plsc

B, C, H, W = 4, 19, 512, 512
NPIX = B * H * W
KSEL = 100000
THRESH = 0.7

_HR = 64
_GRID_I = H // _HR


def _dense_body(s_ref, t_ref, w_ref, pred_ref, loss_ref):
    s = s_ref[0]
    t = t_ref[0]
    m = jnp.max(s, axis=0)
    e = jnp.exp(s - m[None, :, :])
    ssum = jnp.sum(e, axis=0)
    sy = jnp.zeros_like(m)
    ey = jnp.zeros_like(m)
    wy = jnp.zeros_like(m)
    for c in range(C):
        selc = (t == c)
        sy = jnp.where(selc, s[c], sy)
        ey = jnp.where(selc, e[c], ey)
        wy = jnp.where(selc, w_ref[c, :][None, :], wy)
    logp = (sy - m) - jnp.log(ssum)
    pred_ref[0] = lax.bitcast_convert_type(ey / ssum, jnp.int32)
    loss_ref[0] = -wy * logp


def _dense(score, target, weight):
    w2 = jnp.broadcast_to(weight[:, None], (C, W))
    out_bits = jax.ShapeDtypeStruct((B, H, W), jnp.int32)
    out_sd = jax.ShapeDtypeStruct((B, H, W), jnp.float32)
    pred, loss = pl.pallas_call(
        _dense_body,
        grid=(B, _GRID_I),
        in_specs=[
            pl.BlockSpec((1, C, _HR, W), lambda b, i: (b, 0, i, 0)),
            pl.BlockSpec((1, _HR, W), lambda b, i: (b, i, 0)),
            pl.BlockSpec((C, W), lambda b, i: (0, 0)),
        ],
        out_specs=[
            pl.BlockSpec((1, _HR, W), lambda b, i: (b, i, 0)),
            pl.BlockSpec((1, _HR, W), lambda b, i: (b, i, 0)),
        ],
        out_shape=[out_bits, out_sd],
    )(score, target, w2)
    return pred, loss


_L = 16
_NSUB = 16
_CHUNK = NPIX // _NSUB
_NB = 1024
_LQ = 16384


def _find_bin(merged_ref, kk):

    def body(j, carry):
        b, below, run = carry
        h = merged_ref[pl.ds(j * _L, _L)]
        c = plsc.cumsum(h) + run
        run = jnp.max(c)
        le = c <= kk
        b = b + jnp.max(plsc.all_reduce_population_count(le))
        below = jnp.maximum(below, jnp.max(jnp.where(le, c, 0)))
        return (b, below, run)

    b, below, _ = lax.fori_loop(0, _NB // _L, body,
                                (jnp.int32(0), jnp.int32(0), jnp.int32(0)))
    return b, below


def _sc_body(pred_hbm, loss_hbm, out_hbm,
             pred_v, loss_v, lhist, mbuf, merged, cnt_buf, part_v, fin_v,
             out_v, sh_hist, sh_cnt, sh_part):
    wid = lax.axis_index("s")
    base = wid * _CHUNK
    pltpu.sync_copy(pred_hbm.at[pl.ds(base, _CHUNK)], pred_v)
    lane = lax.iota(jnp.int32, _L)
    ones = jnp.ones((_L,), jnp.int32)
    t07 = jnp.int32(0x3F333333)

    def cbody(i, carry):
        acc = carry
        for u in range(4):
            bits = pred_v[pl.ds((i * 4 + u) * _L, _L)]
            acc = acc + jnp.where(bits < t07, 1, 0).astype(jnp.int32)
        return acc

    cnt_vec = lax.fori_loop(0, _CHUNK // _L // 4, cbody,
                            jnp.zeros((_L,), jnp.int32))
    cnt_buf[0, :] = cnt_vec
    pltpu.sync_copy(cnt_buf.at[0], sh_cnt.at[wid])
    plsc.subcore_barrier()
    pltpu.sync_copy(sh_cnt, cnt_buf)
    plsc.subcore_barrier()
    gcnt = cnt_buf[0, :]
    for t in range(1, _NSUB):
        gcnt = gcnt + cnt_buf[t, :]
    cnt_glob = jnp.sum(gcnt)

    def _radix_thr():
        kk = jnp.int32(KSEL)
        prefix = jnp.int32(0)
        for p, shift in enumerate((20, 10, 0)):
            def zbody(j, _):
                lhist[pl.ds(j * _L, _L)] = jnp.zeros((_L,), jnp.int32)
                return 0
            lax.fori_loop(0, _NSUB * _NB // _L, zbody, 0)

            def sbody(i, _):
                bits = pred_v[pl.ds(i * _L, _L)]
                d = (bits >> shift) & (_NB - 1)
                idx = lane * _NB + d
                if p == 0:
                    plsc.addupdate_scatter(lhist, [idx], ones)
                else:
                    m = (bits >> (shift + 10)) == prefix
                    plsc.addupdate_scatter(lhist, [idx], ones, mask=m)
                return 0
            lax.fori_loop(0, _CHUNK // _L, sbody, 0)

            def mbody(j, _):
                acc = lhist[pl.ds(j * _L, _L)]
                for l in range(1, _NSUB):
                    acc = acc + lhist[pl.ds(l * _NB + j * _L, _L)]
                merged[pl.ds(j * _L, _L)] = acc
                return 0
            lax.fori_loop(0, _NB // _L, mbody, 0)

            pltpu.sync_copy(merged, sh_hist.at[wid])
            plsc.subcore_barrier()
            pltpu.sync_copy(sh_hist, mbuf)
            plsc.subcore_barrier()

            def gbody(j, _):
                acc = mbuf[0, pl.ds(j * _L, _L)]
                for t in range(1, _NSUB):
                    acc = acc + mbuf[t, pl.ds(j * _L, _L)]
                merged[pl.ds(j * _L, _L)] = acc
                return 0
            lax.fori_loop(0, _NB // _L, gbody, 0)

            b, below = _find_bin(merged, kk)
            kk = kk - below
            prefix = (prefix << 10) | b
        return jnp.maximum(prefix, t07)

    thr = lax.cond(cnt_glob > jnp.int32(KSEL), lambda: t07, _radix_thr)

    num = jnp.zeros((_L,), jnp.float32)
    den = jnp.zeros((_L,), jnp.float32)
    for q in range(_CHUNK // _LQ):
        pltpu.sync_copy(loss_hbm.at[pl.ds(base + q * _LQ, _LQ)], loss_v)

        def fbody(i, carry):
            nacc, dacc = carry
            for u in range(4):
                pv = pred_v[pl.ds(q * _LQ + (i * 4 + u) * _L, _L)]
                lv = loss_v[pl.ds((i * 4 + u) * _L, _L)]
                keep = pv < thr
                nacc = nacc + jnp.where(keep, lv, jnp.float32(0))
                dacc = dacc + jnp.where(keep, jnp.float32(1), jnp.float32(0))
            return (nacc, dacc)

        num, den = lax.fori_loop(0, _LQ // _L // 4, fbody, (num, den))

    part_v[0, :] = num
    part_v[1, :] = den
    pltpu.sync_copy(part_v, sh_part.at[wid])
    plsc.subcore_barrier()

    @pl.when(wid == 0)
    def _():
        pltpu.sync_copy(sh_part, fin_v)
        nacc = fin_v[0, 0, :]
        dacc = fin_v[0, 1, :]
        for t in range(1, _NSUB):
            nacc = nacc + fin_v[t, 0, :]
            dacc = dacc + fin_v[t, 1, :]
        numv = jnp.full((_L,), jnp.sum(nacc), jnp.float32)
        denv = jnp.full((_L,), jnp.sum(dacc), jnp.float32)
        out_v[...] = numv / denv
        pltpu.sync_copy(out_v, out_hbm)


def _sc_select(pred_f, loss_f):
    mesh = plsc.VectorSubcoreMesh(core_axis_name="c", subcore_axis_name="s",
                                  num_cores=1)
    fn = pl.kernel(
        _sc_body,
        out_type=jax.ShapeDtypeStruct((_L,), jnp.float32),
        mesh=mesh,
        compiler_params=pltpu.CompilerParams(needs_layout_passes=False,
                                             use_tc_tiling_on_sc=False),
        scratch_types=[
            pltpu.VMEM((_CHUNK,), jnp.int32),
            pltpu.VMEM((_LQ,), jnp.float32),
            pltpu.VMEM((_NSUB * _NB,), jnp.int32),
            pltpu.VMEM((_NSUB, _NB), jnp.int32),
            pltpu.VMEM((_NB,), jnp.int32),
            pltpu.VMEM((_NSUB, _L), jnp.int32),
            pltpu.VMEM((2, _L), jnp.float32),
            pltpu.VMEM((_NSUB, 2, _L), jnp.float32),
            pltpu.VMEM((_L,), jnp.float32),
            pltpu.VMEM_SHARED((_NSUB, _NB), jnp.int32),
            pltpu.VMEM_SHARED((_NSUB, _L), jnp.int32),
            pltpu.VMEM_SHARED((_NSUB, 2, _L), jnp.float32),
        ],
    )
    return fn(pred_f, loss_f)


def kernel(score, target, weight):
    pred, loss = _dense(score, target, weight)
    out = _sc_select(pred.reshape(-1), loss.reshape(-1))
    return out[0]

# --- scband reference (transcript-rebuilt; emitter-appended) ---
"""Pipeline reference for scband-ohem-cross-entropy2d-6751688590119 (READ-ONLY COPY).

The authoritative reference and input builder live on the scoring server;
editing this copy changes nothing except your own understanding.
"""

import jax, jax.numpy as jnp
import numpy as np

IGNORE_LABEL = -1
THRESH = 0.7
MIN_KEPT = 100000


def setup_inputs(seed: int = 0) -> dict:
    key = jax.random.key(seed)
    k1, k2 = jax.random.split(key)
    score = jax.random.normal(k1, (4, 19, 512, 512), dtype=jnp.float32)
    target = jax.random.randint(k2, (4, 512, 512), 0, 19, dtype=jnp.int32)
    weight = jnp.array([0.8373, 0.918, 0.866, 1.0345, 1.0166, 0.9969, 0.9754,
                        1.0489, 0.8786, 1.0023, 0.9539, 0.9843, 1.1116, 0.9037,
                        1.0865, 1.0955, 1.0865, 1.1529, 1.0507], dtype=jnp.float32)
    return {"score": score, "target": target, "weight": weight}


def reference(score, target, weight):
    # score: [B, C, H, W]; target: [B, H, W] (same spatial size -> no upsample)
    valid = (target != IGNORE_LABEL)
    tmp_target = jnp.where(valid, target, 0)

    logp = jax.nn.log_softmax(score, axis=1)
    pred = jax.nn.softmax(score, axis=1)

    idx4 = tmp_target[:, None, :, :]
    logp_y = jnp.take_along_axis(logp, idx4, axis=1)[:, 0]   # [B, H, W]
    pred_y = jnp.take_along_axis(pred, idx4, axis=1)[:, 0]   # [B, H, W]

    # per-pixel weighted CE, 0 for ignored pixels (matches reduction='none' + ignore_index)
    pixel_losses = -weight[tmp_target] * logp_y * valid.astype(logp_y.dtype)

    loss_flat = pixel_losses.reshape(-1)
    pred_flat = pred_y.reshape(-1)
    valid_flat = valid.reshape(-1)

    # push ignored pixels to the end of the sort with +inf
    pred_masked = jnp.where(valid_flat, pred_flat, jnp.inf)
    ind = jnp.argsort(pred_masked)
    pred_sorted = pred_masked[ind]
    loss_sorted = loss_flat[ind]

    valid_count = jnp.sum(valid_flat.astype(jnp.int32))
    sel = jnp.minimum(MIN_KEPT, valid_count - 1)
    min_value = pred_sorted[sel]
    threshold = jnp.maximum(min_value, THRESH)

    keep = (pred_sorted < threshold)  # inf entries (ignored) are always excluded
    keep_f = keep.astype(loss_sorted.dtype)
    return jnp.sum(loss_sorted * keep_f) / jnp.sum(keep_f)

if __name__ == "__main__":
    import jax
    _d = setup_inputs()
    print(jax.jit(kernel)(*tuple(_d.values())))

</pallas_src>

<mosaic_0001>
#map = affine_map<(d0, d1) -> (0)>
module attributes {stable_mosaic.version = 14 : i64} {
  func.func @_sc_body(%arg0: i32, %arg1: i32, %arg2: memref<1048576xi32, #tpu.memory_space<hbm>>, %arg3: memref<1048576xf32, #tpu.memory_space<hbm>>, %arg4: memref<16xf32, #tpu.memory_space<hbm>>, %arg5: memref<65536xi32, #tpu.memory_space<vmem>>, %arg6: memref<16384xf32, #tpu.memory_space<vmem>>, %arg7: memref<16384xi32, #tpu.memory_space<vmem>>, %arg8: memref<16x1024xi32, #tpu.memory_space<vmem>>, %arg9: memref<1024xi32, #tpu.memory_space<vmem>>, %arg10: memref<16x16xi32, #tpu.memory_space<vmem>>, %arg11: memref<2x16xf32, #tpu.memory_space<vmem>>, %arg12: memref<16x2x16xf32, #tpu.memory_space<vmem>>, %arg13: memref<16xf32, #tpu.memory_space<vmem>>, %arg14: memref<16x1024xi32, #tpu.memory_space<vmem_shared>>, %arg15: memref<16x16xi32, #tpu.memory_space<vmem_shared>>, %arg16: memref<16x2x16xf32, #tpu.memory_space<vmem_shared>>) attributes {dimension_semantics = [#tpu.dimension_semantics<core_parallel>, #tpu.dimension_semantics<subcore_parallel>], iteration_bounds = array<i64: 1, 16>, scalar_prefetch = 0 : i64, scratch_operands = 12 : i64, tpu.core_type = #tpu.core_type<sc_vector_subcore>, window_params = [{transform_indices = #map}, {transform_indices = #map}, {transform_indices = #map}]} {
    %mul3A = arith.constant 65536 : i32
    %mul3A_0 = arith.muli %arg1, %mul3A : i32
    "tpu.region"() ({
      %run_scoped3A_147 = tpu.sem_alloc : memref<!tpu.dma_semaphore, #tpu.memory_space<semaphore_mem>>
      %dma_start3A = tpu.memref_slice %arg2[%mul3A_0] : memref<1048576xi32, #tpu.memory_space<hbm>> -> memref<65536xi32, #tpu.memory_space<hbm>>
      %dma_start3A_148 = tpu.memref_slice %arg2[%mul3A_0] : memref<1048576xi32, #tpu.memory_space<hbm>> -> memref<65536xi32, #tpu.memory_space<hbm>>
      tpu.enqueue_dma source(%dma_start3A_148 : memref<65536xi32, #tpu.memory_space<hbm>>) target(%arg5 : memref<65536xi32, #tpu.memory_space<vmem>>) target_semaphore(%run_scoped3A_147 : memref<!tpu.dma_semaphore, #tpu.memory_space<semaphore_mem>>)
      %dma_wait3A = tpu.memref_slice %arg2[%mul3A_0] : memref<1048576xi32, #tpu.memory_space<hbm>> -> memref<65536xi32, #tpu.memory_space<hbm>>
      %dma_wait3A_149 = tpu.memref_slice %arg2[%mul3A_0] : memref<1048576xi32, #tpu.memory_space<hbm>> -> memref<65536xi32, #tpu.memory_space<hbm>>
      tpu.wait_dma2 semaphore(%run_scoped3A_147 : memref<!tpu.dma_semaphore, #tpu.memory_space<semaphore_mem>>) src(%dma_wait3A_149 : memref<65536xi32, #tpu.memory_space<hbm>>) dst(%arg5 : memref<65536xi32, #tpu.memory_space<vmem>>)
      tpu.yield
    }) : () -> ()
    %iota3A = tpu.iota {dimensions = array<i32: 0>} : vector<16xi32>
    %broadcast_in_dim3A = arith.constant 1 : i32
    %broadcast_in_dim3A_1 = vector.broadcast %broadcast_in_dim3A : i32 to vector<16xi32>
    %broadcast_in_dim3A_2 = arith.constant 0 : i32
    %broadcast_in_dim3A_3 = vector.broadcast %broadcast_in_dim3A_2 : i32 to vector<16xi32>
    %scan3A = arith.constant 1060320051 : i32
    %scan3A_4 = arith.constant 0 : i32
    %scan3A_5 = arith.constant 1024 : i32
    %scan3A_6 = arith.addi %scan3A_4, %scan3A_5 : i32
    %scan3A_7 = arith.constant 1 : i32
    %scan3A_8 = scf.for %scan3A_147 = %scan3A_4 to %scan3A_6 step %scan3A_7 iter_args(%scan3A_148 = %broadcast_in_dim3A_3) -> (vector<16xi32>)  : i32 {
      %mul3A_149 = arith.constant 4 : i32
      %mul3A_150 = arith.muli %scan3A_147, %mul3A_149 : i32
      %add3A_151 = arith.constant 0 : i32
      %add3A_152 = arith.addi %mul3A_150, %add3A_151 : i32
      %mul3A_153 = arith.constant 16 : i32
      %mul3A_154 = arith.muli %add3A_152, %mul3A_153 : i32
      %get3A_155 = arith.index_cast %mul3A_154 : i32 to index
      %get3A_156 = tpu.vector_load %arg5[%get3A_155] {strides = array<i32>} : memref<65536xi32, #tpu.memory_space<vmem>>, vector<16xi32>,
      %lt3A = vector.broadcast %scan3A : i32 to vector<16xi32>
      %lt3A_157 = arith.cmpi slt, %get3A_156, %lt3A : vector<16xi32>
      %jit3A = arith.constant 1 : i32
      %jit3A_158 = arith.constant 0 : i32
      %broadcast_in_dim3A_159 = vector.broadcast %jit3A : i32 to vector<16xi32>
      %broadcast_in_dim3A_160 = vector.broadcast %jit3A_158 : i32 to vector<16xi32>
      %select_n3A = arith.select %lt3A_157, %broadcast_in_dim3A_159, %broadcast_in_dim3A_160 : vector<16xi1>, vector<16xi32>
      %add3A_161 = arith.addi %scan3A_148, %select_n3A : vector<16xi32>
      %mul3A_162 = arith.constant 4 : i32
      %mul3A_163 = arith.muli %scan3A_147, %mul3A_162 : i32
      %add3A_164 = arith.constant 1 : i32
      %add3A_165 = arith.addi %mul3A_163, %add3A_164 : i32
      %mul3A_166 = arith.constant 16 : i32
      %mul3A_167 = arith.muli %add3A_165, %mul3A_166 : i32
      %get3A_168 = arith.index_cast %mul3A_167 : i32 to index
      %get3A_169 = tpu.vector_load %arg5[%get3A_168] {strides = array<i32>} : memref<65536xi32, #tpu.memory_space<vmem>>, vector<16xi32>,
      %lt3A_170 = vector.broadcast %scan3A : i32 to vector<16xi32>
      %lt3A_171 = arith.cmpi slt, %get3A_169, %lt3A_170 : vector<16xi32>
      %jit3A_172 = arith.constant 1 : i32
      %jit3A_173 = arith.constant 0 : i32
      %broadcast_in_dim3A_174 = vector.broadcast %jit3A_172 : i32 to vector<16xi32>
      %broadcast_in_dim3A_175 = vector.broadcast %jit3A_173 : i32 to vector<16xi32>
      %select_n3A_176 = arith.select %lt3A_171, %broadcast_in_dim3A_174, %broadcast_in_dim3A_175 : vector<16xi1>, vector<16xi32>
      %add3A_177 = arith.addi %add3A_161, %select_n3A_176 : vector<16xi32>
      %mul3A_178 = arith.constant 4 : i32
      %mul3A_179 = arith.muli %scan3A_147, %mul3A_178 : i32
      %add3A_180 = arith.constant 2 : i32
      %add3A_181 = arith.addi %mul3A_179, %add3A_180 : i32
      %mul3A_182 = arith.constant 16 : i32
      %mul3A_183 = arith.muli %add3A_181, %mul3A_182 : i32
      %get3A_184 = arith.index_cast %mul3A_183 : i32 to index
      %get3A_185 = tpu.vector_load %arg5[%get3A_184] {strides = array<i32>} : memref<65536xi32, #tpu.memory_space<vmem>>, vector<16xi32>,
      %lt3A_186 = vector.broadcast %scan3A : i32 to vector<16xi32>
      %lt3A_187 = arith.cmpi slt, %get3A_185, %lt3A_186 : vector<16xi32>
      %jit3A_188 = arith.constant 1 : i32
      %jit3A_189 = arith.constant 0 : i32
      %broadcast_in_dim3A_190 = vector.broadcast %jit3A_188 : i32 to vector<16xi32>
      %broadcast_in_dim3A_191 = vector.broadcast %jit3A_189 : i32 to vector<16xi32>
      %select_n3A_192 = arith.select %lt3A_187, %broadcast_in_dim3A_190, %broadcast_in_dim3A_191 : vector<16xi1>, vector<16xi32>
      %add3A_193 = arith.addi %add3A_177, %select_n3A_192 : vector<16xi32>
      %mul3A_194 = arith.constant 4 : i32
      %mul3A_195 = arith.muli %scan3A_147, %mul3A_194 : i32
      %add3A_196 = arith.constant 3 : i32
      %add3A_197 = arith.addi %mul3A_195, %add3A_196 : i32
      %mul3A_198 = arith.constant 16 : i32
      %mul3A_199 = arith.muli %add3A_197, %mul3A_198 : i32
      %get3A_200 = arith.index_cast %mul3A_199 : i32 to index
      %get3A_201 = tpu.vector_load %arg5[%get3A_200] {strides = array<i32>} : memref<65536xi32, #tpu.memory_space<vmem>>, vector<16xi32>,
      %lt3A_202 = vector.broadcast %scan3A : i32 to vector<16xi32>
      %lt3A_203 = arith.cmpi slt, %get3A_201, %lt3A_202 : vector<16xi32>
      %jit3A_204 = arith.constant 1 : i32
      %jit3A_205 = arith.constant 0 : i32
      %broadcast_in_dim3A_206 = vector.broadcast %jit3A_204 : i32 to vector<16xi32>
      %broadcast_in_dim3A_207 = vector.broadcast %jit3A_205 : i32 to vector<16xi32>
      %select_n3A_208 = arith.select %lt3A_203, %broadcast_in_dim3A_206, %broadcast_in_dim3A_207 : vector<16xi1>, vector<16xi32>
      %add3A_209 = arith.addi %add3A_193, %select_n3A_208 : vector<16xi32>
      scf.yield %add3A_209 : vector<16xi32>
    }
    %scan3A_9 = arith.constant 1024 : i32
    %swap3A = arith.constant 0 : i32
    %swap3A_10 = arith.index_cast %swap3A : i32 to index
    %swap3A_11 = arith.constant 0 : index
    %swap3A_12 = tpu.vector_load %arg10[%swap3A_10, %swap3A_11] {strides = array<i32>} : memref<16x16xi32, #tpu.memory_space<vmem>>, vector<16xi32>,
    tpu.vector_store %arg10[%swap3A_10, %swap3A_11], %scan3A_8 {strides = array<i32>} : memref<16x16xi32, #tpu.memory_space<vmem>>, vector<16xi32>,
    %run_scoped3A = arith.constant 0 : i32
    "tpu.region"() ({
      %run_scoped3A_147 = tpu.sem_alloc : memref<!tpu.dma_semaphore, #tpu.memory_space<semaphore_mem>>
      %dma_start3A = arith.constant 0 : i32
      %dma_start3A_148 = tpu.memref_slice %arg10[%run_scoped3A, %dma_start3A] : memref<16x16xi32, #tpu.memory_space<vmem>> -> memref<1x16xi32, #tpu.memory_space<vmem>>
      %dma_start3A_149 = tpu.memref_squeeze %dma_start3A_148 : memref<1x16xi32, #tpu.memory_space<vmem>> -> memref<16xi32, #tpu.memory_space<vmem>>
      %dma_start3A_150 = arith.constant 0 : i32
      %dma_start3A_151 = tpu.memref_slice %arg15[%arg1, %dma_start3A_150] : memref<16x16xi32, #tpu.memory_space<vmem_shared>> -> memref<1x16xi32, #tpu.memory_space<vmem_shared>>
      %dma_start3A_152 = tpu.memref_squeeze %dma_start3A_151 : memref<1x16xi32, #tpu.memory_space<vmem_shared>> -> memref<16xi32, #tpu.memory_space<vmem_shared>>
      %dma_start3A_153 = arith.constant 0 : i32
      %dma_start3A_154 = tpu.memref_slice %arg15[%arg1, %dma_start3A_153] : memref<16x16xi32, #tpu.memory_space<vmem_shared>> -> memref<1x16xi32, #tpu.memory_space<vmem_shared>>
      %dma_start3A_155 = tpu.memref_squeeze %dma_start3A_154 : memref<1x16xi32, #tpu.memory_space<vmem_shared>> -> memref<16xi32, #tpu.memory_space<vmem_shared>>
      %dma_start3A_156 = arith.constant 0 : i32
      %dma_start3A_157 = tpu.memref_slice %arg10[%run_scoped3A, %dma_start3A_156] : memref<16x16xi32, #tpu.memory_space<vmem>> -> memref<1x16xi32, #tpu.memory_space<vmem>>
      %dma_start3A_158 = tpu.memref_squeeze %dma_start3A_157 : memref<1x16xi32, #tpu.memory_space<vmem>> -> memref<16xi32, #tpu.memory_space<vmem>>
      tpu.enqueue_dma source(%dma_start3A_158 : memref<16xi32, #tpu.memory_space<vmem>>) target(%dma_start3A_155 : memref<16xi32, #tpu.memory_space<vmem_shared>>) target_semaphore(%run_scoped3A_147 : memref<!tpu.dma_semaphore, #tpu.memory_space<semaphore_mem>>)
      %dma_wait3A = arith.constant 0 : i32
      %dma_wait3A_159 = tpu.memref_slice %arg10[%run_scoped3A, %dma_wait3A] : memref<16x16xi32, #tpu.memory_space<vmem>> -> memref<1x16xi32, #tpu.memory_space<vmem>>
      %dma_wait3A_160 = tpu.memref_squeeze %dma_wait3A_159 : memref<1x16xi32, #tpu.memory_space<vmem>> -> memref<16xi32, #tpu.memory_space<vmem>>
      %dma_wait3A_161 = arith.constant 0 : i32
      %dma_wait3A_162 = tpu.memref_slice %arg15[%arg1, %dma_wait3A_161] : memref<16x16xi32, #tpu.memory_space<vmem_shared>> -> memref<1x16xi32, #tpu.memory_space<vmem_shared>>
      %dma_wait3A_163 = tpu.memref_squeeze %dma_wait3A_162 : memref<1x16xi32, #tpu.memory_space<vmem_shared>> -> memref<16xi32, #tpu.memory_space<vmem_shared>>
      %dma_wait3A_164 = arith.constant 0 : i32
      %dma_wait3A_165 = tpu.memref_slice %arg15[%arg1, %dma_wait3A_164] : memref<16x16xi32, #tpu.memory_space<vmem_shared>> -> memref<1x16xi32, #tpu.memory_space<vmem_shared>>
      %dma_wait3A_166 = tpu.memref_squeeze %dma_wait3A_165 : memref<1x16xi32, #tpu.memory_space<vmem_shared>> -> memref<16xi32, #tpu.memory_space<vmem_shared>>
      %dma_wait3A_167 = arith.constant 0 : i32
      %dma_wait3A_168 = tpu.memref_slice %arg10[%run_scoped3A, %dma_wait3A_167] : memref<16x16xi32, #tpu.memory_space<vmem>> -> memref<1x16xi32, #tpu.memory_space<vmem>>
      %dma_wait3A_169 = tpu.memref_squeeze %dma_wait3A_168 : memref<1x16xi32, #tpu.memory_space<vmem>> -> memref<16xi32, #tpu.memory_space<vmem>>
      tpu.wait_dma2 semaphore(%run_scoped3A_147 : memref<!tpu.dma_semaphore, #tpu.memory_space<semaphore_mem>>) src(%dma_wait3A_169 : memref<16xi32, #tpu.memory_space<vmem>>) dst(%dma_wait3A_166 : memref<16xi32, #tpu.memory_space<vmem_shared>>)
      tpu.yield
    }) : () -> ()
    %barrier3A = arith.constant 0 : index
    tpu.barrier barrier_id(%barrier3A)
    "tpu.region"() ({
      %run_scoped3A_147 = tpu.sem_alloc : memref<!tpu.dma_semaphore, #tpu.memory_space<semaphore_mem>>
      tpu.enqueue_dma source(%arg15 : memref<16x16xi32, #tpu.memory_space<vmem_shared>>) target(%arg10 : memref<16x16xi32, #tpu.memory_space<vmem>>) target_semaphore(%run_scoped3A_147 : memref<!tpu.dma_semaphore, #tpu.memory_space<semaphore_mem>>)
      tpu.wait_dma2 semaphore(%run_scoped3A_147 : memref<!tpu.dma_semaphore, #tpu.memory_space<semaphore_mem>>) src(%arg15 : memref<16x16xi32, #tpu.memory_space<vmem_shared>>) dst(%arg10 : memref<16x16xi32, #tpu.memory_space<vmem>>)
      tpu.yield
    }) : () -> ()
    %barrier3A_13 = arith.constant 0 : index
    tpu.barrier barrier_id(%barrier3A_13)
    %get3A = arith.constant 0 : i32
    %get3A_14 = arith.index_cast %get3A : i32 to index
    %get3A_15 = arith.constant 0 : index
    %get3A_16 = tpu.vector_load %arg10[%get3A_14, %get3A_15] {strides = array<i32>} : memref<16x16xi32, #tpu.memory_space<vmem>>, vector<16xi32>,
    %get3A_17 = arith.constant 1 : i32
    %get3A_18 = arith.index_cast %get3A_17 : i32 to index
    %get3A_19 = arith.constant 0 : index
    %get3A_20 = tpu.vector_load %arg10[%get3A_18, %get3A_19] {strides = array<i32>} : memref<16x16xi32, #tpu.memory_space<vmem>>, vector<16xi32>,
    %add3A = arith.addi %get3A_16, %get3A_20 : vector<16xi32>
    %get3A_21 = arith.constant 2 : i32
    %get3A_22 = arith.index_cast %get3A_21 : i32 to index
    %get3A_23 = arith.constant 0 : index
    %get3A_24 = tpu.vector_load %arg10[%get3A_22, %get3A_23] {strides = array<i32>} : memref<16x16xi32, #tpu.memory_space<vmem>>, vector<16xi32>,
    %add3A_25 = arith.addi %add3A, %get3A_24 : vector<16xi32>
    %get3A_26 = arith.constant 3 : i32
    %get3A_27 = arith.index_cast %get3A_26 : i32 to index
    %get3A_28 = arith.constant 0 : index
    %get3A_29 = tpu.vector_load %arg10[%get3A_27, %get3A_28] {strides = array<i32>} : memref<16x16xi32, #tpu.memory_space<vmem>>, vector<16xi32>,
    %add3A_30 = arith.addi %add3A_25, %get3A_29 : vector<16xi32>
    %get3A_31 = arith.constant 4 : i32
    %get3A_32 = arith.index_cast %get3A_31 : i32 to index
    %get3A_33 = arith.constant 0 : index
    %get3A_34 = tpu.vector_load %arg10[%get3A_32, %get3A_33] {strides = array<i32>} : memref<16x16xi32, #tpu.memory_space<vmem>>, vector<16xi32>,
    %add3A_35 = arith.addi %add3A_30, %get3A_34 : vector<16xi32>
    %get3A_36 = arith.constant 5 : i32
    %get3A_37 = arith.index_cast %get3A_36 : i32 to index
    %get3A_38 = arith.constant 0 : index
    %get3A_39 = tpu.vector_load %arg10[%get3A_37, %get3A_38] {strides = array<i32>} : memref<16x16xi32, #tpu.memory_space<vmem>>, vector<16xi32>,
    %add3A_40 = arith.addi %add3A_35, %get3A_39 : vector<16xi32>
    %get3A_41 = arith.constant 6 : i32
    %get3A_42 = arith.index_cast %get3A_41 : i32 to index
    %get3A_43 = arith.constant 0 : index
    %get3A_44 = tpu.vector_load %arg10[%get3A_42, %get3A_43] {strides = array<i32>} : memref<16x16xi32, #tpu.memory_space<vmem>>, vector<16xi32>,
    %add3A_45 = arith.addi %add3A_40, %get3A_44 : vector<16xi32>
    %get3A_46 = arith.constant 7 : i32
    %get3A_47 = arith.index_cast %get3A_46 : i32 to index
    %get3A_48 = arith.constant 0 : index
    %get3A_49 = tpu.vector_load %arg10[%get3A_47, %get3A_48] {strides = array<i32>} : memref<16x16xi32, #tpu.memory_space<vmem>>, vector<16xi32>,
    %add3A_50 = arith.addi %add3A_45, %get3A_49 : vector<16xi32>
    %get3A_51 = arith.constant 8 : i32
    %get3A_52 = arith.index_cast %get3A_51 : i32 to index
    %get3A_53 = arith.constant 0 : index
    %get3A_54 = tpu.vector_load %arg10[%get3A_52, %get3A_53] {strides = array<i32>} : memref<16x16xi32, #tpu.memory_space<vmem>>, vector<16xi32>,
    %add3A_55 = arith.addi %add3A_50, %get3A_54 : vector<16xi32>
    %get3A_56 = arith.constant 9 : i32
    %get3A_57 = arith.index_cast %get3A_56 : i32 to index
    %get3A_58 = arith.constant 0 : index
    %get3A_59 = tpu.vector_load %arg10[%get3A_57, %get3A_58] {strides = array<i32>} : memref<16x16xi32, #tpu.memory_space<vmem>>, vector<16xi32>,
    %add3A_60 = arith.addi %add3A_55, %get3A_59 : vector<16xi32>
    %get3A_61 = arith.constant 10 : i32
    %get3A_62 = arith.index_cast %get3A_61 : i32 to index
    %get3A_63 = arith.constant 0 : index
    %get3A_64 = tpu.vector_load %arg10[%get3A_62, %get3A_63] {strides = array<i32>} : memref<16x16xi32, #tpu.memory_space<vmem>>, vector<16xi32>,
    %add3A_65 = arith.addi %add3A_60, %get3A_64 : vector<16xi32>
    %get3A_66 = arith.constant 11 : i32
    %get3A_67 = arith.index_cast %get3A_66 : i32 to index
    %get3A_68 = arith.constant 0 : index
    %get3A_69 = tpu.vector_load %arg10[%get3A_67, %get3A_68] {strides = array<i32>} : memref<16x16xi32, #tpu.memory_space<vmem>>, vector<16xi32>,
    %add3A_70 = arith.addi %add3A_65, %get3A_69 : vector<16xi32>
    %get3A_71 = arith.constant 12 : i32
    %get3A_72 = arith.index_cast %get3A_71 : i32 to index
    %get3A_73 = arith.constant 0 : index
    %get3A_74 = tpu.vector_load %arg10[%get3A_72, %get3A_73] {strides = array<i32>} : memref<16x16xi32, #tpu.memory_space<vmem>>, vector<16xi32>,
    %add3A_75 = arith.addi %add3A_70, %get3A_74 : vector<16xi32>
    %get3A_76 = arith.constant 13 : i32
    %get3A_77 = arith.index_cast %get3A_76 : i32 to index
    %get3A_78 = arith.constant 0 : index
    %get3A_79 = tpu.vector_load %arg10[%get3A_77, %get3A_78] {strides = array<i32>} : memref<16x16xi32, #tpu.memory_space<vmem>>, vector<16xi32>,
    %add3A_80 = arith.addi %add3A_75, %get3A_79 : vector<16xi32>
    %get3A_81 = arith.constant 14 : i32
    %get3A_82 = arith.index_cast %get3A_81 : i32 to index
    %get3A_83 = arith.constant 0 : index
    %get3A_84 = tpu.vector_load %arg10[%get3A_82, %get3A_83] {strides = array<i32>} : memref<16x16xi32, #tpu.memory_space<vmem>>, vector<16xi32>,
    %add3A_85 = arith.addi %add3A_80, %get3A_84 : vector<16xi32>
    %get3A_86 = arith.constant 15 : i32
    %get3A_87 = arith.index_cast %get3A_86 : i32 to index
    %get3A_88 = arith.constant 0 : index
    %get3A_89 = tpu.vector_load %arg10[%get3A_87, %get3A_88] {strides = array<i32>} : memref<16x16xi32, #tpu.memory_space<vmem>>, vector<16xi32>,
    %add3A_90 = arith.addi %add3A_85, %get3A_89 : vector<16xi32>
    %reduce_sum3A = arith.constant true
    %reduce_sum3A_91 = vector.broadcast %reduce_sum3A : i1 to vector<16xi1>
    %reduce_sum3A_92 = tpu.scan <sum>, %add3A_90 masked %reduce_sum3A_91 : vector<16xi32>, vector<16xi1> -> vector<16xi32>
    %reduce_sum3A_93 = vector.extract %reduce_sum3A_92[15] : i32 from vector<16xi32>
    %gt3A = arith.constant 100000 : i32
    %gt3A_94 = arith.cmpi sgt, %reduce_sum3A_93, %gt3A : i32
    %convert_element_type3A = arith.extui %gt3A_94 : i1 to i32
    %cond3A = arith.constant 1060320051 : i32
    %cond3A_95 = arith.constant 0 : i32
    %cond3A_96 = arith.cmpi ne, %convert_element_type3A, %cond3A_95 : i32
    %cond3A_97 = scf.if %cond3A_96 -> (i32) {
      scf.yield %cond3A : i32
    } else {
      %scan3A_147 = arith.constant 0 : i32
      %scan3A_148 = arith.constant 0 : i32
      %scan3A_149 = arith.constant 1024 : i32
      %scan3A_150 = arith.addi %scan3A_148, %scan3A_149 : i32
      %scan3A_151 = arith.constant 1 : i32
      %scan3A_152 = scf.for %scan3A_276 = %scan3A_148 to %scan3A_150 step %scan3A_151 iter_args(%scan3A_277 = %scan3A_147) -> (i32)  : i32 {
        %broadcast_in_dim3A_278 = arith.constant 0 : i32
        %broadcast_in_dim3A_279 = vector.broadcast %broadcast_in_dim3A_278 : i32 to vector<16xi32>
        %mul3A_280 = arith.constant 16 : i32
        %mul3A_281 = arith.muli %scan3A_276, %mul3A_280 : i32
        %swap3A_282 = arith.index_cast %mul3A_281 : i32 to index
        %swap3A_283 = tpu.vector_load %arg7[%swap3A_282] {strides = array<i32>} : memref<16384xi32, #tpu.memory_space<vmem>>, vector<16xi32>,
        tpu.vector_store %arg7[%swap3A_282], %broadcast_in_dim3A_279 {strides = array<i32>} : memref<16384xi32, #tpu.memory_space<vmem>>, vector<16xi32>,
        %scan3A_284 = arith.constant 0 : i32
        scf.yield %scan3A_284 : i32
      }
      %scan3A_153 = arith.constant 1024 : i32
      %scan3A_154 = arith.constant 0 : i32
      %scan3A_155 = arith.constant 0 : i32
      %scan3A_156 = arith.constant 4096 : i32
      %scan3A_157 = arith.addi %scan3A_155, %scan3A_156 : i32
      %scan3A_158 = arith.constant 1 : i32
      %scan3A_159 = scf.for %scan3A_276 = %scan3A_155 to %scan3A_157 step %scan3A_158 iter_args(%scan3A_277 = %scan3A_154) -> (i32)  : i32 {
        %mul3A_278 = arith.constant 16 : i32
        %mul3A_279 = arith.muli %scan3A_276, %mul3A_278 : i32
        %get3A_280 = arith.index_cast %mul3A_279 : i32 to index
        %get3A_281 = tpu.vector_load %arg5[%get3A_280] {strides = array<i32>} : memref<65536xi32, #tpu.memory_space<vmem>>, vector<16xi32>,
        %shift_right_arithmetic3A = arith.constant 20 : i32
        %shift_right_arithmetic3A_282 = vector.broadcast %shift_right_arithmetic3A : i32 to vector<16xi32>
        %shift_right_arithmetic3A_283 = arith.shrsi %get3A_281, %shift_right_arithmetic3A_282 : vector<16xi32>
        %and3A = arith.constant 1023 : i32
        %and3A_284 = vector.broadcast %and3A : i32 to vector<16xi32>
        %and3A_285 = arith.andi %shift_right_arithmetic3A_283, %and3A_284 : vector<16xi32>
        %mul3A_286 = arith.constant 1024 : i32
        %mul3A_287 = vector.broadcast %mul3A_286 : i32 to vector<16xi32>
        %mul3A_288 = arith.muli %iota3A, %mul3A_287 : vector<16xi32>
        %add3A_289 = arith.addi %mul3A_288, %and3A_285 : vector<16xi32>
        tpu.vector_store_idx %arg7[%add3A_289], %broadcast_in_dim3A_1 {add = true} : memref<16384xi32, #tpu.memory_space<vmem>>[vector<16xi32>], vector<16xi32>,
        %scan3A_290 = arith.constant 0 : i32
        scf.yield %scan3A_290 : i32
      }
      %scan3A_160 = arith.constant 4096 : i32
      %scan3A_161 = arith.constant 0 : i32
      %scan3A_162 = arith.constant 0 : i32
      %scan3A_163 = arith.constant 64 : i32
      %scan3A_164 = arith.addi %scan3A_162, %scan3A_163 : i32
      %scan3A_165 = arith.constant 1 : i32
      %scan3A_166 = scf.for %scan3A_276 = %scan3A_162 to %scan3A_164 step %scan3A_165 iter_args(%scan3A_277 = %scan3A_161) -> (i32)  : i32 {
        %mul3A_278 = arith.constant 16 : i32
        %mul3A_279 = arith.muli %scan3A_276, %mul3A_278 : i32
        %get3A_280 = arith.index_cast %mul3A_279 : i32 to index
        %get3A_281 = tpu.vector_load %arg7[%get3A_280] {strides = array<i32>} : memref<16384xi32, #tpu.memory_space<vmem>>, vector<16xi32>,
        %mul3A_282 = arith.constant 16 : i32
        %mul3A_283 = arith.muli %scan3A_276, %mul3A_282 : i32
        %add3A_284 = arith.constant 1024 : i32
        %add3A_285 = arith.addi %add3A_284, %mul3A_283 : i32
        %get3A_286 = arith.index_cast %add3A_285 : i32 to index
        %get3A_287 = tpu.vector_load %arg7[%get3A_286] {strides = array<i32>} : memref<16384xi32, #tpu.memory_space<vmem>>, vector<16xi32>,
        %add3A_288 = arith.addi %get3A_281, %get3A_287 : vector<16xi32>
        %mul3A_289 = arith.constant 16 : i32
        %mul3A_290 = arith.muli %scan3A_276, %mul3A_289 : i32
        %add3A_291 = arith.constant 2048 : i32
        %add3A_292 = arith.addi %add3A_291, %mul3A_290 : i32
        %get3A_293 = arith.index_cast %add3A_292 : i32 to index
        %get3A_294 = tpu.vector_load %arg7[%get3A_293] {strides = array<i32>} : memref<16384xi32, #tpu.memory_space<vmem>>, vector<16xi32>,
        %add3A_295 = arith.addi %add3A_288, %get3A_294 : vector<16xi32>
        %mul3A_296 = arith.constant 16 : i32
        %mul3A_297 = arith.muli %scan3A_276, %mul3A_296 : i32
        %add3A_298 = arith.constant 3072 : i32
        %add3A_299 = arith.addi %add3A_298, %mul3A_297 : i32
        %get3A_300 = arith.index_cast %add3A_299 : i32 to index
        %get3A_301 = tpu.vector_load %arg7[%get3A_300] {strides = array<i32>} : memref<16384xi32, #tpu.memory_space<vmem>>, vector<16xi32>,
        %add3A_302 = arith.addi %add3A_295, %get3A_301 : vector<16xi32>
        %mul3A_303 = arith.constant 16 : i32
        %mul3A_304 = arith.muli %scan3A_276, %mul3A_303 : i32
        %add3A_305 = arith.constant 4096 : i32
        %add3A_306 = arith.addi %add3A_305, %mul3A_304 : i32
        %get3A_307 = arith.index_cast %add3A_306 : i32 to index
        %get3A_308 = tpu.vector_load %arg7[%get3A_307] {strides = array<i32>} : memref<16384xi32, #tpu.memory_space<vmem>>, vector<16xi32>,
        %add3A_309 = arith.addi %add3A_302, %get3A_308 : vector<16xi32>
        %mul3A_310 = arith.constant 16 : i32
        %mul3A_311 = arith.muli %scan3A_276, %mul3A_310 : i32
        %add3A_312 = arith.constant 5120 : i32
        %add3A_313 = arith.addi %add3A_312, %mul3A_311 : i32
        %get3A_314 = arith.index_cast %add3A_313 : i32 to index
        %get3A_315 = tpu.vector_load %arg7[%get3A_314] {strides = array<i32>} : memref<16384xi32, #tpu.memory_space<vmem>>, vector<16xi32>,
        %add3A_316 = arith.addi %add3A_309, %get3A_315 : vector<16xi32>
        %mul3A_317 = arith.constant 16 : i32
        %mul3A_318 = arith.muli %scan3A_276, %mul3A_317 : i32
        %add3A_319 = arith.constant 6144 : i32
        %add3A_320 = arith.addi %add3A_319, %mul3A_318 : i32
        %get3A_321 = arith.index_cast %add3A_320 : i32 to index
        %get3A_322 = tpu.vector_load %arg7[%get3A_321] {strides = array<i32>} : memref<16384xi32, #tpu.memory_space<vmem>>, vector<16xi32>,
        %add3A_323 = arith.addi %add3A_316, %get3A_322 : vector<16xi32>
        %mul3A_324 = arith.constant 16 : i32
        %mul3A_325 = arith.muli %scan3A_276, %mul3A_324 : i32
        %add3A_326 = arith.constant 7168 : i32
        %add3A_327 = arith.addi %add3A_326, %mul3A_325 : i32
        %get3A_328 = arith.index_cast %add3A_327 : i32 to index
        %get3A_329 = tpu.vector_load %arg7[%get3A_328] {strides = array<i32>} : memref<16384xi32, #tpu.memory_space<vmem>>, vector<16xi32>,
        %add3A_330 = arith.addi %add3A_323, %get3A_329 : vector<16xi32>
        %mul3A_331 = arith.constant 16 : i32
        %mul3A_332 = arith.muli %scan3A_276, %mul3A_331 : i32
        %add3A_333 = arith.constant 8192 : i32
        %add3A_334 = arith.addi %add3A_333, %mul3A_332 : i32
        %get3A_335 = arith.index_cast %add3A_334 : i32 to index
        %get3A_336 = tpu.vector_load %arg7[%get3A_335] {strides = array<i32>} : memref<16384xi32, #tpu.memory_space<vmem>>, vector<16xi32>,
        %add3A_337 = arith.addi %add3A_330, %get3A_336 : vector<16xi32>
        %mul3A_338 = arith.constant 16 : i32
        %mul3A_339 = arith.muli %scan3A_276, %mul3A_338 : i32
        %add3A_340 = arith.constant 9216 : i32
        %add3A_341 = arith.addi %add3A_340, %mul3A_339 : i32
        %get3A_342 = arith.index_cast %add3A_341 : i32 to index
        %get3A_343 = tpu.vector_load %arg7[%get3A_342] {strides = array<i32>} : memref<16384xi32, #tpu.memory_space<vmem>>, vector<16xi32>,
        %add3A_344 = arith.addi %add3A_337, %get3A_343 : vector<16xi32>
        %mul3A_345 = arith.constant 16 : i32
        %mul3A_346 = arith.muli %scan3A_276, %mul3A_345 : i32
        %add3A_347 = arith.constant 10240 : i32
        %add3A_348 = arith.addi %add3A_347, %mul3A_346 : i32
        %get3A_349 = arith.index_cast %add3A_348 : i32 to index
        %get3A_350 = tpu.vector_load %arg7[%get3A_349] {strides = array<i32>} : memref<16384xi32, #tpu.memory_space<vmem>>, vector<16xi32>,
        %add3A_351 = arith.addi %add3A_344, %get3A_350 : vector<16xi32>
        %mul3A_352 = arith.constant 16 : i32
        %mul3A_353 = arith.muli %scan3A_276, %mul3A_352 : i32
        %add3A_354 = arith.constant 11264 : i32
        %add3A_355 = arith.addi %add3A_354, %mul3A_353 : i32
        %get3A_356 = arith.index_cast %add3A_355 : i32 to index
        %get3A_357 = tpu.vector_load %arg7[%get3A_356] {strides = array<i32>} : memref<16384xi32, #tpu.memory_space<vmem>>, vector<16xi32>,
        %add3A_358 = arith.addi %add3A_351, %get3A_357 : vector<16xi32>
        %mul3A_359 = arith.constant 16 : i32
        %mul3A_360 = arith.muli %scan3A_276, %mul3A_359 : i32
        %add3A_361 = arith.constant 12288 : i32
        %add3A_362 = arith.addi %add3A_361, %mul3A_360 : i32
        %get3A_363 = arith.index_cast %add3A_362 : i32 to index
        %get3A_364 = tpu.vector_load %arg7[%get3A_363] {strides = array<i32>} : memref<16384xi32, #tpu.memory_space<vmem>>, vector<16xi32>,
        %add3A_365 = arith.addi %add3A_358, %get3A_364 : vector<16xi32>
        %mul3A_366 = arith.constant 16 : i32
        %mul3A_367 = arith.muli %scan3A_276, %mul3A_366 : i32
        %add3A_368 = arith.constant 13312 : i32
        %add3A_369 = arith.addi %add3A_368, %mul3A_367 : i32
        %get3A_370 = arith.index_cast %add3A_369 : i32 to index
        %get3A_371 = tpu.vector_load %arg7[%get3A_370] {strides = array<i32>} : memref<16384xi32, #tpu.memory_space<vmem>>, vector<16xi32>,
        %add3A_372 = arith.addi %add3A_365, %get3A_371 : vector<16xi32>
        %mul3A_373 = arith.constant 16 : i32
        %mul3A_374 = arith.muli %scan3A_276, %mul3A_373 : i32
        %add3A_375 = arith.constant 14336 : i32
        %add3A_376 = arith.addi %add3A_375, %mul3A_374 : i32
        %get3A_377 = arith.index_cast %add3A_376 : i32 to index
        %get3A_378 = tpu.vector_load %arg7[%get3A_377] {strides = array<i32>} : memref<16384xi32, #tpu.memory_space<vmem>>, vector<16xi32>,
        %add3A_379 = arith.addi %add3A_372, %get3A_378 : vector<16xi32>
        %mul3A_380 = arith.constant 16 : i32
        %mul3A_381 = arith.muli %scan3A_276, %mul3A_380 : i32
        %add3A_382 = arith.constant 15360 : i32
        %add3A_383 = arith.addi %add3A_382, %mul3A_381 : i32
        %get3A_384 = arith.index_cast %add3A_383 : i32 to index
        %get3A_385 = tpu.vector_load %arg7[%get3A_384] {strides = array<i32>} : memref<16384xi32, #tpu.memory_space<vmem>>, vector<16xi32>,
        %add3A_386 = arith.addi %add3A_379, %get3A_385 : vector<16xi32>
        %mul3A_387 = arith.constant 16 : i32
        %mul3A_388 = arith.muli %scan3A_276, %mul3A_387 : i32
        %swap3A_389 = arith.index_cast %mul3A_388 : i32 to index
        %swap3A_390 = tpu.vector_load %arg9[%swap3A_389] {strides = array<i32>} : memref<1024xi32, #tpu.memory_space<vmem>>, vector<16xi32>,
        tpu.vector_store %arg9[%swap3A_389], %add3A_386 {strides = array<i32>} : memref<1024xi32, #tpu.memory_space<vmem>>, vector<16xi32>,
        %scan3A_391 = arith.constant 0 : i32
        scf.yield %scan3A_391 : i32
      }
      %scan3A_167 = arith.constant 64 : i32
      "tpu.region"() ({
        %run_scoped3A_276 = tpu.sem_alloc : memref<!tpu.dma_semaphore, #tpu.memory_space<semaphore_mem>>
        %dma_start3A = arith.constant 0 : i32
        %dma_start3A_277 = tpu.memref_slice %arg14[%arg1, %dma_start3A] : memref<16x1024xi32, #tpu.memory_space<vmem_shared>> -> memref<1x1024xi32, #tpu.memory_space<vmem_shared>>
        %dma_start3A_278 = tpu.memref_squeeze %dma_start3A_277 : memref<1x1024xi32, #tpu.memory_space<vmem_shared>> -> memref<1024xi32, #tpu.memory_space<vmem_shared>>
        %dma_start3A_279 = arith.constant 0 : i32
        %dma_start3A_280 = tpu.memref_slice %arg14[%arg1, %dma_start3A_279] : memref<16x1024xi32, #tpu.memory_space<vmem_shared>> -> memref<1x1024xi32, #tpu.memory_space<vmem_shared>>
        %dma_start3A_281 = tpu.memref_squeeze %dma_start3A_280 : memref<1x1024xi32, #tpu.memory_space<vmem_shared>> -> memref<1024xi32, #tpu.memory_space<vmem_shared>>
        tpu.enqueue_dma source(%arg9 : memref<1024xi32, #tpu.memory_space<vmem>>) target(%dma_start3A_281 : memref<1024xi32, #tpu.memory_space<vmem_shared>>) target_semaphore(%run_scoped3A_276 : memref<!tpu.dma_semaphore, #tpu.memory_space<semaphore_mem>>)
        %dma_wait3A = arith.constant 0 : i32
        %dma_wait3A_282 = tpu.memref_slice %arg14[%arg1, %dma_wait3A] : memref<16x1024xi32, #tpu.memory_space<vmem_shared>> -> memref<1x1024xi32, #tpu.memory_space<vmem_shared>>
        %dma_wait3A_283 = tpu.memref_squeeze %dma_wait3A_282 : memref<1x1024xi32, #tpu.memory_space<vmem_shared>> -> memref<1024xi32, #tpu.memory_space<vmem_shared>>
        %dma_wait3A_284 = arith.constant 0 : i32
        %dma_wait3A_285 = tpu.memref_slice %arg14[%arg1, %dma_wait3A_284] : memref<16x1024xi32, #tpu.memory_space<vmem_shared>> -> memref<1x1024xi32, #tpu.memory_space<vmem_shared>>
        %dma_wait3A_286 = tpu.memref_squeeze %dma_wait3A_285 : memref<1x1024xi32, #tpu.memory_space<vmem_shared>> -> memref<1024xi32, #tpu.memory_space<vmem_shared>>
        tpu.wait_dma2 semaphore(%run_scoped3A_276 : memref<!tpu.dma_semaphore, #tpu.memory_space<semaphore_mem>>) src(%arg9 : memref<1024xi32, #tpu.memory_space<vmem>>) dst(%dma_wait3A_286 : memref<1024xi32, #tpu.memory_space<vmem_shared>>)
        tpu.yield
      }) : () -> ()
      %barrier3A_168 = arith.constant 0 : index
      tpu.barrier barrier_id(%barrier3A_168)
      "tpu.region"() ({
        %run_scoped3A_276 = tpu.sem_alloc : memref<!tpu.dma_semaphore, #tpu.memory_space<semaphore_mem>>
        tpu.enqueue_dma source(%arg14 : memref<16x1024xi32, #tpu.memory_space<vmem_shared>>) target(%arg8 : memref<16x1024xi32, #tpu.memory_space<vmem>>) target_semaphore(%run_scoped3A_276 : memref<!tpu.dma_semaphore, #tpu.memory_space<semaphore_mem>>)
        tpu.wait_dma2 semaphore(%run_scoped3A_276 : memref<!tpu.dma_semaphore, #tpu.memory_space<semaphore_mem>>) src(%arg14 : memref<16x1024xi32, #tpu.memory_space<vmem_shared>>) dst(%arg8 : memref<16x1024xi32, #tpu.memory_space<vmem>>)
        tpu.yield
      }) : () -> ()
      %barrier3A_169 = arith.constant 0 : index
      tpu.barrier barrier_id(%barrier3A_169)
      %scan3A_170 = arith.constant 0 : i32
      %scan3A_171 = arith.constant 0 : i32
      %scan3A_172 = arith.constant 64 : i32
      %scan3A_173 = arith.addi %scan3A_171, %scan3A_172 : i32
      %scan3A_174 = arith.constant 1 : i32
      %scan3A_175 = scf.for %scan3A_276 = %scan3A_171 to %scan3A_173 step %scan3A_174 iter_args(%scan3A_277 = %scan3A_170) -> (i32)  : i32 {
        %mul3A_278 = arith.constant 16 : i32
        %mul3A_279 = arith.muli %scan3A_276, %mul3A_278 : i32
        %get3A_280 = arith.constant 0 : i32
        %get3A_281 = arith.index_cast %get3A_280 : i32 to index
        %get3A_282 = arith.index_cast %mul3A_279 : i32 to index
        %get3A_283 = tpu.vector_load %arg8[%get3A_281, %get3A_282] {strides = array<i32>} : memref<16x1024xi32, #tpu.memory_space<vmem>>, vector<16xi32>,
        %mul3A_284 = arith.constant 16 : i32
        %mul3A_285 = arith.muli %scan3A_276, %mul3A_284 : i32
        %get3A_286 = arith.constant 1 : i32
        %get3A_287 = arith.index_cast %get3A_286 : i32 to index
        %get3A_288 = arith.index_cast %mul3A_285 : i32 to index
        %get3A_289 = tpu.vector_load %arg8[%get3A_287, %get3A_288] {strides = array<i32>} : memref<16x1024xi32, #tpu.memory_space<vmem>>, vector<16xi32>,
        %add3A_290 = arith.addi %get3A_283, %get3A_289 : vector<16xi32>
        %mul3A_291 = arith.constant 16 : i32
        %mul3A_292 = arith.muli %scan3A_276, %mul3A_291 : i32
        %get3A_293 = arith.constant 2 : i32
        %get3A_294 = arith.index_cast %get3A_293 : i32 to index
        %get3A_295 = arith.index_cast %mul3A_292 : i32 to index
        %get3A_296 = tpu.vector_load %arg8[%get3A_294, %get3A_295] {strides = array<i32>} : memref<16x1024xi32, #tpu.memory_space<vmem>>, vector<16xi32>,
        %add3A_297 = arith.addi %add3A_290, %get3A_296 : vector<16xi32>
        %mul3A_298 = arith.constant 16 : i32
        %mul3A_299 = arith.muli %scan3A_276, %mul3A_298 : i32
        %get3A_300 = arith.constant 3 : i32
        %get3A_301 = arith.index_cast %get3A_300 : i32 to index
        %get3A_302 = arith.index_cast %mul3A_299 : i32 to index
        %get3A_303 = tpu.vector_load %arg8[%get3A_301, %get3A_302] {strides = array<i32>} : memref<16x1024xi32, #tpu.memory_space<vmem>>, vector<16xi32>,
        %add3A_304 = arith.addi %add3A_297, %get3A_303 : vector<16xi32>
        %mul3A_305 = arith.constant 16 : i32
        %mul3A_306 = arith.muli %scan3A_276, %mul3A_305 : i32
        %get3A_307 = arith.constant 4 : i32
        %get3A_308 = arith.index_cast %get3A_307 : i32 to index
        %get3A_309 = arith.index_cast %mul3A_306 : i32 to index
        %get3A_310 = tpu.vector_load %arg8[%get3A_308, %get3A_309] {strides = array<i32>} : memref<16x1024xi32, #tpu.memory_space<vmem>>, vector<16xi32>,
        %add3A_311 = arith.addi %add3A_304, %get3A_310 : vector<16xi32>
        %mul3A_312 = arith.constant 16 : i32
        %mul3A_313 = arith.muli %scan3A_276, %mul3A_312 : i32
        %get3A_314 = arith.constant 5 : i32
        %get3A_315 = arith.index_cast %get3A_314 : i32 to index
        %get3A_316 = arith.index_cast %mul3A_313 : i32 to index
        %get3A_317 = tpu.vector_load %arg8[%get3A_315, %get3A_316] {strides = array<i32>} : memref<16x1024xi32, #tpu.memory_space<vmem>>, vector<16xi32>,
        %add3A_318 = arith.addi %add3A_311, %get3A_317 : vector<16xi32>
        %mul3A_319 = arith.constant 16 : i32
        %mul3A_320 = arith.muli %scan3A_276, %mul3A_319 : i32
        %get3A_321 = arith.constant 6 : i32
        %get3A_322 = arith.index_cast %get3A_321 : i32 to index
        %get3A_323 = arith.index_cast %mul3A_320 : i32 to index
        %get3A_324 = tpu.vector_load %arg8[%get3A_322, %get3A_323] {strides = array<i32>} : memref<16x1024xi32, #tpu.memory_space<vmem>>, vector<16xi32>,
        %add3A_325 = arith.addi %add3A_318, %get3A_324 : vector<16xi32>
        %mul3A_326 = arith.constant 16 : i32
        %mul3A_327 = arith.muli %scan3A_276, %mul3A_326 : i32
        %get3A_328 = arith.constant 7 : i32
        %get3A_329 = arith.index_cast %get3A_328 : i32 to index
        %get3A_330 = arith.index_cast %mul3A_327 : i32 to index
        %get3A_331 = tpu.vector_load %arg8[%get3A_329, %get3A_330] {strides = array<i32>} : memref<16x1024xi32, #tpu.memory_space<vmem>>, vector<16xi32>,
        %add3A_332 = arith.addi %add3A_325, %get3A_331 : vector<16xi32>
        %mul3A_333 = arith.constant 16 : i32
        %mul3A_334 = arith.muli %scan3A_276, %mul3A_333 : i32
        %get3A_335 = arith.constant 8 : i32
        %get3A_336 = arith.index_cast %get3A_335 : i32 to index
        %get3A_337 = arith.index_cast %mul3A_334 : i32 to index
        %get3A_338 = tpu.vector_load %arg8[%get3A_336, %get3A_337] {strides = array<i32>} : memref<16x1024xi32, #tpu.memory_space<vmem>>, vector<16xi32>,
        %add3A_339 = arith.addi %add3A_332, %get3A_338 : vector<16xi32>
        %mul3A_340 = arith.constant 16 : i32
        %mul3A_341 = arith.muli %scan3A_276, %mul3A_340 : i32
        %get3A_342 = arith.constant 9 : i32
        %get3A_343 = arith.index_cast %get3A_342 : i32 to index
        %get3A_344 = arith.index_cast %mul3A_341 : i32 to index
        %get3A_345 = tpu.vector_load %arg8[%get3A_343, %get3A_344] {strides = array<i32>} : memref<16x1024xi32, #tpu.memory_space<vmem>>, vector<16xi32>,
        %add3A_346 = arith.addi %add3A_339, %get3A_345 : vector<16xi32>
        %mul3A_347 = arith.constant 16 : i32
        %mul3A_348 = arith.muli %scan3A_276, %mul3A_347 : i32
        %get3A_349 = arith.constant 10 : i32
        %get3A_350 = arith.index_cast %get3A_349 : i32 to index
        %get3A_351 = arith.index_cast %mul3A_348 : i32 to index
        %get3A_352 = tpu.vector_load %arg8[%get3A_350, %get3A_351] {strides = array<i32>} : memref<16x1024xi32, #tpu.memory_space<vmem>>, vector<16xi32>,
        %add3A_353 = arith.addi %add3A_346, %get3A_352 : vector<16xi32>
        %mul3A_354 = arith.constant 16 : i32
        %mul3A_355 = arith.muli %scan3A_276, %mul3A_354 : i32
        %get3A_356 = arith.constant 11 : i32
        %get3A_357 = arith.index_cast %get3A_356 : i32 to index
        %get3A_358 = arith.index_cast %mul3A_355 : i32 to index
        %get3A_359 = tpu.vector_load %arg8[%get3A_357, %get3A_358] {strides = array<i32>} : memref<16x1024xi32, #tpu.memory_space<vmem>>, vector<16xi32>,
        %add3A_360 = arith.addi %add3A_353, %get3A_359 : vector<16xi32>
        %mul3A_361 = arith.constant 16 : i32
        %mul3A_362 = arith.muli %scan3A_276, %mul3A_361 : i32
        %get3A_363 = arith.constant 12 : i32
        %get3A_364 = arith.index_cast %get3A_363 : i32 to index
        %get3A_365 = arith.index_cast %mul3A_362 : i32 to index
        %get3A_366 = tpu.vector_load %arg8[%get3A_364, %get3A_365] {strides = array<i32>} : memref<16x1024xi32, #tpu.memory_space<vmem>>, vector<16xi32>,
        %add3A_367 = arith.addi %add3A_360, %get3A_366 : vector<16xi32>
        %mul3A_368 = arith.constant 16 : i32
        %mul3A_369 = arith.muli %scan3A_276, %mul3A_368 : i32
        %get3A_370 = arith.constant 13 : i32
        %get3A_371 = arith.index_cast %get3A_370 : i32 to index
        %get3A_372 = arith.index_cast %mul3A_369 : i32 to index
        %get3A_373 = tpu.vector_load %arg8[%get3A_371, %get3A_372] {strides = array<i32>} : memref<16x1024xi32, #tpu.memory_space<vmem>>, vector<16xi32>,
        %add3A_374 = arith.addi %add3A_367, %get3A_373 : vector<16xi32>
        %mul3A_375 = arith.constant 16 : i32
        %mul3A_376 = arith.muli %scan3A_276, %mul3A_375 : i32
        %get3A_377 = arith.constant 14 : i32
        %get3A_378 = arith.index_cast %get3A_377 : i32 to index
        %get3A_379 = arith.index_cast %mul3A_376 : i32 to index
        %get3A_380 = tpu.vector_load %arg8[%get3A_378, %get3A_379] {strides = array<i32>} : memref<16x1024xi32, #tpu.memory_space<vmem>>, vector<16xi32>,
        %add3A_381 = arith.addi %add3A_374, %get3A_380 : vector<16xi32>
        %mul3A_382 = arith.constant 16 : i32
        %mul3A_383 = arith.muli %scan3A_276, %mul3A_382 : i32
        %get3A_384 = arith.constant 15 : i32
        %get3A_385 = arith.index_cast %get3A_384 : i32 to index
        %get3A_386 = arith.index_cast %mul3A_383 : i32 to index
        %get3A_387 = tpu.vector_load %arg8[%get3A_385, %get3A_386] {strides = array<i32>} : memref<16x1024xi32, #tpu.memory_space<vmem>>, vector<16xi32>,
        %add3A_388 = arith.addi %add3A_381, %get3A_387 : vector<16xi32>
        %mul3A_389 = arith.constant 16 : i32
        %mul3A_390 = arith.muli %scan3A_276, %mul3A_389 : i32
        %swap3A_391 = arith.index_cast %mul3A_390 : i32 to index
        %swap3A_392 = tpu.vector_load %arg9[%swap3A_391] {strides = array<i32>} : memref<1024xi32, #tpu.memory_space<vmem>>, vector<16xi32>,
        tpu.vector_store %arg9[%swap3A_391], %add3A_388 {strides = array<i32>} : memref<1024xi32, #tpu.memory_space<vmem>>, vector<16xi32>,
        %scan3A_393 = arith.constant 0 : i32
        scf.yield %scan3A_393 : i32
      }
      %scan3A_176 = arith.constant 64 : i32
      %scan3A_177 = arith.constant 100000 : i32
      %scan3A_178 = arith.constant 0 : i32
      %scan3A_179 = arith.constant 0 : i32
      %scan3A_180 = arith.constant 0 : i32
      %scan3A_181 = arith.constant 0 : i32
      %scan3A_182 = arith.constant 64 : i32
      %scan3A_183 = arith.addi %scan3A_181, %scan3A_182 : i32
      %scan3A_184 = arith.constant 1 : i32
      %scan3A_185:3 = scf.for %scan3A_276 = %scan3A_181 to %scan3A_183 step %scan3A_184 iter_args(%scan3A_277 = %scan3A_178, %scan3A_278 = %scan3A_179, %scan3A_279 = %scan3A_180) -> (i32, i32, i32)  : i32 {
        %mul3A_280 = arith.constant 16 : i32
        %mul3A_281 = arith.muli %scan3A_276, %mul3A_280 : i32
        %get3A_282 = arith.index_cast %mul3A_281 : i32 to index
        %get3A_283 = tpu.vector_load %arg9[%get3A_282] {strides = array<i32>} : memref<1024xi32, #tpu.memory_space<vmem>>, vector<16xi32>,
        %broadcast_in_dim3A_284 = arith.constant true
        %broadcast_in_dim3A_285 = vector.broadcast %broadcast_in_dim3A_284 : i1 to vector<16xi1>
        %masked_cumsum3A = tpu.scan <sum>, %get3A_283 masked %broadcast_in_dim3A_285 : vector<16xi32>, vector<16xi1> -> vector<16xi32>
        %add3A_286 = vector.broadcast %scan3A_279 : i32 to vector<16xi32>
        %add3A_287 = arith.addi %masked_cumsum3A, %add3A_286 : vector<16xi32>
        %reduce_max3A = arith.constant true
        %reduce_max3A_288 = vector.broadcast %reduce_max3A : i1 to vector<16xi1>
        %reduce_max3A_289 = arith.constant -2147483648 : i32
        %reduce_max3A_290 = vector.broadcast %reduce_max3A_289 : i32 to vector<16xi32>
        %reduce_max3A_291 = arith.xori %add3A_287, %reduce_max3A_290 : vector<16xi32>
        %reduce_max3A_292 = tpu.scan <max>, %reduce_max3A_291 masked %reduce_max3A_288 : vector<16xi32>, vector<16xi1> -> vector<16xi32>
        %reduce_max3A_293 = arith.xori %reduce_max3A_292, %reduce_max3A_290 : vector<16xi32>
        %reduce_max3A_294 = vector.extract %reduce_max3A_293[15] : i32 from vector<16xi32>
        %le3A = vector.broadcast %scan3A_177 : i32 to vector<16xi32>
        %le3A_295 = arith.cmpi sle, %add3A_287, %le3A : vector<16xi32>
        %all_reduce_population_count3A = tpu.all_reduce %le3A_295 {dim = 0 : i64, kind = #tpu.reduction_kind<sum>} : vector<16xi1> -> vector<16xi32>
        %reduce_max3A_296 = arith.constant true
        %reduce_max3A_297 = vector.broadcast %reduce_max3A_296 : i1 to vector<16xi1>
        %reduce_max3A_298 = arith.constant -2147483648 : i32
        %reduce_max3A_299 = vector.broadcast %reduce_max3A_298 : i32 to vector<16xi32>
        %reduce_max3A_300 = arith.xori %all_reduce_population_count3A, %reduce_max3A_299 : vector<16xi32>
        %reduce_max3A_301 = tpu.scan <max>, %reduce_max3A_300 masked %reduce_max3A_297 : vector<16xi32>, vector<16xi1> -> vector<16xi32>
        %reduce_max3A_302 = arith.xori %reduce_max3A_301, %reduce_max3A_299 : vector<16xi32>
        %reduce_max3A_303 = vector.extract %reduce_max3A_302[15] : i32 from vector<16xi32>
        %add3A_304 = arith.addi %scan3A_277, %reduce_max3A_303 : i32
        %jit3A = arith.constant 0 : i32
        %broadcast_in_dim3A_305 = vector.broadcast %jit3A : i32 to vector<16xi32>
        %select_n3A = arith.select %le3A_295, %add3A_287, %broadcast_in_dim3A_305 : vector<16xi1>, vector<16xi32>
        %reduce_max3A_306 = arith.constant true
        %reduce_max3A_307 = vector.broadcast %reduce_max3A_306 : i1 to vector<16xi1>
        %reduce_max3A_308 = arith.constant -2147483648 : i32
        %reduce_max3A_309 = vector.broadcast %reduce_max3A_308 : i32 to vector<16xi32>
        %reduce_max3A_310 = arith.xori %select_n3A, %reduce_max3A_309 : vector<16xi32>
        %reduce_max3A_311 = tpu.scan <max>, %reduce_max3A_310 masked %reduce_max3A_307 : vector<16xi32>, vector<16xi1> -> vector<16xi32>
        %reduce_max3A_312 = arith.xori %reduce_max3A_311, %reduce_max3A_309 : vector<16xi32>
        %reduce_max3A_313 = vector.extract %reduce_max3A_312[15] : i32 from vector<16xi32>
        %max3A_314 = arith.maxsi %scan3A_278, %reduce_max3A_313 : i32
        scf.yield %add3A_304, %max3A_314, %reduce_max3A_294 : i32, i32, i32
      }
      %scan3A_186 = arith.constant 64 : i32
      %sub3A = arith.constant 100000 : i32
      %sub3A_187 = arith.subi %sub3A, %scan3A_185#1 : i32
      %shift_left3A = arith.constant 0 : i32
      %shift_left3A_188 = arith.constant 10 : i32
      %shift_left3A_189 = arith.shli %shift_left3A, %shift_left3A_188 : i32
      %or3A = arith.ori %shift_left3A_189, %scan3A_185#0 : i32
      %scan3A_190 = arith.constant 0 : i32
      %scan3A_191 = arith.constant 0 : i32
      %scan3A_192 = arith.constant 1024 : i32
      %scan3A_193 = arith.addi %scan3A_191, %scan3A_192 : i32
      %scan3A_194 = arith.constant 1 : i32
      %scan3A_195 = scf.for %scan3A_276 = %scan3A_191 to %scan3A_193 step %scan3A_194 iter_args(%scan3A_277 = %scan3A_190) -> (i32)  : i32 {
        %broadcast_in_dim3A_278 = arith.constant 0 : i32
        %broadcast_in_dim3A_279 = vector.broadcast %broadcast_in_dim3A_278 : i32 to vector<16xi32>
        %mul3A_280 = arith.constant 16 : i32
        %mul3A_281 = arith.muli %scan3A_276, %mul3A_280 : i32
        %swap3A_282 = arith.index_cast %mul3A_281 : i32 to index
        %swap3A_283 = tpu.vector_load %arg7[%swap3A_282] {strides = array<i32>} : memref<16384xi32, #tpu.memory_space<vmem>>, vector<16xi32>,
        tpu.vector_store %arg7[%swap3A_282], %broadcast_in_dim3A_279 {strides = array<i32>} : memref<16384xi32, #tpu.memory_space<vmem>>, vector<16xi32>,
        %scan3A_284 = arith.constant 0 : i32
        scf.yield %scan3A_284 : i32
      }
      %scan3A_196 = arith.constant 1024 : i32
      %scan3A_197 = arith.constant 0 : i32
      %scan3A_198 = arith.constant 0 : i32
      %scan3A_199 = arith.constant 4096 : i32
      %scan3A_200 = arith.addi %scan3A_198, %scan3A_199 : i32
      %scan3A_201 = arith.constant 1 : i32
      %scan3A_202 = scf.for %scan3A_276 = %scan3A_198 to %scan3A_200 step %scan3A_201 iter_args(%scan3A_277 = %scan3A_197) -> (i32)  : i32 {
        %mul3A_278 = arith.constant 16 : i32
        %mul3A_279 = arith.muli %scan3A_276, %mul3A_278 : i32
        %get3A_280 = arith.index_cast %mul3A_279 : i32 to index
        %get3A_281 = tpu.vector_load %arg5[%get3A_280] {strides = array<i32>} : memref<65536xi32, #tpu.memory_space<vmem>>, vector<16xi32>,
        %shift_right_arithmetic3A = arith.constant 10 : i32
        %shift_right_arithmetic3A_282 = vector.broadcast %shift_right_arithmetic3A : i32 to vector<16xi32>
        %shift_right_arithmetic3A_283 = arith.shrsi %get3A_281, %shift_right_arithmetic3A_282 : vector<16xi32>
        %and3A = arith.constant 1023 : i32
        %and3A_284 = vector.broadcast %and3A : i32 to vector<16xi32>
        %and3A_285 = arith.andi %shift_right_arithmetic3A_283, %and3A_284 : vector<16xi32>
        %mul3A_286 = arith.constant 1024 : i32
        %mul3A_287 = vector.broadcast %mul3A_286 : i32 to vector<16xi32>
        %mul3A_288 = arith.muli %iota3A, %mul3A_287 : vector<16xi32>
        %add3A_289 = arith.addi %mul3A_288, %and3A_285 : vector<16xi32>
        %shift_right_arithmetic3A_290 = arith.constant 20 : i32
        %shift_right_arithmetic3A_291 = vector.broadcast %shift_right_arithmetic3A_290 : i32 to vector<16xi32>
        %shift_right_arithmetic3A_292 = arith.shrsi %get3A_281, %shift_right_arithmetic3A_291 : vector<16xi32>
        %eq3A_293 = vector.broadcast %or3A : i32 to vector<16xi32>
        %eq3A_294 = arith.cmpi eq, %shift_right_arithmetic3A_292, %eq3A_293 : vector<16xi32>
        tpu.vector_store_idx %arg7[%add3A_289], %broadcast_in_dim3A_1 masked %eq3A_294 {add = true} : memref<16384xi32, #tpu.memory_space<vmem>>[vector<16xi32>], vector<16xi32>, vector<16xi1>
        %scan3A_295 = arith.constant 0 : i32
        scf.yield %scan3A_295 : i32
      }
      %scan3A_203 = arith.constant 4096 : i32
      %scan3A_204 = arith.constant 0 : i32
      %scan3A_205 = arith.constant 0 : i32
      %scan3A_206 = arith.constant 64 : i32
      %scan3A_207 = arith.addi %scan3A_205, %scan3A_206 : i32
      %scan3A_208 = arith.constant 1 : i32
      %scan3A_209 = scf.for %scan3A_276 = %scan3A_205 to %scan3A_207 step %scan3A_208 iter_args(%scan3A_277 = %scan3A_204) -> (i32)  : i32 {
        %mul3A_278 = arith.constant 16 : i32
        %mul3A_279 = arith.muli %scan3A_276, %mul3A_278 : i32
        %get3A_280 = arith.index_cast %mul3A_279 : i32 to index
        %get3A_281 = tpu.vector_load %arg7[%get3A_280] {strides = array<i32>} : memref<16384xi32, #tpu.memory_space<vmem>>, vector<16xi32>,
        %mul3A_282 = arith.constant 16 : i32
        %mul3A_283 = arith.muli %scan3A_276, %mul3A_282 : i32
        %add3A_284 = arith.constant 1024 : i32
        %add3A_285 = arith.addi %add3A_284, %mul3A_283 : i32
        %get3A_286 = arith.index_cast %add3A_285 : i32 to index
        %get3A_287 = tpu.vector_load %arg7[%get3A_286] {strides = array<i32>} : memref<16384xi32, #tpu.memory_space<vmem>>, vector<16xi32>,
        %add3A_288 = arith.addi %get3A_281, %get3A_287 : vector<16xi32>
        %mul3A_289 = arith.constant 16 : i32
        %mul3A_290 = arith.muli %scan3A_276, %mul3A_289 : i32
        %add3A_291 = arith.constant 2048 : i32
        %add3A_292 = arith.addi %add3A_291, %mul3A_290 : i32
        %get3A_293 = arith.index_cast %add3A_292 : i32 to index
        %get3A_294 = tpu.vector_load %arg7[%get3A_293] {strides = array<i32>} : memref<16384xi32, #tpu.memory_space<vmem>>, vector<16xi32>,
        %add3A_295 = arith.addi %add3A_288, %get3A_294 : vector<16xi32>
        %mul3A_296 = arith.constant 16 : i32
        %mul3A_297 = arith.muli %scan3A_276, %mul3A_296 : i32
        %add3A_298 = arith.constant 3072 : i32
        %add3A_299 = arith.addi %add3A_298, %mul3A_297 : i32
        %get3A_300 = arith.index_cast %add3A_299 : i32 to index
        %get3A_301 = tpu.vector_load %arg7[%get3A_300] {strides = array<i32>} : memref<16384xi32, #tpu.memory_space<vmem>>, vector<16xi32>,
        %add3A_302 = arith.addi %add3A_295, %get3A_301 : vector<16xi32>
        %mul3A_303 = arith.constant 16 : i32
        %mul3A_304 = arith.muli %scan3A_276, %mul3A_303 : i32
        %add3A_305 = arith.constant 4096 : i32
        %add3A_306 = arith.addi %add3A_305, %mul3A_304 : i32
        %get3A_307 = arith.index_cast %add3A_306 : i32 to index
        %get3A_308 = tpu.vector_load %arg7[%get3A_307] {strides = array<i32>} : memref<16384xi32, #tpu.memory_space<vmem>>, vector<16xi32>,
        %add3A_309 = arith.addi %add3A_302, %get3A_308 : vector<16xi32>
        %mul3A_310 = arith.constant 16 : i32
        %mul3A_311 = arith.muli %scan3A_276, %mul3A_310 : i32
        %add3A_312 = arith.constant 5120 : i32
        %add3A_313 = arith.addi %add3A_312, %mul3A_311 : i32
        %get3A_314 = arith.index_cast %add3A_313 : i32 to index
        %get3A_315 = tpu.vector_load %arg7[%get3A_314] {strides = array<i32>} : memref<16384xi32, #tpu.memory_space<vmem>>, vector<16xi32>,
        %add3A_316 = arith.addi %add3A_309, %get3A_315 : vector<16xi32>
        %mul3A_317 = arith.constant 16 : i32
        %mul3A_318 = arith.muli %scan3A_276, %mul3A_317 : i32
        %add3A_319 = arith.constant 6144 : i32
        %add3A_320 = arith.addi %add3A_319, %mul3A_318 : i32
        %get3A_321 = arith.index_cast %add3A_320 : i32 to index
        %get3A_322 = tpu.vector_load %arg7[%get3A_321] {strides = array<i32>} : memref<16384xi32, #tpu.memory_space<vmem>>, vector<16xi32>,
        %add3A_323 = arith.addi %add3A_316, %get3A_322 : vector<16xi32>
        %mul3A_324 = arith.constant 16 : i32
        %mul3A_325 = arith.muli %scan3A_276, %mul3A_324 : i32
        %add3A_326 = arith.constant 7168 : i32
        %add3A_327 = arith.addi %add3A_326, %mul3A_325 : i32
        %get3A_328 = arith.index_cast %add3A_327 : i32 to index
        %get3A_329 = tpu.vector_load %arg7[%get3A_328] {strides = array<i32>} : memref<16384xi32, #tpu.memory_space<vmem>>, vector<16xi32>,
        %add3A_330 = arith.addi %add3A_323, %get3A_329 : vector<16xi32>
        %mul3A_331 = arith.constant 16 : i32
        %mul3A_332 = arith.muli %scan3A_276, %mul3A_331 : i32
        %add3A_333 = arith.constant 8192 : i32
        %add3A_334 = arith.addi %add3A_333, %mul3A_332 : i32
        %get3A_335 = arith.index_cast %add3A_334 : i32 to index
        %get3A_336 = tpu.vector_load %arg7[%get3A_335] {strides = array<i32>} : memref<16384xi32, #tpu.memory_space<vmem>>, vector<16xi32>,
        %add3A_337 = arith.addi %add3A_330, %get3A_336 : vector<16xi32>
        %mul3A_338 = arith.constant 16 : i32
        %mul3A_339 = arith.muli %scan3A_276, %mul3A_338 : i32
        %add3A_340 = arith.constant 9216 : i32
        %add3A_341 = arith.addi %add3A_340, %mul3A_339 : i32
        %get3A_342 = arith.index_cast %add3A_341 : i32 to index
        %get3A_343 = tpu.vector_load %arg7[%get3A_342] {strides = array<i32>} : memref<16384xi32, #tpu.memory_space<vmem>>, vector<16xi32>,
        %add3A_344 = arith.addi %add3A_337, %get3A_343 : vector<16xi32>
        %mul3A_345 = arith.constant 16 : i32
        %mul3A_346 = arith.muli %scan3A_276, %mul3A_345 : i32
        %add3A_347 = arith.constant 10240 : i32
        %add3A_348 = arith.addi %add3A_347, %mul3A_346 : i32
        %get3A_349 = arith.index_cast %add3A_348 : i32 to index
        %get3A_350 = tpu.vector_load %arg7[%get3A_349] {strides = array<i32>} : memref<16384xi32, #tpu.memory_space<vmem>>, vector<16xi32>,
        %add3A_351 = arith.addi %add3A_344, %get3A_350 : vector<16xi32>
        %mul3A_352 = arith.constant 16 : i32
        %mul3A_353 = arith.muli %scan3A_276, %mul3A_352 : i32
        %add3A_354 = arith.constant 11264 : i32
        %add3A_355 = arith.addi %add3A_354, %mul3A_353 : i32
        %get3A_356 = arith.index_cast %add3A_355 : i32 to index
        %get3A_357 = tpu.vector_load %arg7[%get3A_356] {strides = array<i32>} : memref<16384xi32, #tpu.memory_space<vmem>>, vector<16xi32>,
        %add3A_358 = arith.addi %add3A_351, %get3A_357 : vector<16xi32>
        %mul3A_359 = arith.constant 16 : i32
        %mul3A_360 = arith.muli %scan3A_276, %mul3A_359 : i32
        %add3A_361 = arith.constant 12288 : i32
        %add3A_362 = arith.addi %add3A_361, %mul3A_360 : i32
        %get3A_363 = arith.index_cast %add3A_362 : i32 to index
        %get3A_364 = tpu.vector_load %arg7[%get3A_363] {strides = array<i32>} : memref<16384xi32, #tpu.memory_space<vmem>>, vector<16xi32>,
        %add3A_365 = arith.addi %add3A_358, %get3A_364 : vector<16xi32>
        %mul3A_366 = arith.constant 16 : i32
        %mul3A_367 = arith.muli %scan3A_276, %mul3A_366 : i32
        %add3A_368 = arith.constant 13312 : i32
        %add3A_369 = arith.addi %add3A_368, %mul3A_367 : i32
        %get3A_370 = arith.index_cast %add3A_369 : i32 to index
        %get3A_371 = tpu.vector_load %arg7[%get3A_370] {strides = array<i32>} : memref<16384xi32, #tpu.memory_space<vmem>>, vector<16xi32>,
        %add3A_372 = arith.addi %add3A_365, %get3A_371 : vector<16xi32>
        %mul3A_373 = arith.constant 16 : i32
        %mul3A_374 = arith.muli %scan3A_276, %mul3A_373 : i32
        %add3A_375 = arith.constant 14336 : i32
        %add3A_376 = arith.addi %add3A_375, %mul3A_374 : i32
        %get3A_377 = arith.index_cast %add3A_376 : i32 to index
        %get3A_378 = tpu.vector_load %arg7[%get3A_377] {strides = array<i32>} : memref<16384xi32, #tpu.memory_space<vmem>>, vector<16xi32>,
        %add3A_379 = arith.addi %add3A_372, %get3A_378 : vector<16xi32>
        %mul3A_380 = arith.constant 16 : i32
        %mul3A_381 = arith.muli %scan3A_276, %mul3A_380 : i32
        %add3A_382 = arith.constant 15360 : i32
        %add3A_383 = arith.addi %add3A_382, %mul3A_381 : i32
        %get3A_384 = arith.index_cast %add3A_383 : i32 to index
        %get3A_385 = tpu.vector_load %arg7[%get3A_384] {strides = array<i32>} : memref<16384xi32, #tpu.memory_space<vmem>>, vector<16xi32>,
        %add3A_386 = arith.addi %add3A_379, %get3A_385 : vector<16xi32>
        %mul3A_387 = arith.constant 16 : i32
        %mul3A_388 = arith.muli %scan3A_276, %mul3A_387 : i32
        %swap3A_389 = arith.index_cast %mul3A_388 : i32 to index
        %swap3A_390 = tpu.vector_load %arg9[%swap3A_389] {strides = array<i32>} : memref<1024xi32, #tpu.memory_space<vmem>>, vector<16xi32>,
        tpu.vector_store %arg9[%swap3A_389], %add3A_386 {strides = array<i32>} : memref<1024xi32, #tpu.memory_space<vmem>>, vector<16xi32>,
        %scan3A_391 = arith.constant 0 : i32
        scf.yield %scan3A_391 : i32
      }
      %scan3A_210 = arith.constant 64 : i32
      "tpu.region"() ({
        %run_scoped3A_276 = tpu.sem_alloc : memref<!tpu.dma_semaphore, #tpu.memory_space<semaphore_mem>>
        %dma_start3A = arith.constant 0 : i32
        %dma_start3A_277 = tpu.memref_slice %arg14[%arg1, %dma_start3A] : memref<16x1024xi32, #tpu.memory_space<vmem_shared>> -> memref<1x1024xi32, #tpu.memory_space<vmem_shared>>
        %dma_start3A_278 = tpu.memref_squeeze %dma_start3A_277 : memref<1x1024xi32, #tpu.memory_space<vmem_shared>> -> memref<1024xi32, #tpu.memory_space<vmem_shared>>
        %dma_start3A_279 = arith.constant 0 : i32
        %dma_start3A_280 = tpu.memref_slice %arg14[%arg1, %dma_start3A_279] : memref<16x1024xi32, #tpu.memory_space<vmem_shared>> -> memref<1x1024xi32, #tpu.memory_space<vmem_shared>>
        %dma_start3A_281 = tpu.memref_squeeze %dma_start3A_280 : memref<1x1024xi32, #tpu.memory_space<vmem_shared>> -> memref<1024xi32, #tpu.memory_space<vmem_shared>>
        tpu.enqueue_dma source(%arg9 : memref<1024xi32, #tpu.memory_space<vmem>>) target(%dma_start3A_281 : memref<1024xi32, #tpu.memory_space<vmem_shared>>) target_semaphore(%run_scoped3A_276 : memref<!tpu.dma_semaphore, #tpu.memory_space<semaphore_mem>>)
        %dma_wait3A = arith.constant 0 : i32
        %dma_wait3A_282 = tpu.memref_slice %arg14[%arg1, %dma_wait3A] : memref<16x1024xi32, #tpu.memory_space<vmem_shared>> -> memref<1x1024xi32, #tpu.memory_space<vmem_shared>>
        %dma_wait3A_283 = tpu.memref_squeeze %dma_wait3A_282 : memref<1x1024xi32, #tpu.memory_space<vmem_shared>> -> memref<1024xi32, #tpu.memory_space<vmem_shared>>
        %dma_wait3A_284 = arith.constant 0 : i32
        %dma_wait3A_285 = tpu.memref_slice %arg14[%arg1, %dma_wait3A_284] : memref<16x1024xi32, #tpu.memory_space<vmem_shared>> -> memref<1x1024xi32, #tpu.memory_space<vmem_shared>>
        %dma_wait3A_286 = tpu.memref_squeeze %dma_wait3A_285 : memref<1x1024xi32, #tpu.memory_space<vmem_shared>> -> memref<1024xi32, #tpu.memory_space<vmem_shared>>
        tpu.wait_dma2 semaphore(%run_scoped3A_276 : memref<!tpu.dma_semaphore, #tpu.memory_space<semaphore_mem>>) src(%arg9 : memref<1024xi32, #tpu.memory_space<vmem>>) dst(%dma_wait3A_286 : memref<1024xi32, #tpu.memory_space<vmem_shared>>)
        tpu.yield
      }) : () -> ()
      %barrier3A_211 = arith.constant 0 : index
      tpu.barrier barrier_id(%barrier3A_211)
      "tpu.region"() ({
        %run_scoped3A_276 = tpu.sem_alloc : memref<!tpu.dma_semaphore, #tpu.memory_space<semaphore_mem>>
        tpu.enqueue_dma source(%arg14 : memref<16x1024xi32, #tpu.memory_space<vmem_shared>>) target(%arg8 : memref<16x1024xi32, #tpu.memory_space<vmem>>) target_semaphore(%run_scoped3A_276 : memref<!tpu.dma_semaphore, #tpu.memory_space<semaphore_mem>>)
        tpu.wait_dma2 semaphore(%run_scoped3A_276 : memref<!tpu.dma_semaphore, #tpu.memory_space<semaphore_mem>>) src(%arg14 : memref<16x1024xi32, #tpu.memory_space<vmem_shared>>) dst(%arg8 : memref<16x1024xi32, #tpu.memory_space<vmem>>)
        tpu.yield
      }) : () -> ()
      %barrier3A_212 = arith.constant 0 : index
      tpu.barrier barrier_id(%barrier3A_212)
      %scan3A_213 = arith.constant 0 : i32
      %scan3A_214 = arith.constant 0 : i32
      %scan3A_215 = arith.constant 64 : i32
      %scan3A_216 = arith.addi %scan3A_214, %scan3A_215 : i32
      %scan3A_217 = arith.constant 1 : i32
      %scan3A_218 = scf.for %scan3A_276 = %scan3A_214 to %scan3A_216 step %scan3A_217 iter_args(%scan3A_277 = %scan3A_213) -> (i32)  : i32 {
        %mul3A_278 = arith.constant 16 : i32
        %mul3A_279 = arith.muli %scan3A_276, %mul3A_278 : i32
        %get3A_280 = arith.constant 0 : i32
        %get3A_281 = arith.index_cast %get3A_280 : i32 to index
        %get3A_282 = arith.index_cast %mul3A_279 : i32 to index
        %get3A_283 = tpu.vector_load %arg8[%get3A_281, %get3A_282] {strides = array<i32>} : memref<16x1024xi32, #tpu.memory_space<vmem>>, vector<16xi32>,
        %mul3A_284 = arith.constant 16 : i32
        %mul3A_285 = arith.muli %scan3A_276, %mul3A_284 : i32
        %get3A_286 = arith.constant 1 : i32
        %get3A_287 = arith.index_cast %get3A_286 : i32 to index
        %get3A_288 = arith.index_cast %mul3A_285 : i32 to index
        %get3A_289 = tpu.vector_load %arg8[%get3A_287, %get3A_288] {strides = array<i32>} : memref<16x1024xi32, #tpu.memory_space<vmem>>, vector<16xi32>,
        %add3A_290 = arith.addi %get3A_283, %get3A_289 : vector<16xi32>
        %mul3A_291 = arith.constant 16 : i32
        %mul3A_292 = arith.muli %scan3A_276, %mul3A_291 : i32
        %get3A_293 = arith.constant 2 : i32
        %get3A_294 = arith.index_cast %get3A_293 : i32 to index
        %get3A_295 = arith.index_cast %mul3A_292 : i32 to index
        %get3A_296 = tpu.vector_load %arg8[%get3A_294, %get3A_295] {strides = array<i32>} : memref<16x1024xi32, #tpu.memory_space<vmem>>, vector<16xi32>,
        %add3A_297 = arith.addi %add3A_290, %get3A_296 : vector<16xi32>
        %mul3A_298 = arith.constant 16 : i32
        %mul3A_299 = arith.muli %scan3A_276, %mul3A_298 : i32
        %get3A_300 = arith.constant 3 : i32
        %get3A_301 = arith.index_cast %get3A_300 : i32 to index
        %get3A_302 = arith.index_cast %mul3A_299 : i32 to index
        %get3A_303 = tpu.vector_load %arg8[%get3A_301, %get3A_302] {strides = array<i32>} : memref<16x1024xi32, #tpu.memory_space<vmem>>, vector<16xi32>,
        %add3A_304 = arith.addi %add3A_297, %get3A_303 : vector<16xi32>
        %mul3A_305 = arith.constant 16 : i32
        %mul3A_306 = arith.muli %scan3A_276, %mul3A_305 : i32
        %get3A_307 = arith.constant 4 : i32
        %get3A_308 = arith.index_cast %get3A_307 : i32 to index
        %get3A_309 = arith.index_cast %mul3A_306 : i32 to index
        %get3A_310 = tpu.vector_load %arg8[%get3A_308, %get3A_309] {strides = array<i32>} : memref<16x1024xi32, #tpu.memory_space<vmem>>, vector<16xi32>,
        %add3A_311 = arith.addi %add3A_304, %get3A_310 : vector<16xi32>
        %mul3A_312 = arith.constant 16 : i32
        %mul3A_313 = arith.muli %scan3A_276, %mul3A_312 : i32
        %get3A_314 = arith.constant 5 : i32
        %get3A_315 = arith.index_cast %get3A_314 : i32 to index
        %get3A_316 = arith.index_cast %mul3A_313 : i32 to index
        %get3A_317 = tpu.vector_load %arg8[%get3A_315, %get3A_316] {strides = array<i32>} : memref<16x1024xi32, #tpu.memory_space<vmem>>, vector<16xi32>,
        %add3A_318 = arith.addi %add3A_311, %get3A_317 : vector<16xi32>
        %mul3A_319 = arith.constant 16 : i32
        %mul3A_320 = arith.muli %scan3A_276, %mul3A_319 : i32
        %get3A_321 = arith.constant 6 : i32
        %get3A_322 = arith.index_cast %get3A_321 : i32 to index
        %get3A_323 = arith.index_cast %mul3A_320 : i32 to index
        %get3A_324 = tpu.vector_load %arg8[%get3A_322, %get3A_323] {strides = array<i32>} : memref<16x1024xi32, #tpu.memory_space<vmem>>, vector<16xi32>,
        %add3A_325 = arith.addi %add3A_318, %get3A_324 : vector<16xi32>
        %mul3A_326 = arith.constant 16 : i32
        %mul3A_327 = arith.muli %scan3A_276, %mul3A_326 : i32
        %get3A_328 = arith.constant 7 : i32
        %get3A_329 = arith.index_cast %get3A_328 : i32 to index
        %get3A_330 = arith.index_cast %mul3A_327 : i32 to index
        %get3A_331 = tpu.vector_load %arg8[%get3A_329, %get3A_330] {strides = array<i32>} : memref<16x1024xi32, #tpu.memory_space<vmem>>, vector<16xi32>,
        %add3A_332 = arith.addi %add3A_325, %get3A_331 : vector<16xi32>
        %mul3A_333 = arith.constant 16 : i32
        %mul3A_334 = arith.muli %scan3A_276, %mul3A_333 : i32
        %get3A_335 = arith.constant 8 : i32
        %get3A_336 = arith.index_cast %get3A_335 : i32 to index
        %get3A_337 = arith.index_cast %mul3A_334 : i32 to index
        %get3A_338 = tpu.vector_load %arg8[%get3A_336, %get3A_337] {strides = array<i32>} : memref<16x1024xi32, #tpu.memory_space<vmem>>, vector<16xi32>,
        %add3A_339 = arith.addi %add3A_332, %get3A_338 : vector<16xi32>
        %mul3A_340 = arith.constant 16 : i32
        %mul3A_341 = arith.muli %scan3A_276, %mul3A_340 : i32
        %get3A_342 = arith.constant 9 : i32
        %get3A_343 = arith.index_cast %get3A_342 : i32 to index
        %get3A_344 = arith.index_cast %mul3A_341 : i32 to index
        %get3A_345 = tpu.vector_load %arg8[%get3A_343, %get3A_344] {strides = array<i32>} : memref<16x1024xi32, #tpu.memory_space<vmem>>, vector<16xi32>,
        %add3A_346 = arith.addi %add3A_339, %get3A_345 : vector<16xi32>
        %mul3A_347 = arith.constant 16 : i32
        %mul3A_348 = arith.muli %scan3A_276, %mul3A_347 : i32
        %get3A_349 = arith.constant 10 : i32
        %get3A_350 = arith.index_cast %get3A_349 : i32 to index
        %get3A_351 = arith.index_cast %mul3A_348 : i32 to index
        %get3A_352 = tpu.vector_load %arg8[%get3A_350, %get3A_351] {strides = array<i32>} : memref<16x1024xi32, #tpu.memory_space<vmem>>, vector<16xi32>,
        %add3A_353 = arith.addi %add3A_346, %get3A_352 : vector<16xi32>
        %mul3A_354 = arith.constant 16 : i32
        %mul3A_355 = arith.muli %scan3A_276, %mul3A_354 : i32
        %get3A_356 = arith.constant 11 : i32
        %get3A_357 = arith.index_cast %get3A_356 : i32 to index
        %get3A_358 = arith.index_cast %mul3A_355 : i32 to index
        %get3A_359 = tpu.vector_load %arg8[%get3A_357, %get3A_358] {strides = array<i32>} : memref<16x1024xi32, #tpu.memory_space<vmem>>, vector<16xi32>,
        %add3A_360 = arith.addi %add3A_353, %get3A_359 : vector<16xi32>
        %mul3A_361 = arith.constant 16 : i32
        %mul3A_362 = arith.muli %scan3A_276, %mul3A_361 : i32
        %get3A_363 = arith.constant 12 : i32
        %get3A_364 = arith.index_cast %get3A_363 : i32 to index
        %get3A_365 = arith.index_cast %mul3A_362 : i32 to index
        %get3A_366 = tpu.vector_load %arg8[%get3A_364, %get3A_365] {strides = array<i32>} : memref<16x1024xi32, #tpu.memory_space<vmem>>, vector<16xi32>,
        %add3A_367 = arith.addi %add3A_360, %get3A_366 : vector<16xi32>
        %mul3A_368 = arith.constant 16 : i32
        %mul3A_369 = arith.muli %scan3A_276, %mul3A_368 : i32
        %get3A_370 = arith.constant 13 : i32
        %get3A_371 = arith.index_cast %get3A_370 : i32 to index
        %get3A_372 = arith.index_cast %mul3A_369 : i32 to index
        %get3A_373 = tpu.vector_load %arg8[%get3A_371, %get3A_372] {strides = array<i32>} : memref<16x1024xi32, #tpu.memory_space<vmem>>, vector<16xi32>,
        %add3A_374 = arith.addi %add3A_367, %get3A_373 : vector<16xi32>
        %mul3A_375 = arith.constant 16 : i32
        %mul3A_376 = arith.muli %scan3A_276, %mul3A_375 : i32
        %get3A_377 = arith.constant 14 : i32
        %get3A_378 = arith.index_cast %get3A_377 : i32 to index
        %get3A_379 = arith.index_cast %mul3A_376 : i32 to index
        %get3A_380 = tpu.vector_load %arg8[%get3A_378, %get3A_379] {strides = array<i32>} : memref<16x1024xi32, #tpu.memory_space<vmem>>, vector<16xi32>,
        %add3A_381 = arith.addi %add3A_374, %get3A_380 : vector<16xi32>
        %mul3A_382 = arith.constant 16 : i32
        %mul3A_383 = arith.muli %scan3A_276, %mul3A_382 : i32
        %get3A_384 = arith.constant 15 : i32
        %get3A_385 = arith.index_cast %get3A_384 : i32 to index
        %get3A_386 = arith.index_cast %mul3A_383 : i32 to index
        %get3A_387 = tpu.vector_load %arg8[%get3A_385, %get3A_386] {strides = array<i32>} : memref<16x1024xi32, #tpu.memory_space<vmem>>, vector<16xi32>,
        %add3A_388 = arith.addi %add3A_381, %get3A_387 : vector<16xi32>
        %mul3A_389 = arith.constant 16 : i32
        %mul3A_390 = arith.muli %scan3A_276, %mul3A_389 : i32
        %swap3A_391 = arith.index_cast %mul3A_390 : i32 to index
        %swap3A_392 = tpu.vector_load %arg9[%swap3A_391] {strides = array<i32>} : memref<1024xi32, #tpu.memory_space<vmem>>, vector<16xi32>,
        tpu.vector_store %arg9[%swap3A_391], %add3A_388 {strides = array<i32>} : memref<1024xi32, #tpu.memory_space<vmem>>, vector<16xi32>,
        %scan3A_393 = arith.constant 0 : i32
        scf.yield %scan3A_393 : i32
      }
      %scan3A_219 = arith.constant 64 : i32
      %scan3A_220 = arith.constant 0 : i32
      %scan3A_221 = arith.constant 0 : i32
      %scan3A_222 = arith.constant 0 : i32
      %scan3A_223 = arith.constant 0 : i32
      %scan3A_224 = arith.constant 64 : i32
      %scan3A_225 = arith.addi %scan3A_223, %scan3A_224 : i32
      %scan3A_226 = arith.constant 1 : i32
      %scan3A_227:3 = scf.for %scan3A_276 = %scan3A_223 to %scan3A_225 step %scan3A_226 iter_args(%scan3A_277 = %scan3A_220, %scan3A_278 = %scan3A_221, %scan3A_279 = %scan3A_222) -> (i32, i32, i32)  : i32 {
        %mul3A_280 = arith.constant 16 : i32
        %mul3A_281 = arith.muli %scan3A_276, %mul3A_280 : i32
        %get3A_282 = arith.index_cast %mul3A_281 : i32 to index
        %get3A_283 = tpu.vector_load %arg9[%get3A_282] {strides = array<i32>} : memref<1024xi32, #tpu.memory_space<vmem>>, vector<16xi32>,
        %broadcast_in_dim3A_284 = arith.constant true
        %broadcast_in_dim3A_285 = vector.broadcast %broadcast_in_dim3A_284 : i1 to vector<16xi1>
        %masked_cumsum3A = tpu.scan <sum>, %get3A_283 masked %broadcast_in_dim3A_285 : vector<16xi32>, vector<16xi1> -> vector<16xi32>
        %add3A_286 = vector.broadcast %scan3A_279 : i32 to vector<16xi32>
        %add3A_287 = arith.addi %masked_cumsum3A, %add3A_286 : vector<16xi32>
        %reduce_max3A = arith.constant true
        %reduce_max3A_288 = vector.broadcast %reduce_max3A : i1 to vector<16xi1>
        %reduce_max3A_289 = arith.constant -2147483648 : i32
        %reduce_max3A_290 = vector.broadcast %reduce_max3A_289 : i32 to vector<16xi32>
        %reduce_max3A_291 = arith.xori %add3A_287, %reduce_max3A_290 : vector<16xi32>
        %reduce_max3A_292 = tpu.scan <max>, %reduce_max3A_291 masked %reduce_max3A_288 : vector<16xi32>, vector<16xi1> -> vector<16xi32>
        %reduce_max3A_293 = arith.xori %reduce_max3A_292, %reduce_max3A_290 : vector<16xi32>
        %reduce_max3A_294 = vector.extract %reduce_max3A_293[15] : i32 from vector<16xi32>
        %le3A = vector.broadcast %sub3A_187 : i32 to vector<16xi32>
        %le3A_295 = arith.cmpi sle, %add3A_287, %le3A : vector<16xi32>
        %all_reduce_population_count3A = tpu.all_reduce %le3A_295 {dim = 0 : i64, kind = #tpu.reduction_kind<sum>} : vector<16xi1> -> vector<16xi32>
        %reduce_max3A_296 = arith.constant true
        %reduce_max3A_297 = vector.broadcast %reduce_max3A_296 : i1 to vector<16xi1>
        %reduce_max3A_298 = arith.constant -2147483648 : i32
        %reduce_max3A_299 = vector.broadcast %reduce_max3A_298 : i32 to vector<16xi32>
        %reduce_max3A_300 = arith.xori %all_reduce_population_count3A, %reduce_max3A_299 : vector<16xi32>
        %reduce_max3A_301 = tpu.scan <max>, %reduce_max3A_300 masked %reduce_max3A_297 : vector<16xi32>, vector<16xi1> -> vector<16xi32>
        %reduce_max3A_302 = arith.xori %reduce_max3A_301, %reduce_max3A_299 : vector<16xi32>
        %reduce_max3A_303 = vector.extract %reduce_max3A_302[15] : i32 from vector<16xi32>
        %add3A_304 = arith.addi %scan3A_277, %reduce_max3A_303 : i32
        %jit3A = arith.constant 0 : i32
        %broadcast_in_dim3A_305 = vector.broadcast %jit3A : i32 to vector<16xi32>
        %select_n3A = arith.select %le3A_295, %add3A_287, %broadcast_in_dim3A_305 : vector<16xi1>, vector<16xi32>
        %reduce_max3A_306 = arith.constant true
        %reduce_max3A_307 = vector.broadcast %reduce_max3A_306 : i1 to vector<16xi1>
        %reduce_max3A_308 = arith.constant -2147483648 : i32
        %reduce_max3A_309 = vector.broadcast %reduce_max3A_308 : i32 to vector<16xi32>
        %reduce_max3A_310 = arith.xori %select_n3A, %reduce_max3A_309 : vector<16xi32>
        %reduce_max3A_311 = tpu.scan <max>, %reduce_max3A_310 masked %reduce_max3A_307 : vector<16xi32>, vector<16xi1> -> vector<16xi32>
        %reduce_max3A_312 = arith.xori %reduce_max3A_311, %reduce_max3A_309 : vector<16xi32>
        %reduce_max3A_313 = vector.extract %reduce_max3A_312[15] : i32 from vector<16xi32>
        %max3A_314 = arith.maxsi %scan3A_278, %reduce_max3A_313 : i32
        scf.yield %add3A_304, %max3A_314, %reduce_max3A_294 : i32, i32, i32
      }
      %scan3A_228 = arith.constant 64 : i32
      %sub3A_229 = arith.subi %sub3A_187, %scan3A_227#1 : i32
      %shift_left3A_230 = arith.constant 10 : i32
      %shift_left3A_231 = arith.shli %or3A, %shift_left3A_230 : i32
      %or3A_232 = arith.ori %shift_left3A_231, %scan3A_227#0 : i32
      %scan3A_233 = arith.constant 0 : i32
      %scan3A_234 = arith.constant 0 : i32
      %scan3A_235 = arith.constant 1024 : i32
      %scan3A_236 = arith.addi %scan3A_234, %scan3A_235 : i32
      %scan3A_237 = arith.constant 1 : i32
      %scan3A_238 = scf.for %scan3A_276 = %scan3A_234 to %scan3A_236 step %scan3A_237 iter_args(%scan3A_277 = %scan3A_233) -> (i32)  : i32 {
        %broadcast_in_dim3A_278 = arith.constant 0 : i32
        %broadcast_in_dim3A_279 = vector.broadcast %broadcast_in_dim3A_278 : i32 to vector<16xi32>
        %mul3A_280 = arith.constant 16 : i32
        %mul3A_281 = arith.muli %scan3A_276, %mul3A_280 : i32
        %swap3A_282 = arith.index_cast %mul3A_281 : i32 to index
        %swap3A_283 = tpu.vector_load %arg7[%swap3A_282] {strides = array<i32>} : memref<16384xi32, #tpu.memory_space<vmem>>, vector<16xi32>,
        tpu.vector_store %arg7[%swap3A_282], %broadcast_in_dim3A_279 {strides = array<i32>} : memref<16384xi32, #tpu.memory_space<vmem>>, vector<16xi32>,
        %scan3A_284 = arith.constant 0 : i32
        scf.yield %scan3A_284 : i32
      }
      %scan3A_239 = arith.constant 1024 : i32
      %scan3A_240 = arith.constant 0 : i32
      %scan3A_241 = arith.constant 0 : i32
      %scan3A_242 = arith.constant 4096 : i32
      %scan3A_243 = arith.addi %scan3A_241, %scan3A_242 : i32
      %scan3A_244 = arith.constant 1 : i32
      %scan3A_245 = scf.for %scan3A_276 = %scan3A_241 to %scan3A_243 step %scan3A_244 iter_args(%scan3A_277 = %scan3A_240) -> (i32)  : i32 {
        %mul3A_278 = arith.constant 16 : i32
        %mul3A_279 = arith.muli %scan3A_276, %mul3A_278 : i32
        %get3A_280 = arith.index_cast %mul3A_279 : i32 to index
        %get3A_281 = tpu.vector_load %arg5[%get3A_280] {strides = array<i32>} : memref<65536xi32, #tpu.memory_space<vmem>>, vector<16xi32>,
        %shift_right_arithmetic3A = arith.constant 0 : i32
        %shift_right_arithmetic3A_282 = vector.broadcast %shift_right_arithmetic3A : i32 to vector<16xi32>
        %shift_right_arithmetic3A_283 = arith.shrsi %get3A_281, %shift_right_arithmetic3A_282 : vector<16xi32>
        %and3A = arith.constant 1023 : i32
        %and3A_284 = vector.broadcast %and3A : i32 to vector<16xi32>
        %and3A_285 = arith.andi %shift_right_arithmetic3A_283, %and3A_284 : vector<16xi32>
        %mul3A_286 = arith.constant 1024 : i32
        %mul3A_287 = vector.broadcast %mul3A_286 : i32 to vector<16xi32>
        %mul3A_288 = arith.muli %iota3A, %mul3A_287 : vector<16xi32>
        %add3A_289 = arith.addi %mul3A_288, %and3A_285 : vector<16xi32>
        %shift_right_arithmetic3A_290 = arith.constant 10 : i32
        %shift_right_arithmetic3A_291 = vector.broadcast %shift_right_arithmetic3A_290 : i32 to vector<16xi32>
        %shift_right_arithmetic3A_292 = arith.shrsi %get3A_281, %shift_right_arithmetic3A_291 : vector<16xi32>
        %eq3A_293 = vector.broadcast %or3A_232 : i32 to vector<16xi32>
        %eq3A_294 = arith.cmpi eq, %shift_right_arithmetic3A_292, %eq3A_293 : vector<16xi32>
        tpu.vector_store_idx %arg7[%add3A_289], %broadcast_in_dim3A_1 masked %eq3A_294 {add = true} : memref<16384xi32, #tpu.memory_space<vmem>>[vector<16xi32>], vector<16xi32>, vector<16xi1>
        %scan3A_295 = arith.constant 0 : i32
        scf.yield %scan3A_295 : i32
      }
      %scan3A_246 = arith.constant 4096 : i32
      %scan3A_247 = arith.constant 0 : i32
      %scan3A_248 = arith.constant 0 : i32
      %scan3A_249 = arith.constant 64 : i32
      %scan3A_250 = arith.addi %scan3A_248, %scan3A_249 : i32
      %scan3A_251 = arith.constant 1 : i32
      %scan3A_252 = scf.for %scan3A_276 = %scan3A_248 to %scan3A_250 step %scan3A_251 iter_args(%scan3A_277 = %scan3A_247) -> (i32)  : i32 {
        %mul3A_278 = arith.constant 16 : i32
        %mul3A_279 = arith.muli %scan3A_276, %mul3A_278 : i32
        %get3A_280 = arith.index_cast %mul3A_279 : i32 to index
        %get3A_281 = tpu.vector_load %arg7[%get3A_280] {strides = array<i32>} : memref<16384xi32, #tpu.memory_space<vmem>>, vector<16xi32>,
        %mul3A_282 = arith.constant 16 : i32
        %mul3A_283 = arith.muli %scan3A_276, %mul3A_282 : i32
        %add3A_284 = arith.constant 1024 : i32
        %add3A_285 = arith.addi %add3A_284, %mul3A_283 : i32
        %get3A_286 = arith.index_cast %add3A_285 : i32 to index
        %get3A_287 = tpu.vector_load %arg7[%get3A_286] {strides = array<i32>} : memref<16384xi32, #tpu.memory_space<vmem>>, vector<16xi32>,
        %add3A_288 = arith.addi %get3A_281, %get3A_287 : vector<16xi32>
        %mul3A_289 = arith.constant 16 : i32
        %mul3A_290 = arith.muli %scan3A_276, %mul3A_289 : i32
        %add3A_291 = arith.constant 2048 : i32
        %add3A_292 = arith.addi %add3A_291, %mul3A_290 : i32
        %get3A_293 = arith.index_cast %add3A_292 : i32 to index
        %get3A_294 = tpu.vector_load %arg7[%get3A_293] {strides = array<i32>} : memref<16384xi32, #tpu.memory_space<vmem>>, vector<16xi32>,
        %add3A_295 = arith.addi %add3A_288, %get3A_294 : vector<16xi32>
        %mul3A_296 = arith.constant 16 : i32
        %mul3A_297 = arith.muli %scan3A_276, %mul3A_296 : i32
        %add3A_298 = arith.constant 3072 : i32
        %add3A_299 = arith.addi %add3A_298, %mul3A_297 : i32
        %get3A_300 = arith.index_cast %add3A_299 : i32 to index
        %get3A_301 = tpu.vector_load %arg7[%get3A_300] {strides = array<i32>} : memref<16384xi32, #tpu.memory_space<vmem>>, vector<16xi32>,
        %add3A_302 = arith.addi %add3A_295, %get3A_301 : vector<16xi32>
        %mul3A_303 = arith.constant 16 : i32
        %mul3A_304 = arith.muli %scan3A_276, %mul3A_303 : i32
        %add3A_305 = arith.constant 4096 : i32
        %add3A_306 = arith.addi %add3A_305, %mul3A_304 : i32
        %get3A_307 = arith.index_cast %add3A_306 : i32 to index
        %get3A_308 = tpu.vector_load %arg7[%get3A_307] {strides = array<i32>} : memref<16384xi32, #tpu.memory_space<vmem>>, vector<16xi32>,
        %add3A_309 = arith.addi %add3A_302, %get3A_308 : vector<16xi32>
        %mul3A_310 = arith.constant 16 : i32
        %mul3A_311 = arith.muli %scan3A_276, %mul3A_310 : i32
        %add3A_312 = arith.constant 5120 : i32
        %add3A_313 = arith.addi %add3A_312, %mul3A_311 : i32
        %get3A_314 = arith.index_cast %add3A_313 : i32 to index
        %get3A_315 = tpu.vector_load %arg7[%get3A_314] {strides = array<i32>} : memref<16384xi32, #tpu.memory_space<vmem>>, vector<16xi32>,
        %add3A_316 = arith.addi %add3A_309, %get3A_315 : vector<16xi32>
        %mul3A_317 = arith.constant 16 : i32
        %mul3A_318 = arith.muli %scan3A_276, %mul3A_317 : i32
        %add3A_319 = arith.constant 6144 : i32
        %add3A_320 = arith.addi %add3A_319, %mul3A_318 : i32
        %get3A_321 = arith.index_cast %add3A_320 : i32 to index
        %get3A_322 = tpu.vector_load %arg7[%get3A_321] {strides = array<i32>} : memref<16384xi32, #tpu.memory_space<vmem>>, vector<16xi32>,
        %add3A_323 = arith.addi %add3A_316, %get3A_322 : vector<16xi32>
        %mul3A_324 = arith.constant 16 : i32
        %mul3A_325 = arith.muli %scan3A_276, %mul3A_324 : i32
        %add3A_326 = arith.constant 7168 : i32
        %add3A_327 = arith.addi %add3A_326, %mul3A_325 : i32
        %get3A_328 = arith.index_cast %add3A_327 : i32 to index
        %get3A_329 = tpu.vector_load %arg7[%get3A_328] {strides = array<i32>} : memref<16384xi32, #tpu.memory_space<vmem>>, vector<16xi32>,
        %add3A_330 = arith.addi %add3A_323, %get3A_329 : vector<16xi32>
        %mul3A_331 = arith.constant 16 : i32
        %mul3A_332 = arith.muli %scan3A_276, %mul3A_331 : i32
        %add3A_333 = arith.constant 8192 : i32
        %add3A_334 = arith.addi %add3A_333, %mul3A_332 : i32
        %get3A_335 = arith.index_cast %add3A_334 : i32 to index
        %get3A_336 = tpu.vector_load %arg7[%get3A_335] {strides = array<i32>} : memref<16384xi32, #tpu.memory_space<vmem>>, vector<16xi32>,
        %add3A_337 = arith.addi %add3A_330, %get3A_336 : vector<16xi32>
        %mul3A_338 = arith.constant 16 : i32
        %mul3A_339 = arith.muli %scan3A_276, %mul3A_338 : i32
        %add3A_340 = arith.constant 9216 : i32
        %add3A_341 = arith.addi %add3A_340, %mul3A_339 : i32
        %get3A_342 = arith.index_cast %add3A_341 : i32 to index
        %get3A_343 = tpu.vector_load %arg7[%get3A_342] {strides = array<i32>} : memref<16384xi32, #tpu.memory_space<vmem>>, vector<16xi32>,
        %add3A_344 = arith.addi %add3A_337, %get3A_343 : vector<16xi32>
        %mul3A_345 = arith.constant 16 : i32
        %mul3A_346 = arith.muli %scan3A_276, %mul3A_345 : i32
        %add3A_347 = arith.constant 10240 : i32
        %add3A_348 = arith.addi %add3A_347, %mul3A_346 : i32
        %get3A_349 = arith.index_cast %add3A_348 : i32 to index
        %get3A_350 = tpu.vector_load %arg7[%get3A_349] {strides = array<i32>} : memref<16384xi32, #tpu.memory_space<vmem>>, vector<16xi32>,
        %add3A_351 = arith.addi %add3A_344, %get3A_350 : vector<16xi32>
        %mul3A_352 = arith.constant 16 : i32
        %mul3A_353 = arith.muli %scan3A_276, %mul3A_352 : i32
        %add3A_354 = arith.constant 11264 : i32
        %add3A_355 = arith.addi %add3A_354, %mul3A_353 : i32
        %get3A_356 = arith.index_cast %add3A_355 : i32 to index
        %get3A_357 = tpu.vector_load %arg7[%get3A_356] {strides = array<i32>} : memref<16384xi32, #tpu.memory_space<vmem>>, vector<16xi32>,
        %add3A_358 = arith.addi %add3A_351, %get3A_357 : vector<16xi32>
        %mul3A_359 = arith.constant 16 : i32
        %mul3A_360 = arith.muli %scan3A_276, %mul3A_359 : i32
        %add3A_361 = arith.constant 12288 : i32
        %add3A_362 = arith.addi %add3A_361, %mul3A_360 : i32
        %get3A_363 = arith.index_cast %add3A_362 : i32 to index
        %get3A_364 = tpu.vector_load %arg7[%get3A_363] {strides = array<i32>} : memref<16384xi32, #tpu.memory_space<vmem>>, vector<16xi32>,
        %add3A_365 = arith.addi %add3A_358, %get3A_364 : vector<16xi32>
        %mul3A_366 = arith.constant 16 : i32
        %mul3A_367 = arith.muli %scan3A_276, %mul3A_366 : i32
        %add3A_368 = arith.constant 13312 : i32
        %add3A_369 = arith.addi %add3A_368, %mul3A_367 : i32
        %get3A_370 = arith.index_cast %add3A_369 : i32 to index
        %get3A_371 = tpu.vector_load %arg7[%get3A_370] {strides = array<i32>} : memref<16384xi32, #tpu.memory_space<vmem>>, vector<16xi32>,
        %add3A_372 = arith.addi %add3A_365, %get3A_371 : vector<16xi32>
        %mul3A_373 = arith.constant 16 : i32
        %mul3A_374 = arith.muli %scan3A_276, %mul3A_373 : i32
        %add3A_375 = arith.constant 14336 : i32
        %add3A_376 = arith.addi %add3A_375, %mul3A_374 : i32
        %get3A_377 = arith.index_cast %add3A_376 : i32 to index
        %get3A_378 = tpu.vector_load %arg7[%get3A_377] {strides = array<i32>} : memref<16384xi32, #tpu.memory_space<vmem>>, vector<16xi32>,
        %add3A_379 = arith.addi %add3A_372, %get3A_378 : vector<16xi32>
        %mul3A_380 = arith.constant 16 : i32
        %mul3A_381 = arith.muli %scan3A_276, %mul3A_380 : i32
        %add3A_382 = arith.constant 15360 : i32
        %add3A_383 = arith.addi %add3A_382, %mul3A_381 : i32
        %get3A_384 = arith.index_cast %add3A_383 : i32 to index
        %get3A_385 = tpu.vector_load %arg7[%get3A_384] {strides = array<i32>} : memref<16384xi32, #tpu.memory_space<vmem>>, vector<16xi32>,
        %add3A_386 = arith.addi %add3A_379, %get3A_385 : vector<16xi32>
        %mul3A_387 = arith.constant 16 : i32
        %mul3A_388 = arith.muli %scan3A_276, %mul3A_387 : i32
        %swap3A_389 = arith.index_cast %mul3A_388 : i32 to index
        %swap3A_390 = tpu.vector_load %arg9[%swap3A_389] {strides = array<i32>} : memref<1024xi32, #tpu.memory_space<vmem>>, vector<16xi32>,
        tpu.vector_store %arg9[%swap3A_389], %add3A_386 {strides = array<i32>} : memref<1024xi32, #tpu.memory_space<vmem>>, vector<16xi32>,
        %scan3A_391 = arith.constant 0 : i32
        scf.yield %scan3A_391 : i32
      }
      %scan3A_253 = arith.constant 64 : i32
      "tpu.region"() ({
        %run_scoped3A_276 = tpu.sem_alloc : memref<!tpu.dma_semaphore, #tpu.memory_space<semaphore_mem>>
        %dma_start3A = arith.constant 0 : i32
        %dma_start3A_277 = tpu.memref_slice %arg14[%arg1, %dma_start3A] : memref<16x1024xi32, #tpu.memory_space<vmem_shared>> -> memref<1x1024xi32, #tpu.memory_space<vmem_shared>>
        %dma_start3A_278 = tpu.memref_squeeze %dma_start3A_277 : memref<1x1024xi32, #tpu.memory_space<vmem_shared>> -> memref<1024xi32, #tpu.memory_space<vmem_shared>>
        %dma_start3A_279 = arith.constant 0 : i32
        %dma_start3A_280 = tpu.memref_slice %arg14[%arg1, %dma_start3A_279] : memref<16x1024xi32, #tpu.memory_space<vmem_shared>> -> memref<1x1024xi32, #tpu.memory_space<vmem_shared>>
        %dma_start3A_281 = tpu.memref_squeeze %dma_start3A_280 : memref<1x1024xi32, #tpu.memory_space<vmem_shared>> -> memref<1024xi32, #tpu.memory_space<vmem_shared>>
        tpu.enqueue_dma source(%arg9 : memref<1024xi32, #tpu.memory_space<vmem>>) target(%dma_start3A_281 : memref<1024xi32, #tpu.memory_space<vmem_shared>>) target_semaphore(%run_scoped3A_276 : memref<!tpu.dma_semaphore, #tpu.memory_space<semaphore_mem>>)
        %dma_wait3A = arith.constant 0 : i32
        %dma_wait3A_282 = tpu.memref_slice %arg14[%arg1, %dma_wait3A] : memref<16x1024xi32, #tpu.memory_space<vmem_shared>> -> memref<1x1024xi32, #tpu.memory_space<vmem_shared>>
        %dma_wait3A_283 = tpu.memref_squeeze %dma_wait3A_282 : memref<1x1024xi32, #tpu.memory_space<vmem_shared>> -> memref<1024xi32, #tpu.memory_space<vmem_shared>>
        %dma_wait3A_284 = arith.constant 0 : i32
        %dma_wait3A_285 = tpu.memref_slice %arg14[%arg1, %dma_wait3A_284] : memref<16x1024xi32, #tpu.memory_space<vmem_shared>> -> memref<1x1024xi32, #tpu.memory_space<vmem_shared>>
        %dma_wait3A_286 = tpu.memref_squeeze %dma_wait3A_285 : memref<1x1024xi32, #tpu.memory_space<vmem_shared>> -> memref<1024xi32, #tpu.memory_space<vmem_shared>>
        tpu.wait_dma2 semaphore(%run_scoped3A_276 : memref<!tpu.dma_semaphore, #tpu.memory_space<semaphore_mem>>) src(%arg9 : memref<1024xi32, #tpu.memory_space<vmem>>) dst(%dma_wait3A_286 : memref<1024xi32, #tpu.memory_space<vmem_shared>>)
        tpu.yield
      }) : () -> ()
      %barrier3A_254 = arith.constant 0 : index
      tpu.barrier barrier_id(%barrier3A_254)
      "tpu.region"() ({
        %run_scoped3A_276 = tpu.sem_alloc : memref<!tpu.dma_semaphore, #tpu.memory_space<semaphore_mem>>
        tpu.enqueue_dma source(%arg14 : memref<16x1024xi32, #tpu.memory_space<vmem_shared>>) target(%arg8 : memref<16x1024xi32, #tpu.memory_space<vmem>>) target_semaphore(%run_scoped3A_276 : memref<!tpu.dma_semaphore, #tpu.memory_space<semaphore_mem>>)
        tpu.wait_dma2 semaphore(%run_scoped3A_276 : memref<!tpu.dma_semaphore, #tpu.memory_space<semaphore_mem>>) src(%arg14 : memref<16x1024xi32, #tpu.memory_space<vmem_shared>>) dst(%arg8 : memref<16x1024xi32, #tpu.memory_space<vmem>>)
        tpu.yield
      }) : () -> ()
      %barrier3A_255 = arith.constant 0 : index
      tpu.barrier barrier_id(%barrier3A_255)
      %scan3A_256 = arith.constant 0 : i32
      %scan3A_257 = arith.constant 0 : i32
      %scan3A_258 = arith.constant 64 : i32
      %scan3A_259 = arith.addi %scan3A_257, %scan3A_258 : i32
      %scan3A_260 = arith.constant 1 : i32
      %scan3A_261 = scf.for %scan3A_276 = %scan3A_257 to %scan3A_259 step %scan3A_260 iter_args(%scan3A_277 = %scan3A_256) -> (i32)  : i32 {
        %mul3A_278 = arith.constant 16 : i32
        %mul3A_279 = arith.muli %scan3A_276, %mul3A_278 : i32
        %get3A_280 = arith.constant 0 : i32
        %get3A_281 = arith.index_cast %get3A_280 : i32 to index
        %get3A_282 = arith.index_cast %mul3A_279 : i32 to index
        %get3A_283 = tpu.vector_load %arg8[%get3A_281, %get3A_282] {strides = array<i32>} : memref<16x1024xi32, #tpu.memory_space<vmem>>, vector<16xi32>,
        %mul3A_284 = arith.constant 16 : i32
        %mul3A_285 = arith.muli %scan3A_276, %mul3A_284 : i32
        %get3A_286 = arith.constant 1 : i32
        %get3A_287 = arith.index_cast %get3A_286 : i32 to index
        %get3A_288 = arith.index_cast %mul3A_285 : i32 to index
        %get3A_289 = tpu.vector_load %arg8[%get3A_287, %get3A_288] {strides = array<i32>} : memref<16x1024xi32, #tpu.memory_space<vmem>>, vector<16xi32>,
        %add3A_290 = arith.addi %get3A_283, %get3A_289 : vector<16xi32>
        %mul3A_291 = arith.constant 16 : i32
        %mul3A_292 = arith.muli %scan3A_276, %mul3A_291 : i32
        %get3A_293 = arith.constant 2 : i32
        %get3A_294 = arith.index_cast %get3A_293 : i32 to index
        %get3A_295 = arith.index_cast %mul3A_292 : i32 to index
        %get3A_296 = tpu.vector_load %arg8[%get3A_294, %get3A_295] {strides = array<i32>} : memref<16x1024xi32, #tpu.memory_space<vmem>>, vector<16xi32>,
        %add3A_297 = arith.addi %add3A_290, %get3A_296 : vector<16xi32>
        %mul3A_298 = arith.constant 16 : i32
        %mul3A_299 = arith.muli %scan3A_276, %mul3A_298 : i32
        %get3A_300 = arith.constant 3 : i32
        %get3A_301 = arith.index_cast %get3A_300 : i32 to index
        %get3A_302 = arith.index_cast %mul3A_299 : i32 to index
        %get3A_303 = tpu.vector_load %arg8[%get3A_301, %get3A_302] {strides = array<i32>} : memref<16x1024xi32, #tpu.memory_space<vmem>>, vector<16xi32>,
        %add3A_304 = arith.addi %add3A_297, %get3A_303 : vector<16xi32>
        %mul3A_305 = arith.constant 16 : i32
        %mul3A_306 = arith.muli %scan3A_276, %mul3A_305 : i32
        %get3A_307 = arith.constant 4 : i32
        %get3A_308 = arith.index_cast %get3A_307 : i32 to index
        %get3A_309 = arith.index_cast %mul3A_306 : i32 to index
        %get3A_310 = tpu.vector_load %arg8[%get3A_308, %get3A_309] {strides = array<i32>} : memref<16x1024xi32, #tpu.memory_space<vmem>>, vector<16xi32>,
        %add3A_311 = arith.addi %add3A_304, %get3A_310 : vector<16xi32>
        %mul3A_312 = arith.constant 16 : i32
        %mul3A_313 = arith.muli %scan3A_276, %mul3A_312 : i32
        %get3A_314 = arith.constant 5 : i32
        %get3A_315 = arith.index_cast %get3A_314 : i32 to index
        %get3A_316 = arith.index_cast %mul3A_313 : i32 to index
        %get3A_317 = tpu.vector_load %arg8[%get3A_315, %get3A_316] {strides = array<i32>} : memref<16x1024xi32, #tpu.memory_space<vmem>>, vector<16xi32>,
        %add3A_318 = arith.addi %add3A_311, %get3A_317 : vector<16xi32>
        %mul3A_319 = arith.constant 16 : i32
        %mul3A_320 = arith.muli %scan3A_276, %mul3A_319 : i32
        %get3A_321 = arith.constant 6 : i32
        %get3A_322 = arith.index_cast %get3A_321 : i32 to index
        %get3A_323 = arith.index_cast %mul3A_320 : i32 to index
        %get3A_324 = tpu.vector_load %arg8[%get3A_322, %get3A_323] {strides = array<i32>} : memref<16x1024xi32, #tpu.memory_space<vmem>>, vector<16xi32>,
        %add3A_325 = arith.addi %add3A_318, %get3A_324 : vector<16xi32>
        %mul3A_326 = arith.constant 16 : i32
        %mul3A_327 = arith.muli %scan3A_276, %mul3A_326 : i32
        %get3A_328 = arith.constant 7 : i32
        %get3A_329 = arith.index_cast %get3A_328 : i32 to index
        %get3A_330 = arith.index_cast %mul3A_327 : i32 to index
        %get3A_331 = tpu.vector_load %arg8[%get3A_329, %get3A_330] {strides = array<i32>} : memref<16x1024xi32, #tpu.memory_space<vmem>>, vector<16xi32>,
        %add3A_332 = arith.addi %add3A_325, %get3A_331 : vector<16xi32>
        %mul3A_333 = arith.constant 16 : i32
        %mul3A_334 = arith.muli %scan3A_276, %mul3A_333 : i32
        %get3A_335 = arith.constant 8 : i32
        %get3A_336 = arith.index_cast %get3A_335 : i32 to index
        %get3A_337 = arith.index_cast %mul3A_334 : i32 to index
        %get3A_338 = tpu.vector_load %arg8[%get3A_336, %get3A_337] {strides = array<i32>} : memref<16x1024xi32, #tpu.memory_space<vmem>>, vector<16xi32>,
        %add3A_339 = arith.addi %add3A_332, %get3A_338 : vector<16xi32>
        %mul3A_340 = arith.constant 16 : i32
        %mul3A_341 = arith.muli %scan3A_276, %mul3A_340 : i32
        %get3A_342 = arith.constant 9 : i32
        %get3A_343 = arith.index_cast %get3A_342 : i32 to index
        %get3A_344 = arith.index_cast %mul3A_341 : i32 to index
        %get3A_345 = tpu.vector_load %arg8[%get3A_343, %get3A_344] {strides = array<i32>} : memref<16x1024xi32, #tpu.memory_space<vmem>>, vector<16xi32>,
        %add3A_346 = arith.addi %add3A_339, %get3A_345 : vector<16xi32>
        %mul3A_347 = arith.constant 16 : i32
        %mul3A_348 = arith.muli %scan3A_276, %mul3A_347 : i32
        %get3A_349 = arith.constant 10 : i32
        %get3A_350 = arith.index_cast %get3A_349 : i32 to index
        %get3A_351 = arith.index_cast %mul3A_348 : i32 to index
        %get3A_352 = tpu.vector_load %arg8[%get3A_350, %get3A_351] {strides = array<i32>} : memref<16x1024xi32, #tpu.memory_space<vmem>>, vector<16xi32>,
        %add3A_353 = arith.addi %add3A_346, %get3A_352 : vector<16xi32>
        %mul3A_354 = arith.constant 16 : i32
        %mul3A_355 = arith.muli %scan3A_276, %mul3A_354 : i32
        %get3A_356 = arith.constant 11 : i32
        %get3A_357 = arith.index_cast %get3A_356 : i32 to index
        %get3A_358 = arith.index_cast %mul3A_355 : i32 to index
        %get3A_359 = tpu.vector_load %arg8[%get3A_357, %get3A_358] {strides = array<i32>} : memref<16x1024xi32, #tpu.memory_space<vmem>>, vector<16xi32>,
        %add3A_360 = arith.addi %add3A_353, %get3A_359 : vector<16xi32>
        %mul3A_361 = arith.constant 16 : i32
        %mul3A_362 = arith.muli %scan3A_276, %mul3A_361 : i32
        %get3A_363 = arith.constant 12 : i32
        %get3A_364 = arith.index_cast %get3A_363 : i32 to index
        %get3A_365 = arith.index_cast %mul3A_362 : i32 to index
        %get3A_366 = tpu.vector_load %arg8[%get3A_364, %get3A_365] {strides = array<i32>} : memref<16x1024xi32, #tpu.memory_space<vmem>>, vector<16xi32>,
        %add3A_367 = arith.addi %add3A_360, %get3A_366 : vector<16xi32>
        %mul3A_368 = arith.constant 16 : i32
        %mul3A_369 = arith.muli %scan3A_276, %mul3A_368 : i32
        %get3A_370 = arith.constant 13 : i32
        %get3A_371 = arith.index_cast %get3A_370 : i32 to index
        %get3A_372 = arith.index_cast %mul3A_369 : i32 to index
        %get3A_373 = tpu.vector_load %arg8[%get3A_371, %get3A_372] {strides = array<i32>} : memref<16x1024xi32, #tpu.memory_space<vmem>>, vector<16xi32>,
        %add3A_374 = arith.addi %add3A_367, %get3A_373 : vector<16xi32>
        %mul3A_375 = arith.constant 16 : i32
        %mul3A_376 = arith.muli %scan3A_276, %mul3A_375 : i32
        %get3A_377 = arith.constant 14 : i32
        %get3A_378 = arith.index_cast %get3A_377 : i32 to index
        %get3A_379 = arith.index_cast %mul3A_376 : i32 to index
        %get3A_380 = tpu.vector_load %arg8[%get3A_378, %get3A_379] {strides = array<i32>} : memref<16x1024xi32, #tpu.memory_space<vmem>>, vector<16xi32>,
        %add3A_381 = arith.addi %add3A_374, %get3A_380 : vector<16xi32>
        %mul3A_382 = arith.constant 16 : i32
        %mul3A_383 = arith.muli %scan3A_276, %mul3A_382 : i32
        %get3A_384 = arith.constant 15 : i32
        %get3A_385 = arith.index_cast %get3A_384 : i32 to index
        %get3A_386 = arith.index_cast %mul3A_383 : i32 to index
        %get3A_387 = tpu.vector_load %arg8[%get3A_385, %get3A_386] {strides = array<i32>} : memref<16x1024xi32, #tpu.memory_space<vmem>>, vector<16xi32>,
        %add3A_388 = arith.addi %add3A_381, %get3A_387 : vector<16xi32>
        %mul3A_389 = arith.constant 16 : i32
        %mul3A_390 = arith.muli %scan3A_276, %mul3A_389 : i32
        %swap3A_391 = arith.index_cast %mul3A_390 : i32 to index
        %swap3A_392 = tpu.vector_load %arg9[%swap3A_391] {strides = array<i32>} : memref<1024xi32, #tpu.memory_space<vmem>>, vector<16xi32>,
        tpu.vector_store %arg9[%swap3A_391], %add3A_388 {strides = array<i32>} : memref<1024xi32, #tpu.memory_space<vmem>>, vector<16xi32>,
        %scan3A_393 = arith.constant 0 : i32
        scf.yield %scan3A_393 : i32
      }
      %scan3A_262 = arith.constant 64 : i32
      %scan3A_263 = arith.constant 0 : i32
      %scan3A_264 = arith.constant 0 : i32
      %scan3A_265 = arith.constant 0 : i32
      %scan3A_266 = arith.constant 0 : i32
      %scan3A_267 = arith.constant 64 : i32
      %scan3A_268 = arith.addi %scan3A_266, %scan3A_267 : i32
      %scan3A_269 = arith.constant 1 : i32
      %scan3A_270:3 = scf.for %scan3A_276 = %scan3A_266 to %scan3A_268 step %scan3A_269 iter_args(%scan3A_277 = %scan3A_263, %scan3A_278 = %scan3A_264, %scan3A_279 = %scan3A_265) -> (i32, i32, i32)  : i32 {
        %mul3A_280 = arith.constant 16 : i32
        %mul3A_281 = arith.muli %scan3A_276, %mul3A_280 : i32
        %get3A_282 = arith.index_cast %mul3A_281 : i32 to index
        %get3A_283 = tpu.vector_load %arg9[%get3A_282] {strides = array<i32>} : memref<1024xi32, #tpu.memory_space<vmem>>, vector<16xi32>,
        %broadcast_in_dim3A_284 = arith.constant true
        %broadcast_in_dim3A_285 = vector.broadcast %broadcast_in_dim3A_284 : i1 to vector<16xi1>
        %masked_cumsum3A = tpu.scan <sum>, %get3A_283 masked %broadcast_in_dim3A_285 : vector<16xi32>, vector<16xi1> -> vector<16xi32>
        %add3A_286 = vector.broadcast %scan3A_279 : i32 to vector<16xi32>
        %add3A_287 = arith.addi %masked_cumsum3A, %add3A_286 : vector<16xi32>
        %reduce_max3A = arith.constant true
        %reduce_max3A_288 = vector.broadcast %reduce_max3A : i1 to vector<16xi1>
        %reduce_max3A_289 = arith.constant -2147483648 : i32
        %reduce_max3A_290 = vector.broadcast %reduce_max3A_289 : i32 to vector<16xi32>
        %reduce_max3A_291 = arith.xori %add3A_287, %reduce_max3A_290 : vector<16xi32>
        %reduce_max3A_292 = tpu.scan <max>, %reduce_max3A_291 masked %reduce_max3A_288 : vector<16xi32>, vector<16xi1> -> vector<16xi32>
        %reduce_max3A_293 = arith.xori %reduce_max3A_292, %reduce_max3A_290 : vector<16xi32>
        %reduce_max3A_294 = vector.extract %reduce_max3A_293[15] : i32 from vector<16xi32>
        %le3A = vector.broadcast %sub3A_229 : i32 to vector<16xi32>
        %le3A_295 = arith.cmpi sle, %add3A_287, %le3A : vector<16xi32>
        %all_reduce_population_count3A = tpu.all_reduce %le3A_295 {dim = 0 : i64, kind = #tpu.reduction_kind<sum>} : vector<16xi1> -> vector<16xi32>
        %reduce_max3A_296 = arith.constant true
        %reduce_max3A_297 = vector.broadcast %reduce_max3A_296 : i1 to vector<16xi1>
        %reduce_max3A_298 = arith.constant -2147483648 : i32
        %reduce_max3A_299 = vector.broadcast %reduce_max3A_298 : i32 to vector<16xi32>
        %reduce_max3A_300 = arith.xori %all_reduce_population_count3A, %reduce_max3A_299 : vector<16xi32>
        %reduce_max3A_301 = tpu.scan <max>, %reduce_max3A_300 masked %reduce_max3A_297 : vector<16xi32>, vector<16xi1> -> vector<16xi32>
        %reduce_max3A_302 = arith.xori %reduce_max3A_301, %reduce_max3A_299 : vector<16xi32>
        %reduce_max3A_303 = vector.extract %reduce_max3A_302[15] : i32 from vector<16xi32>
        %add3A_304 = arith.addi %scan3A_277, %reduce_max3A_303 : i32
        %jit3A = arith.constant 0 : i32
        %broadcast_in_dim3A_305 = vector.broadcast %jit3A : i32 to vector<16xi32>
        %select_n3A = arith.select %le3A_295, %add3A_287, %broadcast_in_dim3A_305 : vector<16xi1>, vector<16xi32>
        %reduce_max3A_306 = arith.constant true
        %reduce_max3A_307 = vector.broadcast %reduce_max3A_306 : i1 to vector<16xi1>
        %reduce_max3A_308 = arith.constant -2147483648 : i32
        %reduce_max3A_309 = vector.broadcast %reduce_max3A_308 : i32 to vector<16xi32>
        %reduce_max3A_310 = arith.xori %select_n3A, %reduce_max3A_309 : vector<16xi32>
        %reduce_max3A_311 = tpu.scan <max>, %reduce_max3A_310 masked %reduce_max3A_307 : vector<16xi32>, vector<16xi1> -> vector<16xi32>
        %reduce_max3A_312 = arith.xori %reduce_max3A_311, %reduce_max3A_309 : vector<16xi32>
        %reduce_max3A_313 = vector.extract %reduce_max3A_312[15] : i32 from vector<16xi32>
        %max3A_314 = arith.maxsi %scan3A_278, %reduce_max3A_313 : i32
        scf.yield %add3A_304, %max3A_314, %reduce_max3A_294 : i32, i32, i32
      }
      %scan3A_271 = arith.constant 64 : i32
      %sub3A_272 = arith.subi %sub3A_229, %scan3A_270#1 : i32
      %shift_left3A_273 = arith.constant 10 : i32
      %shift_left3A_274 = arith.shli %or3A_232, %shift_left3A_273 : i32
      %or3A_275 = arith.ori %shift_left3A_274, %scan3A_270#0 : i32
      %max3A = arith.maxsi %or3A_275, %cond3A : i32
      scf.yield %max3A : i32
    }
    %broadcast_in_dim3A_98 = arith.constant 0.000000e+00 : f32
    %broadcast_in_dim3A_99 = vector.broadcast %broadcast_in_dim3A_98 : f32 to vector<16xf32>
    %broadcast_in_dim3A_100 = arith.constant 0.000000e+00 : f32
    %broadcast_in_dim3A_101 = vector.broadcast %broadcast_in_dim3A_100 : f32 to vector<16xf32>
    %add3A_102 = arith.constant 0 : i32
    %add3A_103 = arith.addi %mul3A_0, %add3A_102 : i32
    "tpu.region"() ({
      %run_scoped3A_147 = tpu.sem_alloc : memref<!tpu.dma_semaphore, #tpu.memory_space<semaphore_mem>>
      %dma_start3A = tpu.memref_slice %arg3[%add3A_103] : memref<1048576xf32, #tpu.memory_space<hbm>> -> memref<16384xf32, #tpu.memory_space<hbm>>
      %dma_start3A_148 = tpu.memref_slice %arg3[%add3A_103] : memref<1048576xf32, #tpu.memory_space<hbm>> -> memref<16384xf32, #tpu.memory_space<hbm>>
      tpu.enqueue_dma source(%dma_start3A_148 : memref<16384xf32, #tpu.memory_space<hbm>>) target(%arg6 : memref<16384xf32, #tpu.memory_space<vmem>>) target_semaphore(%run_scoped3A_147 : memref<!tpu.dma_semaphore, #tpu.memory_space<semaphore_mem>>)
      %dma_wait3A = tpu.memref_slice %arg3[%add3A_103] : memref<1048576xf32, #tpu.memory_space<hbm>> -> memref<16384xf32, #tpu.memory_space<hbm>>
      %dma_wait3A_149 = tpu.memref_slice %arg3[%add3A_103] : memref<1048576xf32, #tpu.memory_space<hbm>> -> memref<16384xf32, #tpu.memory_space<hbm>>
      tpu.wait_dma2 semaphore(%run_scoped3A_147 : memref<!tpu.dma_semaphore, #tpu.memory_space<semaphore_mem>>) src(%dma_wait3A_149 : memref<16384xf32, #tpu.memory_space<hbm>>) dst(%arg6 : memref<16384xf32, #tpu.memory_space<vmem>>)
      tpu.yield
    }) : () -> ()
    %scan3A_104 = arith.constant 0 : i32
    %scan3A_105 = arith.constant 256 : i32
    %scan3A_106 = arith.addi %scan3A_104, %scan3A_105 : i32
    %scan3A_107 = arith.constant 1 : i32
    %scan3A_108:2 = scf.for %scan3A_147 = %scan3A_104 to %scan3A_106 step %scan3A_107 iter_args(%scan3A_148 = %broadcast_in_dim3A_99, %scan3A_149 = %broadcast_in_dim3A_101) -> (vector<16xf32>, vector<16xf32>)  : i32 {
      %mul3A_150 = arith.constant 4 : i32
      %mul3A_151 = arith.muli %scan3A_147, %mul3A_150 : i32
      %add3A_152 = arith.constant 0 : i32
      %add3A_153 = arith.addi %mul3A_151, %add3A_152 : i32
      %mul3A_154 = arith.constant 16 : i32
      %mul3A_155 = arith.muli %add3A_153, %mul3A_154 : i32
      %add3A_156 = arith.constant 0 : i32
      %add3A_157 = arith.addi %add3A_156, %mul3A_155 : i32
      %get3A_158 = arith.index_cast %add3A_157 : i32 to index
      %get3A_159 = tpu.vector_load %arg5[%get3A_158] {strides = array<i32>} : memref<65536xi32, #tpu.memory_space<vmem>>, vector<16xi32>,
      %mul3A_160 = arith.constant 4 : i32
      %mul3A_161 = arith.muli %scan3A_147, %mul3A_160 : i32
      %add3A_162 = arith.constant 0 : i32
      %add3A_163 = arith.addi %mul3A_161, %add3A_162 : i32
      %mul3A_164 = arith.constant 16 : i32
      %mul3A_165 = arith.muli %add3A_163, %mul3A_164 : i32
      %get3A_166 = arith.index_cast %mul3A_165 : i32 to index
      %get3A_167 = tpu.vector_load %arg6[%get3A_166] {strides = array<i32>} : memref<16384xf32, #tpu.memory_space<vmem>>, vector<16xf32>,
      %lt3A = vector.broadcast %cond3A_97 : i32 to vector<16xi32>
      %lt3A_168 = arith.cmpi slt, %get3A_159, %lt3A : vector<16xi32>
      %jit3A = arith.constant 0.000000e+00 : f32
      %broadcast_in_dim3A_169 = vector.broadcast %jit3A : f32 to vector<16xf32>
      %select_n3A = arith.select %lt3A_168, %get3A_167, %broadcast_in_dim3A_169 : vector<16xi1>, vector<16xf32>
      %add3A_170 = arith.addf %scan3A_148, %select_n3A : vector<16xf32>
      %jit3A_171 = arith.constant 1.000000e+00 : f32
      %jit3A_172 = arith.constant 0.000000e+00 : f32
      %broadcast_in_dim3A_173 = vector.broadcast %jit3A_171 : f32 to vector<16xf32>
      %broadcast_in_dim3A_174 = vector.broadcast %jit3A_172 : f32 to vector<16xf32>
      %select_n3A_175 = arith.select %lt3A_168, %broadcast_in_dim3A_173, %broadcast_in_dim3A_174 : vector<16xi1>, vector<16xf32>
      %add3A_176 = arith.addf %scan3A_149, %select_n3A_175 : vector<16xf32>
      %mul3A_177 = arith.constant 4 : i32
      %mul3A_178 = arith.muli %scan3A_147, %mul3A_177 : i32
      %add3A_179 = arith.constant 1 : i32
      %add3A_180 = arith.addi %mul3A_178, %add3A_179 : i32
      %mul3A_181 = arith.constant 16 : i32
      %mul3A_182 = arith.muli %add3A_180, %mul3A_181 : i32
      %add3A_183 = arith.constant 0 : i32
      %add3A_184 = arith.addi %add3A_183, %mul3A_182 : i32
      %get3A_185 = arith.index_cast %add3A_184 : i32 to index
      %get3A_186 = tpu.vector_load %arg5[%get3A_185] {strides = array<i32>} : memref<65536xi32, #tpu.memory_space<vmem>>, vector<16xi32>,
      %mul3A_187 = arith.constant 4 : i32
      %mul3A_188 = arith.muli %scan3A_147, %mul3A_187 : i32
      %add3A_189 = arith.constant 1 : i32
      %add3A_190 = arith.addi %mul3A_188, %add3A_189 : i32
      %mul3A_191 = arith.constant 16 : i32
      %mul3A_192 = arith.muli %add3A_190, %mul3A_191 : i32
      %get3A_193 = arith.index_cast %mul3A_192 : i32 to index
      %get3A_194 = tpu.vector_load %arg6[%get3A_193] {strides = array<i32>} : memref<16384xf32, #tpu.memory_space<vmem>>, vector<16xf32>,
      %lt3A_195 = vector.broadcast %cond3A_97 : i32 to vector<16xi32>
      %lt3A_196 = arith.cmpi slt, %get3A_186, %lt3A_195 : vector<16xi32>
      %jit3A_197 = arith.constant 0.000000e+00 : f32
      %broadcast_in_dim3A_198 = vector.broadcast %jit3A_197 : f32 to vector<16xf32>
      %select_n3A_199 = arith.select %lt3A_196, %get3A_194, %broadcast_in_dim3A_198 : vector<16xi1>, vector<16xf32>
      %add3A_200 = arith.addf %add3A_170, %select_n3A_199 : vector<16xf32>
      %jit3A_201 = arith.constant 1.000000e+00 : f32
      %jit3A_202 = arith.constant 0.000000e+00 : f32
      %broadcast_in_dim3A_203 = vector.broadcast %jit3A_201 : f32 to vector<16xf32>
      %broadcast_in_dim3A_204 = vector.broadcast %jit3A_202 : f32 to vector<16xf32>
      %select_n3A_205 = arith.select %lt3A_196, %broadcast_in_dim3A_203, %broadcast_in_dim3A_204 : vector<16xi1>, vector<16xf32>
      %add3A_206 = arith.addf %add3A_176, %select_n3A_205 : vector<16xf32>
      %mul3A_207 = arith.constant 4 : i32
      %mul3A_208 = arith.muli %scan3A_147, %mul3A_207 : i32
      %add3A_209 = arith.constant 2 : i32
      %add3A_210 = arith.addi %mul3A_208, %add3A_209 : i32
      %mul3A_211 = arith.constant 16 : i32
      %mul3A_212 = arith.muli %add3A_210, %mul3A_211 : i32
      %add3A_213 = arith.constant 0 : i32
      %add3A_214 = arith.addi %add3A_213, %mul3A_212 : i32
      %get3A_215 = arith.index_cast %add3A_214 : i32 to index
      %get3A_216 = tpu.vector_load %arg5[%get3A_215] {strides = array<i32>} : memref<65536xi32, #tpu.memory_space<vmem>>, vector<16xi32>,
      %mul3A_217 = arith.constant 4 : i32
      %mul3A_218 = arith.muli %scan3A_147, %mul3A_217 : i32
      %add3A_219 = arith.constant 2 : i32
      %add3A_220 = arith.addi %mul3A_218, %add3A_219 : i32
      %mul3A_221 = arith.constant 16 : i32
      %mul3A_222 = arith.muli %add3A_220, %mul3A_221 : i32
      %get3A_223 = arith.index_cast %mul3A_222 : i32 to index
      %get3A_224 = tpu.vector_load %arg6[%get3A_223] {strides = array<i32>} : memref<16384xf32, #tpu.memory_space<vmem>>, vector<16xf32>,
      %lt3A_225 = vector.broadcast %cond3A_97 : i32 to vector<16xi32>
      %lt3A_226 = arith.cmpi slt, %get3A_216, %lt3A_225 : vector<16xi32>
      %jit3A_227 = arith.constant 0.000000e+00 : f32
      %broadcast_in_dim3A_228 = vector.broadcast %jit3A_227 : f32 to vector<16xf32>
      %select_n3A_229 = arith.select %lt3A_226, %get3A_224, %broadcast_in_dim3A_228 : vector<16xi1>, vector<16xf32>
      %add3A_230 = arith.addf %add3A_200, %select_n3A_229 : vector<16xf32>
      %jit3A_231 = arith.constant 1.000000e+00 : f32
      %jit3A_232 = arith.constant 0.000000e+00 : f32
      %broadcast_in_dim3A_233 = vector.broadcast %jit3A_231 : f32 to vector<16xf32>
      %broadcast_in_dim3A_234 = vector.broadcast %jit3A_232 : f32 to vector<16xf32>
      %select_n3A_235 = arith.select %lt3A_226, %broadcast_in_dim3A_233, %broadcast_in_dim3A_234 : vector<16xi1>, vector<16xf32>
      %add3A_236 = arith.addf %add3A_206, %select_n3A_235 : vector<16xf32>
      %mul3A_237 = arith.constant 4 : i32
      %mul3A_238 = arith.muli %scan3A_147, %mul3A_237 : i32
      %add3A_239 = arith.constant 3 : i32
      %add3A_240 = arith.addi %mul3A_238, %add3A_239 : i32
      %mul3A_241 = arith.constant 16 : i32
      %mul3A_242 = arith.muli %add3A_240, %mul3A_241 : i32
      %add3A_243 = arith.constant 0 : i32
      %add3A_244 = arith.addi %add3A_243, %mul3A_242 : i32
      %get3A_245 = arith.index_cast %add3A_244 : i32 to index
      %get3A_246 = tpu.vector_load %arg5[%get3A_245] {strides = array<i32>} : memref<65536xi32, #tpu.memory_space<vmem>>, vector<16xi32>,
      %mul3A_247 = arith.constant 4 : i32
      %mul3A_248 = arith.muli %scan3A_147, %mul3A_247 : i32
      %add3A_249 = arith.constant 3 : i32
      %add3A_250 = arith.addi %mul3A_248, %add3A_249 : i32
      %mul3A_251 = arith.constant 16 : i32
      %mul3A_252 = arith.muli %add3A_250, %mul3A_251 : i32
      %get3A_253 = arith.index_cast %mul3A_252 : i32 to index
      %get3A_254 = tpu.vector_load %arg6[%get3A_253] {strides = array<i32>} : memref<16384xf32, #tpu.memory_space<vmem>>, vector<16xf32>,
      %lt3A_255 = vector.broadcast %cond3A_97 : i32 to vector<16xi32>
      %lt3A_256 = arith.cmpi slt, %get3A_246, %lt3A_255 : vector<16xi32>
      %jit3A_257 = arith.constant 0.000000e+00 : f32
      %broadcast_in_dim3A_258 = vector.broadcast %jit3A_257 : f32 to vector<16xf32>
      %select_n3A_259 = arith.select %lt3A_256, %get3A_254, %broadcast_in_dim3A_258 : vector<16xi1>, vector<16xf32>
      %add3A_260 = arith.addf %add3A_230, %select_n3A_259 : vector<16xf32>
      %jit3A_261 = arith.constant 1.000000e+00 : f32
      %jit3A_262 = arith.constant 0.000000e+00 : f32
      %broadcast_in_dim3A_263 = vector.broadcast %jit3A_261 : f32 to vector<16xf32>
      %broadcast_in_dim3A_264 = vector.broadcast %jit3A_262 : f32 to vector<16xf32>
      %select_n3A_265 = arith.select %lt3A_256, %broadcast_in_dim3A_263, %broadcast_in_dim3A_264 : vector<16xi1>, vector<16xf32>
      %add3A_266 = arith.addf %add3A_236, %select_n3A_265 : vector<16xf32>
      scf.yield %add3A_260, %add3A_266 : vector<16xf32>, vector<16xf32>
    }
    %scan3A_109 = arith.constant 256 : i32
    %add3A_110 = arith.constant 16384 : i32
    %add3A_111 = arith.addi %mul3A_0, %add3A_110 : i32
    "tpu.region"() ({
      %run_scoped3A_147 = tpu.sem_alloc : memref<!tpu.dma_semaphore, #tpu.memory_space<semaphore_mem>>
      %dma_start3A = tpu.memref_slice %arg3[%add3A_111] : memref<1048576xf32, #tpu.memory_space<hbm>> -> memref<16384xf32, #tpu.memory_space<hbm>>
      %dma_start3A_148 = tpu.memref_slice %arg3[%add3A_111] : memref<1048576xf32, #tpu.memory_space<hbm>> -> memref<16384xf32, #tpu.memory_space<hbm>>
      tpu.enqueue_dma source(%dma_start3A_148 : memref<16384xf32, #tpu.memory_space<hbm>>) target(%arg6 : memref<16384xf32, #tpu.memory_space<vmem>>) target_semaphore(%run_scoped3A_147 : memref<!tpu.dma_semaphore, #tpu.memory_space<semaphore_mem>>)
      %dma_wait3A = tpu.memref_slice %arg3[%add3A_111] : memref<1048576xf32, #tpu.memory_space<hbm>> -> memref<16384xf32, #tpu.memory_space<hbm>>
      %dma_wait3A_149 = tpu.memref_slice %arg3[%add3A_111] : memref<1048576xf32, #tpu.memory_space<hbm>> -> memref<16384xf32, #tpu.memory_space<hbm>>
      tpu.wait_dma2 semaphore(%run_scoped3A_147 : memref<!tpu.dma_semaphore, #tpu.memory_space<semaphore_mem>>) src(%dma_wait3A_149 : memref<16384xf32, #tpu.memory_space<hbm>>) dst(%arg6 : memref<16384xf32, #tpu.memory_space<vmem>>)
      tpu.yield
    }) : () -> ()
    %scan3A_112 = arith.constant 0 : i32
    %scan3A_113 = arith.constant 256 : i32
    %scan3A_114 = arith.addi %scan3A_112, %scan3A_113 : i32
    %scan3A_115 = arith.constant 1 : i32
    %scan3A_116:2 = scf.for %scan3A_147 = %scan3A_112 to %scan3A_114 step %scan3A_115 iter_args(%scan3A_148 = %scan3A_108#0, %scan3A_149 = %scan3A_108#1) -> (vector<16xf32>, vector<16xf32>)  : i32 {
      %mul3A_150 = arith.constant 4 : i32
      %mul3A_151 = arith.muli %scan3A_147, %mul3A_150 : i32
      %add3A_152 = arith.constant 0 : i32
      %add3A_153 = arith.addi %mul3A_151, %add3A_152 : i32
      %mul3A_154 = arith.constant 16 : i32
      %mul3A_155 = arith.muli %add3A_153, %mul3A_154 : i32
      %add3A_156 = arith.constant 16384 : i32
      %add3A_157 = arith.addi %add3A_156, %mul3A_155 : i32
      %get3A_158 = arith.index_cast %add3A_157 : i32 to index
      %get3A_159 = tpu.vector_load %arg5[%get3A_158] {strides = array<i32>} : memref<65536xi32, #tpu.memory_space<vmem>>, vector<16xi32>,
      %mul3A_160 = arith.constant 4 : i32
      %mul3A_161 = arith.muli %scan3A_147, %mul3A_160 : i32
      %add3A_162 = arith.constant 0 : i32
      %add3A_163 = arith.addi %mul3A_161, %add3A_162 : i32
      %mul3A_164 = arith.constant 16 : i32
      %mul3A_165 = arith.muli %add3A_163, %mul3A_164 : i32
      %get3A_166 = arith.index_cast %mul3A_165 : i32 to index
      %get3A_167 = tpu.vector_load %arg6[%get3A_166] {strides = array<i32>} : memref<16384xf32, #tpu.memory_space<vmem>>, vector<16xf32>,
      %lt3A = vector.broadcast %cond3A_97 : i32 to vector<16xi32>
      %lt3A_168 = arith.cmpi slt, %get3A_159, %lt3A : vector<16xi32>
      %jit3A = arith.constant 0.000000e+00 : f32
      %broadcast_in_dim3A_169 = vector.broadcast %jit3A : f32 to vector<16xf32>
      %select_n3A = arith.select %lt3A_168, %get3A_167, %broadcast_in_dim3A_169 : vector<16xi1>, vector<16xf32>
      %add3A_170 = arith.addf %scan3A_148, %select_n3A : vector<16xf32>
      %jit3A_171 = arith.constant 1.000000e+00 : f32
      %jit3A_172 = arith.constant 0.000000e+00 : f32
      %broadcast_in_dim3A_173 = vector.broadcast %jit3A_171 : f32 to vector<16xf32>
      %broadcast_in_dim3A_174 = vector.broadcast %jit3A_172 : f32 to vector<16xf32>
      %select_n3A_175 = arith.select %lt3A_168, %broadcast_in_dim3A_173, %broadcast_in_dim3A_174 : vector<16xi1>, vector<16xf32>
      %add3A_176 = arith.addf %scan3A_149, %select_n3A_175 : vector<16xf32>
      %mul3A_177 = arith.constant 4 : i32
      %mul3A_178 = arith.muli %scan3A_147, %mul3A_177 : i32
      %add3A_179 = arith.constant 1 : i32
      %add3A_180 = arith.addi %mul3A_178, %add3A_179 : i32
      %mul3A_181 = arith.constant 16 : i32
      %mul3A_182 = arith.muli %add3A_180, %mul3A_181 : i32
      %add3A_183 = arith.constant 16384 : i32
      %add3A_184 = arith.addi %add3A_183, %mul3A_182 : i32
      %get3A_185 = arith.index_cast %add3A_184 : i32 to index
      %get3A_186 = tpu.vector_load %arg5[%get3A_185] {strides = array<i32>} : memref<65536xi32, #tpu.memory_space<vmem>>, vector<16xi32>,
      %mul3A_187 = arith.constant 4 : i32
      %mul3A_188 = arith.muli %scan3A_147, %mul3A_187 : i32
      %add3A_189 = arith.constant 1 : i32
      %add3A_190 = arith.addi %mul3A_188, %add3A_189 : i32
      %mul3A_191 = arith.constant 16 : i32
      %mul3A_192 = arith.muli %add3A_190, %mul3A_191 : i32
      %get3A_193 = arith.index_cast %mul3A_192 : i32 to index
      %get3A_194 = tpu.vector_load %arg6[%get3A_193] {strides = array<i32>} : memref<16384xf32, #tpu.memory_space<vmem>>, vector<16xf32>,
      %lt3A_195 = vector.broadcast %cond3A_97 : i32 to vector<16xi32>
      %lt3A_196 = arith.cmpi slt, %get3A_186, %lt3A_195 : vector<16xi32>
      %jit3A_197 = arith.constant 0.000000e+00 : f32
      %broadcast_in_dim3A_198 = vector.broadcast %jit3A_197 : f32 to vector<16xf32>
      %select_n3A_199 = arith.select %lt3A_196, %get3A_194, %broadcast_in_dim3A_198 : vector<16xi1>, vector<16xf32>
      %add3A_200 = arith.addf %add3A_170, %select_n3A_199 : vector<16xf32>
      %jit3A_201 = arith.constant 1.000000e+00 : f32
      %jit3A_202 = arith.constant 0.000000e+00 : f32
      %broadcast_in_dim3A_203 = vector.broadcast %jit3A_201 : f32 to vector<16xf32>
      %broadcast_in_dim3A_204 = vector.broadcast %jit3A_202 : f32 to vector<16xf32>
      %select_n3A_205 = arith.select %lt3A_196, %broadcast_in_dim3A_203, %broadcast_in_dim3A_204 : vector<16xi1>, vector<16xf32>
      %add3A_206 = arith.addf %add3A_176, %select_n3A_205 : vector<16xf32>
      %mul3A_207 = arith.constant 4 : i32
      %mul3A_208 = arith.muli %scan3A_147, %mul3A_207 : i32
      %add3A_209 = arith.constant 2 : i32
      %add3A_210 = arith.addi %mul3A_208, %add3A_209 : i32
      %mul3A_211 = arith.constant 16 : i32
      %mul3A_212 = arith.muli %add3A_210, %mul3A_211 : i32
      %add3A_213 = arith.constant 16384 : i32
      %add3A_214 = arith.addi %add3A_213, %mul3A_212 : i32
      %get3A_215 = arith.index_cast %add3A_214 : i32 to index
      %get3A_216 = tpu.vector_load %arg5[%get3A_215] {strides = array<i32>} : memref<65536xi32, #tpu.memory_space<vmem>>, vector<16xi32>,
      %mul3A_217 = arith.constant 4 : i32
      %mul3A_218 = arith.muli %scan3A_147, %mul3A_217 : i32
      %add3A_219 = arith.constant 2 : i32
      %add3A_220 = arith.addi %mul3A_218, %add3A_219 : i32
      %mul3A_221 = arith.constant 16 : i32
      %mul3A_222 = arith.muli %add3A_220, %mul3A_221 : i32
      %get3A_223 = arith.index_cast %mul3A_222 : i32 to index
      %get3A_224 = tpu.vector_load %arg6[%get3A_223] {strides = array<i32>} : memref<16384xf32, #tpu.memory_space<vmem>>, vector<16xf32>,
      %lt3A_225 = vector.broadcast %cond3A_97 : i32 to vector<16xi32>
      %lt3A_226 = arith.cmpi slt, %get3A_216, %lt3A_225 : vector<16xi32>
      %jit3A_227 = arith.constant 0.000000e+00 : f32
      %broadcast_in_dim3A_228 = vector.broadcast %jit3A_227 : f32 to vector<16xf32>
      %select_n3A_229 = arith.select %lt3A_226, %get3A_224, %broadcast_in_dim3A_228 : vector<16xi1>, vector<16xf32>
      %add3A_230 = arith.addf %add3A_200, %select_n3A_229 : vector<16xf32>
      %jit3A_231 = arith.constant 1.000000e+00 : f32
      %jit3A_232 = arith.constant 0.000000e+00 : f32
      %broadcast_in_dim3A_233 = vector.broadcast %jit3A_231 : f32 to vector<16xf32>
      %broadcast_in_dim3A_234 = vector.broadcast %jit3A_232 : f32 to vector<16xf32>
      %select_n3A_235 = arith.select %lt3A_226, %broadcast_in_dim3A_233, %broadcast_in_dim3A_234 : vector<16xi1>, vector<16xf32>
      %add3A_236 = arith.addf %add3A_206, %select_n3A_235 : vector<16xf32>
      %mul3A_237 = arith.constant 4 : i32
      %mul3A_238 = arith.muli %scan3A_147, %mul3A_237 : i32
      %add3A_239 = arith.constant 3 : i32
      %add3A_240 = arith.addi %mul3A_238, %add3A_239 : i32
      %mul3A_241 = arith.constant 16 : i32
      %mul3A_242 = arith.muli %add3A_240, %mul3A_241 : i32
      %add3A_243 = arith.constant 16384 : i32
      %add3A_244 = arith.addi %add3A_243, %mul3A_242 : i32
      %get3A_245 = arith.index_cast %add3A_244 : i32 to index
      %get3A_246 = tpu.vector_load %arg5[%get3A_245] {strides = array<i32>} : memref<65536xi32, #tpu.memory_space<vmem>>, vector<16xi32>,
      %mul3A_247 = arith.constant 4 : i32
      %mul3A_248 = arith.muli %scan3A_147, %mul3A_247 : i32
      %add3A_249 = arith.constant 3 : i32
      %add3A_250 = arith.addi %mul3A_248, %add3A_249 : i32
      %mul3A_251 = arith.constant 16 : i32
      %mul3A_252 = arith.muli %add3A_250, %mul3A_251 : i32
      %get3A_253 = arith.index_cast %mul3A_252 : i32 to index
      %get3A_254 = tpu.vector_load %arg6[%get3A_253] {strides = array<i32>} : memref<16384xf32, #tpu.memory_space<vmem>>, vector<16xf32>,
      %lt3A_255 = vector.broadcast %cond3A_97 : i32 to vector<16xi32>
      %lt3A_256 = arith.cmpi slt, %get3A_246, %lt3A_255 : vector<16xi32>
      %jit3A_257 = arith.constant 0.000000e+00 : f32
      %broadcast_in_dim3A_258 = vector.broadcast %jit3A_257 : f32 to vector<16xf32>
      %select_n3A_259 = arith.select %lt3A_256, %get3A_254, %broadcast_in_dim3A_258 : vector<16xi1>, vector<16xf32>
      %add3A_260 = arith.addf %add3A_230, %select_n3A_259 : vector<16xf32>
      %jit3A_261 = arith.constant 1.000000e+00 : f32
      %jit3A_262 = arith.constant 0.000000e+00 : f32
      %broadcast_in_dim3A_263 = vector.broadcast %jit3A_261 : f32 to vector<16xf32>
      %broadcast_in_dim3A_264 = vector.broadcast %jit3A_262 : f32 to vector<16xf32>
      %select_n3A_265 = arith.select %lt3A_256, %broadcast_in_dim3A_263, %broadcast_in_dim3A_264 : vector<16xi1>, vector<16xf32>
      %add3A_266 = arith.addf %add3A_236, %select_n3A_265 : vector<16xf32>
      scf.yield %add3A_260, %add3A_266 : vector<16xf32>, vector<16xf32>
    }
    %scan3A_117 = arith.constant 256 : i32
    %add3A_118 = arith.constant 32768 : i32
    %add3A_119 = arith.addi %mul3A_0, %add3A_118 : i32
    "tpu.region"() ({
      %run_scoped3A_147 = tpu.sem_alloc : memref<!tpu.dma_semaphore, #tpu.memory_space<semaphore_mem>>
      %dma_start3A = tpu.memref_slice %arg3[%add3A_119] : memref<1048576xf32, #tpu.memory_space<hbm>> -> memref<16384xf32, #tpu.memory_space<hbm>>
      %dma_start3A_148 = tpu.memref_slice %arg3[%add3A_119] : memref<1048576xf32, #tpu.memory_space<hbm>> -> memref<16384xf32, #tpu.memory_space<hbm>>
      tpu.enqueue_dma source(%dma_start3A_148 : memref<16384xf32, #tpu.memory_space<hbm>>) target(%arg6 : memref<16384xf32, #tpu.memory_space<vmem>>) target_semaphore(%run_scoped3A_147 : memref<!tpu.dma_semaphore, #tpu.memory_space<semaphore_mem>>)
      %dma_wait3A = tpu.memref_slice %arg3[%add3A_119] : memref<1048576xf32, #tpu.memory_space<hbm>> -> memref<16384xf32, #tpu.memory_space<hbm>>
      %dma_wait3A_149 = tpu.memref_slice %arg3[%add3A_119] : memref<1048576xf32, #tpu.memory_space<hbm>> -> memref<16384xf32, #tpu.memory_space<hbm>>
      tpu.wait_dma2 semaphore(%run_scoped3A_147 : memref<!tpu.dma_semaphore, #tpu.memory_space<semaphore_mem>>) src(%dma_wait3A_149 : memref<16384xf32, #tpu.memory_space<hbm>>) dst(%arg6 : memref<16384xf32, #tpu.memory_space<vmem>>)
      tpu.yield
    }) : () -> ()
    %scan3A_120 = arith.constant 0 : i32
    %scan3A_121 = arith.constant 256 : i32
    %scan3A_122 = arith.addi %scan3A_120, %scan3A_121 : i32
    %scan3A_123 = arith.constant 1 : i32
    %scan3A_124:2 = scf.for %scan3A_147 = %scan3A_120 to %scan3A_122 step %scan3A_123 iter_args(%scan3A_148 = %scan3A_116#0, %scan3A_149 = %scan3A_116#1) -> (vector<16xf32>, vector<16xf32>)  : i32 {
      %mul3A_150 = arith.constant 4 : i32
      %mul3A_151 = arith.muli %scan3A_147, %mul3A_150 : i32
      %add3A_152 = arith.constant 0 : i32
      %add3A_153 = arith.addi %mul3A_151, %add3A_152 : i32
      %mul3A_154 = arith.constant 16 : i32
      %mul3A_155 = arith.muli %add3A_153, %mul3A_154 : i32
      %add3A_156 = arith.constant 32768 : i32
      %add3A_157 = arith.addi %add3A_156, %mul3A_155 : i32
      %get3A_158 = arith.index_cast %add3A_157 : i32 to index
      %get3A_159 = tpu.vector_load %arg5[%get3A_158] {strides = array<i32>} : memref<65536xi32, #tpu.memory_space<vmem>>, vector<16xi32>,
      %mul3A_160 = arith.constant 4 : i32
      %mul3A_161 = arith.muli %scan3A_147, %mul3A_160 : i32
      %add3A_162 = arith.constant 0 : i32
      %add3A_163 = arith.addi %mul3A_161, %add3A_162 : i32
      %mul3A_164 = arith.constant 16 : i32
      %mul3A_165 = arith.muli %add3A_163, %mul3A_164 : i32
      %get3A_166 = arith.index_cast %mul3A_165 : i32 to index
      %get3A_167 = tpu.vector_load %arg6[%get3A_166] {strides = array<i32>} : memref<16384xf32, #tpu.memory_space<vmem>>, vector<16xf32>,
      %lt3A = vector.broadcast %cond3A_97 : i32 to vector<16xi32>
      %lt3A_168 = arith.cmpi slt, %get3A_159, %lt3A : vector<16xi32>
      %jit3A = arith.constant 0.000000e+00 : f32
      %broadcast_in_dim3A_169 = vector.broadcast %jit3A : f32 to vector<16xf32>
      %select_n3A = arith.select %lt3A_168, %get3A_167, %broadcast_in_dim3A_169 : vector<16xi1>, vector<16xf32>
      %add3A_170 = arith.addf %scan3A_148, %select_n3A : vector<16xf32>
      %jit3A_171 = arith.constant 1.000000e+00 : f32
      %jit3A_172 = arith.constant 0.000000e+00 : f32
      %broadcast_in_dim3A_173 = vector.broadcast %jit3A_171 : f32 to vector<16xf32>
      %broadcast_in_dim3A_174 = vector.broadcast %jit3A_172 : f32 to vector<16xf32>
      %select_n3A_175 = arith.select %lt3A_168, %broadcast_in_dim3A_173, %broadcast_in_dim3A_174 : vector<16xi1>, vector<16xf32>
      %add3A_176 = arith.addf %scan3A_149, %select_n3A_175 : vector<16xf32>
      %mul3A_177 = arith.constant 4 : i32
      %mul3A_178 = arith.muli %scan3A_147, %mul3A_177 : i32
      %add3A_179 = arith.constant 1 : i32
      %add3A_180 = arith.addi %mul3A_178, %add3A_179 : i32
      %mul3A_181 = arith.constant 16 : i32
      %mul3A_182 = arith.muli %add3A_180, %mul3A_181 : i32
      %add3A_183 = arith.constant 32768 : i32
      %add3A_184 = arith.addi %add3A_183, %mul3A_182 : i32
      %get3A_185 = arith.index_cast %add3A_184 : i32 to index
      %get3A_186 = tpu.vector_load %arg5[%get3A_185] {strides = array<i32>} : memref<65536xi32, #tpu.memory_space<vmem>>, vector<16xi32>,
      %mul3A_187 = arith.constant 4 : i32
      %mul3A_188 = arith.muli %scan3A_147, %mul3A_187 : i32
      %add3A_189 = arith.constant 1 : i32
      %add3A_190 = arith.addi %mul3A_188, %add3A_189 : i32
      %mul3A_191 = arith.constant 16 : i32
      %mul3A_192 = arith.muli %add3A_190, %mul3A_191 : i32
      %get3A_193 = arith.index_cast %mul3A_192 : i32 to index
      %get3A_194 = tpu.vector_load %arg6[%get3A_193] {strides = array<i32>} : memref<16384xf32, #tpu.memory_space<vmem>>, vector<16xf32>,
      %lt3A_195 = vector.broadcast %cond3A_97 : i32 to vector<16xi32>
      %lt3A_196 = arith.cmpi slt, %get3A_186, %lt3A_195 : vector<16xi32>
      %jit3A_197 = arith.constant 0.000000e+00 : f32
      %broadcast_in_dim3A_198 = vector.broadcast %jit3A_197 : f32 to vector<16xf32>
      %select_n3A_199 = arith.select %lt3A_196, %get3A_194, %broadcast_in_dim3A_198 : vector<16xi1>, vector<16xf32>
      %add3A_200 = arith.addf %add3A_170, %select_n3A_199 : vector<16xf32>
      %jit3A_201 = arith.constant 1.000000e+00 : f32
      %jit3A_202 = arith.constant 0.000000e+00 : f32
      %broadcast_in_dim3A_203 = vector.broadcast %jit3A_201 : f32 to vector<16xf32>
      %broadcast_in_dim3A_204 = vector.broadcast %jit3A_202 : f32 to vector<16xf32>
      %select_n3A_205 = arith.select %lt3A_196, %broadcast_in_dim3A_203, %broadcast_in_dim3A_204 : vector<16xi1>, vector<16xf32>
      %add3A_206 = arith.addf %add3A_176, %select_n3A_205 : vector<16xf32>
      %mul3A_207 = arith.constant 4 : i32
      %mul3A_208 = arith.muli %scan3A_147, %mul3A_207 : i32
      %add3A_209 = arith.constant 2 : i32
      %add3A_210 = arith.addi %mul3A_208, %add3A_209 : i32
      %mul3A_211 = arith.constant 16 : i32
      %mul3A_212 = arith.muli %add3A_210, %mul3A_211 : i32
      %add3A_213 = arith.constant 32768 : i32
      %add3A_214 = arith.addi %add3A_213, %mul3A_212 : i32
      %get3A_215 = arith.index_cast %add3A_214 : i32 to index
      %get3A_216 = tpu.vector_load %arg5[%get3A_215] {strides = array<i32>} : memref<65536xi32, #tpu.memory_space<vmem>>, vector<16xi32>,
      %mul3A_217 = arith.constant 4 : i32
      %mul3A_218 = arith.muli %scan3A_147, %mul3A_217 : i32
      %add3A_219 = arith.constant 2 : i32
      %add3A_220 = arith.addi %mul3A_218, %add3A_219 : i32
      %mul3A_221 = arith.constant 16 : i32
      %mul3A_222 = arith.muli %add3A_220, %mul3A_221 : i32
      %get3A_223 = arith.index_cast %mul3A_222 : i32 to index
      %get3A_224 = tpu.vector_load %arg6[%get3A_223] {strides = array<i32>} : memref<16384xf32, #tpu.memory_space<vmem>>, vector<16xf32>,
      %lt3A_225 = vector.broadcast %cond3A_97 : i32 to vector<16xi32>
      %lt3A_226 = arith.cmpi slt, %get3A_216, %lt3A_225 : vector<16xi32>
      %jit3A_227 = arith.constant 0.000000e+00 : f32
      %broadcast_in_dim3A_228 = vector.broadcast %jit3A_227 : f32 to vector<16xf32>
      %select_n3A_229 = arith.select %lt3A_226, %get3A_224, %broadcast_in_dim3A_228 : vector<16xi1>, vector<16xf32>
      %add3A_230 = arith.addf %add3A_200, %select_n3A_229 : vector<16xf32>
      %jit3A_231 = arith.constant 1.000000e+00 : f32
      %jit3A_232 = arith.constant 0.000000e+00 : f32
      %broadcast_in_dim3A_233 = vector.broadcast %jit3A_231 : f32 to vector<16xf32>
      %broadcast_in_dim3A_234 = vector.broadcast %jit3A_232 : f32 to vector<16xf32>
      %select_n3A_235 = arith.select %lt3A_226, %broadcast_in_dim3A_233, %broadcast_in_dim3A_234 : vector<16xi1>, vector<16xf32>
      %add3A_236 = arith.addf %add3A_206, %select_n3A_235 : vector<16xf32>
      %mul3A_237 = arith.constant 4 : i32
      %mul3A_238 = arith.muli %scan3A_147, %mul3A_237 : i32
      %add3A_239 = arith.constant 3 : i32
      %add3A_240 = arith.addi %mul3A_238, %add3A_239 : i32
      %mul3A_241 = arith.constant 16 : i32
      %mul3A_242 = arith.muli %add3A_240, %mul3A_241 : i32
      %add3A_243 = arith.constant 32768 : i32
      %add3A_244 = arith.addi %add3A_243, %mul3A_242 : i32
      %get3A_245 = arith.index_cast %add3A_244 : i32 to index
      %get3A_246 = tpu.vector_load %arg5[%get3A_245] {strides = array<i32>} : memref<65536xi32, #tpu.memory_space<vmem>>, vector<16xi32>,
      %mul3A_247 = arith.constant 4 : i32
      %mul3A_248 = arith.muli %scan3A_147, %mul3A_247 : i32
      %add3A_249 = arith.constant 3 : i32
      %add3A_250 = arith.addi %mul3A_248, %add3A_249 : i32
      %mul3A_251 = arith.constant 16 : i32
      %mul3A_252 = arith.muli %add3A_250, %mul3A_251 : i32
      %get3A_253 = arith.index_cast %mul3A_252 : i32 to index
      %get3A_254 = tpu.vector_load %arg6[%get3A_253] {strides = array<i32>} : memref<16384xf32, #tpu.memory_space<vmem>>, vector<16xf32>,
      %lt3A_255 = vector.broadcast %cond3A_97 : i32 to vector<16xi32>
      %lt3A_256 = arith.cmpi slt, %get3A_246, %lt3A_255 : vector<16xi32>
      %jit3A_257 = arith.constant 0.000000e+00 : f32
      %broadcast_in_dim3A_258 = vector.broadcast %jit3A_257 : f32 to vector<16xf32>
      %select_n3A_259 = arith.select %lt3A_256, %get3A_254, %broadcast_in_dim3A_258 : vector<16xi1>, vector<16xf32>
      %add3A_260 = arith.addf %add3A_230, %select_n3A_259 : vector<16xf32>
      %jit3A_261 = arith.constant 1.000000e+00 : f32
      %jit3A_262 = arith.constant 0.000000e+00 : f32
      %broadcast_in_dim3A_263 = vector.broadcast %jit3A_261 : f32 to vector<16xf32>
      %broadcast_in_dim3A_264 = vector.broadcast %jit3A_262 : f32 to vector<16xf32>
      %select_n3A_265 = arith.select %lt3A_256, %broadcast_in_dim3A_263, %broadcast_in_dim3A_264 : vector<16xi1>, vector<16xf32>
      %add3A_266 = arith.addf %add3A_236, %select_n3A_265 : vector<16xf32>
      scf.yield %add3A_260, %add3A_266 : vector<16xf32>, vector<16xf32>
    }
    %scan3A_125 = arith.constant 256 : i32
    %add3A_126 = arith.constant 49152 : i32
    %add3A_127 = arith.addi %mul3A_0, %add3A_126 : i32
    "tpu.region"() ({
      %run_scoped3A_147 = tpu.sem_alloc : memref<!tpu.dma_semaphore, #tpu.memory_space<semaphore_mem>>
      %dma_start3A = tpu.memref_slice %arg3[%add3A_127] : memref<1048576xf32, #tpu.memory_space<hbm>> -> memref<16384xf32, #tpu.memory_space<hbm>>
      %dma_start3A_148 = tpu.memref_slice %arg3[%add3A_127] : memref<1048576xf32, #tpu.memory_space<hbm>> -> memref<16384xf32, #tpu.memory_space<hbm>>
      tpu.enqueue_dma source(%dma_start3A_148 : memref<16384xf32, #tpu.memory_space<hbm>>) target(%arg6 : memref<16384xf32, #tpu.memory_space<vmem>>) target_semaphore(%run_scoped3A_147 : memref<!tpu.dma_semaphore, #tpu.memory_space<semaphore_mem>>)
      %dma_wait3A = tpu.memref_slice %arg3[%add3A_127] : memref<1048576xf32, #tpu.memory_space<hbm>> -> memref<16384xf32, #tpu.memory_space<hbm>>
      %dma_wait3A_149 = tpu.memref_slice %arg3[%add3A_127] : memref<1048576xf32, #tpu.memory_space<hbm>> -> memref<16384xf32, #tpu.memory_space<hbm>>
      tpu.wait_dma2 semaphore(%run_scoped3A_147 : memref<!tpu.dma_semaphore, #tpu.memory_space<semaphore_mem>>) src(%dma_wait3A_149 : memref<16384xf32, #tpu.memory_space<hbm>>) dst(%arg6 : memref<16384xf32, #tpu.memory_space<vmem>>)
      tpu.yield
    }) : () -> ()
    %scan3A_128 = arith.constant 0 : i32
    %scan3A_129 = arith.constant 256 : i32
    %scan3A_130 = arith.addi %scan3A_128, %scan3A_129 : i32
    %scan3A_131 = arith.constant 1 : i32
    %scan3A_132:2 = scf.for %scan3A_147 = %scan3A_128 to %scan3A_130 step %scan3A_131 iter_args(%scan3A_148 = %scan3A_124#0, %scan3A_149 = %scan3A_124#1) -> (vector<16xf32>, vector<16xf32>)  : i32 {
      %mul3A_150 = arith.constant 4 : i32
      %mul3A_151 = arith.muli %scan3A_147, %mul3A_150 : i32
      %add3A_152 = arith.constant 0 : i32
      %add3A_153 = arith.addi %mul3A_151, %add3A_152 : i32
      %mul3A_154 = arith.constant 16 : i32
      %mul3A_155 = arith.muli %add3A_153, %mul3A_154 : i32
      %add3A_156 = arith.constant 49152 : i32
      %add3A_157 = arith.addi %add3A_156, %mul3A_155 : i32
      %get3A_158 = arith.index_cast %add3A_157 : i32 to index
      %get3A_159 = tpu.vector_load %arg5[%get3A_158] {strides = array<i32>} : memref<65536xi32, #tpu.memory_space<vmem>>, vector<16xi32>,
      %mul3A_160 = arith.constant 4 : i32
      %mul3A_161 = arith.muli %scan3A_147, %mul3A_160 : i32
      %add3A_162 = arith.constant 0 : i32
      %add3A_163 = arith.addi %mul3A_161, %add3A_162 : i32
      %mul3A_164 = arith.constant 16 : i32
      %mul3A_165 = arith.muli %add3A_163, %mul3A_164 : i32
      %get3A_166 = arith.index_cast %mul3A_165 : i32 to index
      %get3A_167 = tpu.vector_load %arg6[%get3A_166] {strides = array<i32>} : memref<16384xf32, #tpu.memory_space<vmem>>, vector<16xf32>,
      %lt3A = vector.broadcast %cond3A_97 : i32 to vector<16xi32>
      %lt3A_168 = arith.cmpi slt, %get3A_159, %lt3A : vector<16xi32>
      %jit3A = arith.constant 0.000000e+00 : f32
      %broadcast_in_dim3A_169 = vector.broadcast %jit3A : f32 to vector<16xf32>
      %select_n3A = arith.select %lt3A_168, %get3A_167, %broadcast_in_dim3A_169 : vector<16xi1>, vector<16xf32>
      %add3A_170 = arith.addf %scan3A_148, %select_n3A : vector<16xf32>
      %jit3A_171 = arith.constant 1.000000e+00 : f32
      %jit3A_172 = arith.constant 0.000000e+00 : f32
      %broadcast_in_dim3A_173 = vector.broadcast %jit3A_171 : f32 to vector<16xf32>
      %broadcast_in_dim3A_174 = vector.broadcast %jit3A_172 : f32 to vector<16xf32>
      %select_n3A_175 = arith.select %lt3A_168, %broadcast_in_dim3A_173, %broadcast_in_dim3A_174 : vector<16xi1>, vector<16xf32>
      %add3A_176 = arith.addf %scan3A_149, %select_n3A_175 : vector<16xf32>
      %mul3A_177 = arith.constant 4 : i32
      %mul3A_178 = arith.muli %scan3A_147, %mul3A_177 : i32
      %add3A_179 = arith.constant 1 : i32
      %add3A_180 = arith.addi %mul3A_178, %add3A_179 : i32
      %mul3A_181 = arith.constant 16 : i32
      %mul3A_182 = arith.muli %add3A_180, %mul3A_181 : i32
      %add3A_183 = arith.constant 49152 : i32
      %add3A_184 = arith.addi %add3A_183, %mul3A_182 : i32
      %get3A_185 = arith.index_cast %add3A_184 : i32 to index
      %get3A_186 = tpu.vector_load %arg5[%get3A_185] {strides = array<i32>} : memref<65536xi32, #tpu.memory_space<vmem>>, vector<16xi32>,
      %mul3A_187 = arith.constant 4 : i32
      %mul3A_188 = arith.muli %scan3A_147, %mul3A_187 : i32
      %add3A_189 = arith.constant 1 : i32
      %add3A_190 = arith.addi %mul3A_188, %add3A_189 : i32
      %mul3A_191 = arith.constant 16 : i32
      %mul3A_192 = arith.muli %add3A_190, %mul3A_191 : i32
      %get3A_193 = arith.index_cast %mul3A_192 : i32 to index
      %get3A_194 = tpu.vector_load %arg6[%get3A_193] {strides = array<i32>} : memref<16384xf32, #tpu.memory_space<vmem>>, vector<16xf32>,
      %lt3A_195 = vector.broadcast %cond3A_97 : i32 to vector<16xi32>
      %lt3A_196 = arith.cmpi slt, %get3A_186, %lt3A_195 : vector<16xi32>
      %jit3A_197 = arith.constant 0.000000e+00 : f32
      %broadcast_in_dim3A_198 = vector.broadcast %jit3A_197 : f32 to vector<16xf32>
      %select_n3A_199 = arith.select %lt3A_196, %get3A_194, %broadcast_in_dim3A_198 : vector<16xi1>, vector<16xf32>
      %add3A_200 = arith.addf %add3A_170, %select_n3A_199 : vector<16xf32>
      %jit3A_201 = arith.constant 1.000000e+00 : f32
      %jit3A_202 = arith.constant 0.000000e+00 : f32
      %broadcast_in_dim3A_203 = vector.broadcast %jit3A_201 : f32 to vector<16xf32>
      %broadcast_in_dim3A_204 = vector.broadcast %jit3A_202 : f32 to vector<16xf32>
      %select_n3A_205 = arith.select %lt3A_196, %broadcast_in_dim3A_203, %broadcast_in_dim3A_204 : vector<16xi1>, vector<16xf32>
      %add3A_206 = arith.addf %add3A_176, %select_n3A_205 : vector<16xf32>
      %mul3A_207 = arith.constant 4 : i32
      %mul3A_208 = arith.muli %scan3A_147, %mul3A_207 : i32
      %add3A_209 = arith.constant 2 : i32
      %add3A_210 = arith.addi %mul3A_208, %add3A_209 : i32
      %mul3A_211 = arith.constant 16 : i32
      %mul3A_212 = arith.muli %add3A_210, %mul3A_211 : i32
      %add3A_213 = arith.constant 49152 : i32
      %add3A_214 = arith.addi %add3A_213, %mul3A_212 : i32
      %get3A_215 = arith.index_cast %add3A_214 : i32 to index
      %get3A_216 = tpu.vector_load %arg5[%get3A_215] {strides = array<i32>} : memref<65536xi32, #tpu.memory_space<vmem>>, vector<16xi32>,
      %mul3A_217 = arith.constant 4 : i32
      %mul3A_218 = arith.muli %scan3A_147, %mul3A_217 : i32
      %add3A_219 = arith.constant 2 : i32
      %add3A_220 = arith.addi %mul3A_218, %add3A_219 : i32
      %mul3A_221 = arith.constant 16 : i32
      %mul3A_222 = arith.muli %add3A_220, %mul3A_221 : i32
      %get3A_223 = arith.index_cast %mul3A_222 : i32 to index
      %get3A_224 = tpu.vector_load %arg6[%get3A_223] {strides = array<i32>} : memref<16384xf32, #tpu.memory_space<vmem>>, vector<16xf32>,
      %lt3A_225 = vector.broadcast %cond3A_97 : i32 to vector<16xi32>
      %lt3A_226 = arith.cmpi slt, %get3A_216, %lt3A_225 : vector<16xi32>
      %jit3A_227 = arith.constant 0.000000e+00 : f32
      %broadcast_in_dim3A_228 = vector.broadcast %jit3A_227 : f32 to vector<16xf32>
      %select_n3A_229 = arith.select %lt3A_226, %get3A_224, %broadcast_in_dim3A_228 : vector<16xi1>, vector<16xf32>
      %add3A_230 = arith.addf %add3A_200, %select_n3A_229 : vector<16xf32>
      %jit3A_231 = arith.constant 1.000000e+00 : f32
      %jit3A_232 = arith.constant 0.000000e+00 : f32
      %broadcast_in_dim3A_233 = vector.broadcast %jit3A_231 : f32 to vector<16xf32>
      %broadcast_in_dim3A_234 = vector.broadcast %jit3A_232 : f32 to vector<16xf32>
      %select_n3A_235 = arith.select %lt3A_226, %broadcast_in_dim3A_233, %broadcast_in_dim3A_234 : vector<16xi1>, vector<16xf32>
      %add3A_236 = arith.addf %add3A_206, %select_n3A_235 : vector<16xf32>
      %mul3A_237 = arith.constant 4 : i32
      %mul3A_238 = arith.muli %scan3A_147, %mul3A_237 : i32
      %add3A_239 = arith.constant 3 : i32
      %add3A_240 = arith.addi %mul3A_238, %add3A_239 : i32
      %mul3A_241 = arith.constant 16 : i32
      %mul3A_242 = arith.muli %add3A_240, %mul3A_241 : i32
      %add3A_243 = arith.constant 49152 : i32
      %add3A_244 = arith.addi %add3A_243, %mul3A_242 : i32
      %get3A_245 = arith.index_cast %add3A_244 : i32 to index
      %get3A_246 = tpu.vector_load %arg5[%get3A_245] {strides = array<i32>} : memref<65536xi32, #tpu.memory_space<vmem>>, vector<16xi32>,
      %mul3A_247 = arith.constant 4 : i32
      %mul3A_248 = arith.muli %scan3A_147, %mul3A_247 : i32
      %add3A_249 = arith.constant 3 : i32
      %add3A_250 = arith.addi %mul3A_248, %add3A_249 : i32
      %mul3A_251 = arith.constant 16 : i32
      %mul3A_252 = arith.muli %add3A_250, %mul3A_251 : i32
      %get3A_253 = arith.index_cast %mul3A_252 : i32 to index
      %get3A_254 = tpu.vector_load %arg6[%get3A_253] {strides = array<i32>} : memref<16384xf32, #tpu.memory_space<vmem>>, vector<16xf32>,
      %lt3A_255 = vector.broadcast %cond3A_97 : i32 to vector<16xi32>
      %lt3A_256 = arith.cmpi slt, %get3A_246, %lt3A_255 : vector<16xi32>
      %jit3A_257 = arith.constant 0.000000e+00 : f32
      %broadcast_in_dim3A_258 = vector.broadcast %jit3A_257 : f32 to vector<16xf32>
      %select_n3A_259 = arith.select %lt3A_256, %get3A_254, %broadcast_in_dim3A_258 : vector<16xi1>, vector<16xf32>
      %add3A_260 = arith.addf %add3A_230, %select_n3A_259 : vector<16xf32>
      %jit3A_261 = arith.constant 1.000000e+00 : f32
      %jit3A_262 = arith.constant 0.000000e+00 : f32
      %broadcast_in_dim3A_263 = vector.broadcast %jit3A_261 : f32 to vector<16xf32>
      %broadcast_in_dim3A_264 = vector.broadcast %jit3A_262 : f32 to vector<16xf32>
      %select_n3A_265 = arith.select %lt3A_256, %broadcast_in_dim3A_263, %broadcast_in_dim3A_264 : vector<16xi1>, vector<16xf32>
      %add3A_266 = arith.addf %add3A_236, %select_n3A_265 : vector<16xf32>
      scf.yield %add3A_260, %add3A_266 : vector<16xf32>, vector<16xf32>
    }
    %scan3A_133 = arith.constant 256 : i32
    %swap3A_134 = arith.constant 0 : i32
    %swap3A_135 = arith.index_cast %swap3A_134 : i32 to index
    %swap3A_136 = arith.constant 0 : index
    %swap3A_137 = tpu.vector_load %arg11[%swap3A_135, %swap3A_136] {strides = array<i32>} : memref<2x16xf32, #tpu.memory_space<vmem>>, vector<16xf32>,
    tpu.vector_store %arg11[%swap3A_135, %swap3A_136], %scan3A_132#0 {strides = array<i32>} : memref<2x16xf32, #tpu.memory_space<vmem>>, vector<16xf32>,
    %swap3A_138 = arith.constant 1 : i32
    %swap3A_139 = arith.index_cast %swap3A_138 : i32 to index
    %swap3A_140 = arith.constant 0 : index
    %swap3A_141 = tpu.vector_load %arg11[%swap3A_139, %swap3A_140] {strides = array<i32>} : memref<2x16xf32, #tpu.memory_space<vmem>>, vector<16xf32>,
    tpu.vector_store %arg11[%swap3A_139, %swap3A_140], %scan3A_132#1 {strides = array<i32>} : memref<2x16xf32, #tpu.memory_space<vmem>>, vector<16xf32>,
    "tpu.region"() ({
      %run_scoped3A_147 = tpu.sem_alloc : memref<!tpu.dma_semaphore, #tpu.memory_space<semaphore_mem>>
      %dma_start3A = arith.constant 0 : i32
      %dma_start3A_148 = arith.constant 0 : i32
      %dma_start3A_149 = tpu.memref_slice %arg16[%arg1, %dma_start3A, %dma_start3A_148] : memref<16x2x16xf32, #tpu.memory_space<vmem_shared>> -> memref<1x2x16xf32, #tpu.memory_space<vmem_shared>>
      %dma_start3A_150 = tpu.memref_squeeze %dma_start3A_149 : memref<1x2x16xf32, #tpu.memory_space<vmem_shared>> -> memref<2x16xf32, #tpu.memory_space<vmem_shared>>
      %dma_start3A_151 = arith.constant 0 : i32
      %dma_start3A_152 = arith.constant 0 : i32
      %dma_start3A_153 = tpu.memref_slice %arg16[%arg1, %dma_start3A_151, %dma_start3A_152] : memref<16x2x16xf32, #tpu.memory_space<vmem_shared>> -> memref<1x2x16xf32, #tpu.memory_space<vmem_shared>>
      %dma_start3A_154 = tpu.memref_squeeze %dma_start3A_153 : memref<1x2x16xf32, #tpu.memory_space<vmem_shared>> -> memref<2x16xf32, #tpu.memory_space<vmem_shared>>
      tpu.enqueue_dma source(%arg11 : memref<2x16xf32, #tpu.memory_space<vmem>>) target(%dma_start3A_154 : memref<2x16xf32, #tpu.memory_space<vmem_shared>>) target_semaphore(%run_scoped3A_147 : memref<!tpu.dma_semaphore, #tpu.memory_space<semaphore_mem>>)
      %dma_wait3A = arith.constant 0 : i32
      %dma_wait3A_155 = arith.constant 0 : i32
      %dma_wait3A_156 = tpu.memref_slice %arg16[%arg1, %dma_wait3A, %dma_wait3A_155] : memref<16x2x16xf32, #tpu.memory_space<vmem_shared>> -> memref<1x2x16xf32, #tpu.memory_space<vmem_shared>>
      %dma_wait3A_157 = tpu.memref_squeeze %dma_wait3A_156 : memref<1x2x16xf32, #tpu.memory_space<vmem_shared>> -> memref<2x16xf32, #tpu.memory_space<vmem_shared>>
      %dma_wait3A_158 = arith.constant 0 : i32
      %dma_wait3A_159 = arith.constant 0 : i32
      %dma_wait3A_160 = tpu.memref_slice %arg16[%arg1, %dma_wait3A_158, %dma_wait3A_159] : memref<16x2x16xf32, #tpu.memory_space<vmem_shared>> -> memref<1x2x16xf32, #tpu.memory_space<vmem_shared>>
      %dma_wait3A_161 = tpu.memref_squeeze %dma_wait3A_160 : memref<1x2x16xf32, #tpu.memory_space<vmem_shared>> -> memref<2x16xf32, #tpu.memory_space<vmem_shared>>
      tpu.wait_dma2 semaphore(%run_scoped3A_147 : memref<!tpu.dma_semaphore, #tpu.memory_space<semaphore_mem>>) src(%arg11 : memref<2x16xf32, #tpu.memory_space<vmem>>) dst(%dma_wait3A_161 : memref<2x16xf32, #tpu.memory_space<vmem_shared>>)
      tpu.yield
    }) : () -> ()
    %barrier3A_142 = arith.constant 0 : index
    tpu.barrier barrier_id(%barrier3A_142)
    %eq3A = arith.constant 0 : i32
    %eq3A_143 = arith.cmpi eq, %arg1, %eq3A : i32
    %convert_element_type3A_144 = arith.extui %eq3A_143 : i1 to i32
    %cond3A_145 = arith.constant 0 : i32
    %cond3A_146 = arith.cmpi ne, %convert_element_type3A_144, %cond3A_145 : i32
    scf.if %cond3A_146 {
      "tpu.region"() ({
        %run_scoped3A_381 = tpu.sem_alloc : memref<!tpu.dma_semaphore, #tpu.memory_space<semaphore_mem>>
        tpu.enqueue_dma source(%arg16 : memref<16x2x16xf32, #tpu.memory_space<vmem_shared>>) target(%arg12 : memref<16x2x16xf32, #tpu.memory_space<vmem>>) target_semaphore(%run_scoped3A_381 : memref<!tpu.dma_semaphore, #tpu.memory_space<semaphore_mem>>)
        tpu.wait_dma2 semaphore(%run_scoped3A_381 : memref<!tpu.dma_semaphore, #tpu.memory_space<semaphore_mem>>) src(%arg16 : memref<16x2x16xf32, #tpu.memory_space<vmem_shared>>) dst(%arg12 : memref<16x2x16xf32, #tpu.memory_space<vmem>>)
        tpu.yield
      }) : () -> ()
      %get3A_147 = arith.constant 0 : i32
      %get3A_148 = arith.constant 0 : i32
      %get3A_149 = arith.index_cast %get3A_147 : i32 to index
      %get3A_150 = arith.index_cast %get3A_148 : i32 to index
      %get3A_151 = arith.constant 0 : index
      %get3A_152 = tpu.vector_load %arg12[%get3A_149, %get3A_150, %get3A_151] {strides = array<i32>} : memref<16x2x16xf32, #tpu.memory_space<vmem>>, vector<16xf32>,
      %get3A_153 = arith.constant 0 : i32
      %get3A_154 = arith.constant 1 : i32
      %get3A_155 = arith.index_cast %get3A_153 : i32 to index
      %get3A_156 = arith.index_cast %get3A_154 : i32 to index
      %get3A_157 = arith.constant 0 : index
      %get3A_158 = tpu.vector_load %arg12[%get3A_155, %get3A_156, %get3A_157] {strides = array<i32>} : memref<16x2x16xf32, #tpu.memory_space<vmem>>, vector<16xf32>,
      %get3A_159 = arith.constant 1 : i32
      %get3A_160 = arith.constant 0 : i32
      %get3A_161 = arith.index_cast %get3A_159 : i32 to index
      %get3A_162 = arith.index_cast %get3A_160 : i32 to index
      %get3A_163 = arith.constant 0 : index
      %get3A_164 = tpu.vector_load %arg12[%get3A_161, %get3A_162, %get3A_163] {strides = array<i32>} : memref<16x2x16xf32, #tpu.memory_space<vmem>>, vector<16xf32>,
      %add3A_165 = arith.addf %get3A_152, %get3A_164 : vector<16xf32>
      %get3A_166 = arith.constant 1 : i32
      %get3A_167 = arith.constant 1 : i32
      %get3A_168 = arith.index_cast %get3A_166 : i32 to index
      %get3A_169 = arith.index_cast %get3A_167 : i32 to index
      %get3A_170 = arith.constant 0 : index
      %get3A_171 = tpu.vector_load %arg12[%get3A_168, %get3A_169, %get3A_170] {strides = array<i32>} : memref<16x2x16xf32, #tpu.memory_space<vmem>>, vector<16xf32>,
      %add3A_172 = arith.addf %get3A_158, %get3A_171 : vector<16xf32>
      %get3A_173 = arith.constant 2 : i32
      %get3A_174 = arith.constant 0 : i32
      %get3A_175 = arith.index_cast %get3A_173 : i32 to index
      %get3A_176 = arith.index_cast %get3A_174 : i32 to index
      %get3A_177 = arith.constant 0 : index
      %get3A_178 = tpu.vector_load %arg12[%get3A_175, %get3A_176, %get3A_177] {strides = array<i32>} : memref<16x2x16xf32, #tpu.memory_space<vmem>>, vector<16xf32>,
      %add3A_179 = arith.addf %add3A_165, %get3A_178 : vector<16xf32>
      %get3A_180 = arith.constant 2 : i32
      %get3A_181 = arith.constant 1 : i32
      %get3A_182 = arith.index_cast %get3A_180 : i32 to index
      %get3A_183 = arith.index_cast %get3A_181 : i32 to index
      %get3A_184 = arith.constant 0 : index
      %get3A_185 = tpu.vector_load %arg12[%get3A_182, %get3A_183, %get3A_184] {strides = array<i32>} : memref<16x2x16xf32, #tpu.memory_space<vmem>>, vector<16xf32>,
      %add3A_186 = arith.addf %add3A_172, %get3A_185 : vector<16xf32>
      %get3A_187 = arith.constant 3 : i32
      %get3A_188 = arith.constant 0 : i32
      %get3A_189 = arith.index_cast %get3A_187 : i32 to index
      %get3A_190 = arith.index_cast %get3A_188 : i32 to index
      %get3A_191 = arith.constant 0 : index
      %get3A_192 = tpu.vector_load %arg12[%get3A_189, %get3A_190, %get3A_191] {strides = array<i32>} : memref<16x2x16xf32, #tpu.memory_space<vmem>>, vector<16xf32>,
      %add3A_193 = arith.addf %add3A_179, %get3A_192 : vector<16xf32>
      %get3A_194 = arith.constant 3 : i32
      %get3A_195 = arith.constant 1 : i32
      %get3A_196 = arith.index_cast %get3A_194 : i32 to index
      %get3A_197 = arith.index_cast %get3A_195 : i32 to index
      %get3A_198 = arith.constant 0 : index
      %get3A_199 = tpu.vector_load %arg12[%get3A_196, %get3A_197, %get3A_198] {strides = array<i32>} : memref<16x2x16xf32, #tpu.memory_space<vmem>>, vector<16xf32>,
      %add3A_200 = arith.addf %add3A_186, %get3A_199 : vector<16xf32>
      %get3A_201 = arith.constant 4 : i32
      %get3A_202 = arith.constant 0 : i32
      %get3A_203 = arith.index_cast %get3A_201 : i32 to index
      %get3A_204 = arith.index_cast %get3A_202 : i32 to index
      %get3A_205 = arith.constant 0 : index
      %get3A_206 = tpu.vector_load %arg12[%get3A_203, %get3A_204, %get3A_205] {strides = array<i32>} : memref<16x2x16xf32, #tpu.memory_space<vmem>>, vector<16xf32>,
      %add3A_207 = arith.addf %add3A_193, %get3A_206 : vector<16xf32>
      %get3A_208 = arith.constant 4 : i32
      %get3A_209 = arith.constant 1 : i32
      %get3A_210 = arith.index_cast %get3A_208 : i32 to index
      %get3A_211 = arith.index_cast %get3A_209 : i32 to index
      %get3A_212 = arith.constant 0 : index
      %get3A_213 = tpu.vector_load %arg12[%get3A_210, %get3A_211, %get3A_212] {strides = array<i32>} : memref<16x2x16xf32, #tpu.memory_space<vmem>>, vector<16xf32>,
      %add3A_214 = arith.addf %add3A_200, %get3A_213 : vector<16xf32>
      %get3A_215 = arith.constant 5 : i32
      %get3A_216 = arith.constant 0 : i32
      %get3A_217 = arith.index_cast %get3A_215 : i32 to index
      %get3A_218 = arith.index_cast %get3A_216 : i32 to index
      %get3A_219 = arith.constant 0 : index
      %get3A_220 = tpu.vector_load %arg12[%get3A_217, %get3A_218, %get3A_219] {strides = array<i32>} : memref<16x2x16xf32, #tpu.memory_space<vmem>>, vector<16xf32>,
      %add3A_221 = arith.addf %add3A_207, %get3A_220 : vector<16xf32>
      %get3A_222 = arith.constant 5 : i32
      %get3A_223 = arith.constant 1 : i32
      %get3A_224 = arith.index_cast %get3A_222 : i32 to index
      %get3A_225 = arith.index_cast %get3A_223 : i32 to index
      %get3A_226 = arith.constant 0 : index
      %get3A_227 = tpu.vector_load %arg12[%get3A_224, %get3A_225, %get3A_226] {strides = array<i32>} : memref<16x2x16xf32, #tpu.memory_space<vmem>>, vector<16xf32>,
      %add3A_228 = arith.addf %add3A_214, %get3A_227 : vector<16xf32>
      %get3A_229 = arith.constant 6 : i32
      %get3A_230 = arith.constant 0 : i32
      %get3A_231 = arith.index_cast %get3A_229 : i32 to index
      %get3A_232 = arith.index_cast %get3A_230 : i32 to index
      %get3A_233 = arith.constant 0 : index
      %get3A_234 = tpu.vector_load %arg12[%get3A_231, %get3A_232, %get3A_233] {strides = array<i32>} : memref<16x2x16xf32, #tpu.memory_space<vmem>>, vector<16xf32>,
      %add3A_235 = arith.addf %add3A_221, %get3A_234 : vector<16xf32>
      %get3A_236 = arith.constant 6 : i32
      %get3A_237 = arith.constant 1 : i32
      %get3A_238 = arith.index_cast %get3A_236 : i32 to index
      %get3A_239 = arith.index_cast %get3A_237 : i32 to index
      %get3A_240 = arith.constant 0 : index
      %get3A_241 = tpu.vector_load %arg12[%get3A_238, %get3A_239, %get3A_240] {strides = array<i32>} : memref<16x2x16xf32, #tpu.memory_space<vmem>>, vector<16xf32>,
      %add3A_242 = arith.addf %add3A_228, %get3A_241 : vector<16xf32>
      %get3A_243 = arith.constant 7 : i32
      %get3A_244 = arith.constant 0 : i32
      %get3A_245 = arith.index_cast %get3A_243 : i32 to index
      %get3A_246 = arith.index_cast %get3A_244 : i32 to index
      %get3A_247 = arith.constant 0 : index
      %get3A_248 = tpu.vector_load %arg12[%get3A_245, %get3A_246, %get3A_247] {strides = array<i32>} : memref<16x2x16xf32, #tpu.memory_space<vmem>>, vector<16xf32>,
      %add3A_249 = arith.addf %add3A_235, %get3A_248 : vector<16xf32>
      %get3A_250 = arith.constant 7 : i32
      %get3A_251 = arith.constant 1 : i32
      %get3A_252 = arith.index_cast %get3A_250 : i32 to index
      %get3A_253 = arith.index_cast %get3A_251 : i32 to index
      %get3A_254 = arith.constant 0 : index
      %get3A_255 = tpu.vector_load %arg12[%get3A_252, %get3A_253, %get3A_254] {strides = array<i32>} : memref<16x2x16xf32, #tpu.memory_space<vmem>>, vector<16xf32>,
      %add3A_256 = arith.addf %add3A_242, %get3A_255 : vector<16xf32>
      %get3A_257 = arith.constant 8 : i32
      %get3A_258 = arith.constant 0 : i32
      %get3A_259 = arith.index_cast %get3A_257 : i32 to index
      %get3A_260 = arith.index_cast %get3A_258 : i32 to index
      %get3A_261 = arith.constant 0 : index
      %get3A_262 = tpu.vector_load %arg12[%get3A_259, %get3A_260, %get3A_261] {strides = array<i32>} : memref<16x2x16xf32, #tpu.memory_space<vmem>>, vector<16xf32>,
      %add3A_263 = arith.addf %add3A_249, %get3A_262 : vector<16xf32>
      %get3A_264 = arith.constant 8 : i32
      %get3A_265 = arith.constant 1 : i32
      %get3A_266 = arith.index_cast %get3A_264 : i32 to index
      %get3A_267 = arith.index_cast %get3A_265 : i32 to index
      %get3A_268 = arith.constant 0 : index
      %get3A_269 = tpu.vector_load %arg12[%get3A_266, %get3A_267, %get3A_268] {strides = array<i32>} : memref<16x2x16xf32, #tpu.memory_space<vmem>>, vector<16xf32>,
      %add3A_270 = arith.addf %add3A_256, %get3A_269 : vector<16xf32>
      %get3A_271 = arith.constant 9 : i32
      %get3A_272 = arith.constant 0 : i32
      %get3A_273 = arith.index_cast %get3A_271 : i32 to index
      %get3A_274 = arith.index_cast %get3A_272 : i32 to index
      %get3A_275 = arith.constant 0 : index
      %get3A_276 = tpu.vector_load %arg12[%get3A_273, %get3A_274, %get3A_275] {strides = array<i32>} : memref<16x2x16xf32, #tpu.memory_space<vmem>>, vector<16xf32>,
      %add3A_277 = arith.addf %add3A_263, %get3A_276 : vector<16xf32>
      %get3A_278 = arith.constant 9 : i32
      %get3A_279 = arith.constant 1 : i32
      %get3A_280 = arith.index_cast %get3A_278 : i32 to index
      %get3A_281 = arith.index_cast %get3A_279 : i32 to index
      %get3A_282 = arith.constant 0 : index
      %get3A_283 = tpu.vector_load %arg12[%get3A_280, %get3A_281, %get3A_282] {strides = array<i32>} : memref<16x2x16xf32, #tpu.memory_space<vmem>>, vector<16xf32>,
      %add3A_284 = arith.addf %add3A_270, %get3A_283 : vector<16xf32>
      %get3A_285 = arith.constant 10 : i32
      %get3A_286 = arith.constant 0 : i32
      %get3A_287 = arith.index_cast %get3A_285 : i32 to index
      %get3A_288 = arith.index_cast %get3A_286 : i32 to index
      %get3A_289 = arith.constant 0 : index
      %get3A_290 = tpu.vector_load %arg12[%get3A_287, %get3A_288, %get3A_289] {strides = array<i32>} : memref<16x2x16xf32, #tpu.memory_space<vmem>>, vector<16xf32>,
      %add3A_291 = arith.addf %add3A_277, %get3A_290 : vector<16xf32>
      %get3A_292 = arith.constant 10 : i32
      %get3A_293 = arith.constant 1 : i32
      %get3A_294 = arith.index_cast %get3A_292 : i32 to index
      %get3A_295 = arith.index_cast %get3A_293 : i32 to index
      %get3A_296 = arith.constant 0 : index
      %get3A_297 = tpu.vector_load %arg12[%get3A_294, %get3A_295, %get3A_296] {strides = array<i32>} : memref<16x2x16xf32, #tpu.memory_space<vmem>>, vector<16xf32>,
      %add3A_298 = arith.addf %add3A_284, %get3A_297 : vector<16xf32>
      %get3A_299 = arith.constant 11 : i32
      %get3A_300 = arith.constant 0 : i32
      %get3A_301 = arith.index_cast %get3A_299 : i32 to index
      %get3A_302 = arith.index_cast %get3A_300 : i32 to index
      %get3A_303 = arith.constant 0 : index
      %get3A_304 = tpu.vector_load %arg12[%get3A_301, %get3A_302, %get3A_303] {strides = array<i32>} : memref<16x2x16xf32, #tpu.memory_space<vmem>>, vector<16xf32>,
      %add3A_305 = arith.addf %add3A_291, %get3A_304 : vector<16xf32>
      %get3A_306 = arith.constant 11 : i32
      %get3A_307 = arith.constant 1 : i32
      %get3A_308 = arith.index_cast %get3A_306 : i32 to index
      %get3A_309 = arith.index_cast %get3A_307 : i32 to index
      %get3A_310 = arith.constant 0 : index
      %get3A_311 = tpu.vector_load %arg12[%get3A_308, %get3A_309, %get3A_310] {strides = array<i32>} : memref<16x2x16xf32, #tpu.memory_space<vmem>>, vector<16xf32>,
      %add3A_312 = arith.addf %add3A_298, %get3A_311 : vector<16xf32>
      %get3A_313 = arith.constant 12 : i32
      %get3A_314 = arith.constant 0 : i32
      %get3A_315 = arith.index_cast %get3A_313 : i32 to index
      %get3A_316 = arith.index_cast %get3A_314 : i32 to index
      %get3A_317 = arith.constant 0 : index
      %get3A_318 = tpu.vector_load %arg12[%get3A_315, %get3A_316, %get3A_317] {strides = array<i32>} : memref<16x2x16xf32, #tpu.memory_space<vmem>>, vector<16xf32>,
      %add3A_319 = arith.addf %add3A_305, %get3A_318 : vector<16xf32>
      %get3A_320 = arith.constant 12 : i32
      %get3A_321 = arith.constant 1 : i32
      %get3A_322 = arith.index_cast %get3A_320 : i32 to index
      %get3A_323 = arith.index_cast %get3A_321 : i32 to index
      %get3A_324 = arith.constant 0 : index
      %get3A_325 = tpu.vector_load %arg12[%get3A_322, %get3A_323, %get3A_324] {strides = array<i32>} : memref<16x2x16xf32, #tpu.memory_space<vmem>>, vector<16xf32>,
      %add3A_326 = arith.addf %add3A_312, %get3A_325 : vector<16xf32>
      %get3A_327 = arith.constant 13 : i32
      %get3A_328 = arith.constant 0 : i32
      %get3A_329 = arith.index_cast %get3A_327 : i32 to index
      %get3A_330 = arith.index_cast %get3A_328 : i32 to index
      %get3A_331 = arith.constant 0 : index
      %get3A_332 = tpu.vector_load %arg12[%get3A_329, %get3A_330, %get3A_331] {strides = array<i32>} : memref<16x2x16xf32, #tpu.memory_space<vmem>>, vector<16xf32>,
      %add3A_333 = arith.addf %add3A_319, %get3A_332 : vector<16xf32>
      %get3A_334 = arith.constant 13 : i32
      %get3A_335 = arith.constant 1 : i32
      %get3A_336 = arith.index_cast %get3A_334 : i32 to index
      %get3A_337 = arith.index_cast %get3A_335 : i32 to index
      %get3A_338 = arith.constant 0 : index
      %get3A_339 = tpu.vector_load %arg12[%get3A_336, %get3A_337, %get3A_338] {strides = array<i32>} : memref<16x2x16xf32, #tpu.memory_space<vmem>>, vector<16xf32>,
      %add3A_340 = arith.addf %add3A_326, %get3A_339 : vector<16xf32>
      %get3A_341 = arith.constant 14 : i32
      %get3A_342 = arith.constant 0 : i32
      %get3A_343 = arith.index_cast %get3A_341 : i32 to index
      %get3A_344 = arith.index_cast %get3A_342 : i32 to index
      %get3A_345 = arith.constant 0 : index
      %get3A_346 = tpu.vector_load %arg12[%get3A_343, %get3A_344, %get3A_345] {strides = array<i32>} : memref<16x2x16xf32, #tpu.memory_space<vmem>>, vector<16xf32>,
      %add3A_347 = arith.addf %add3A_333, %get3A_346 : vector<16xf32>
      %get3A_348 = arith.constant 14 : i32
      %get3A_349 = arith.constant 1 : i32
      %get3A_350 = arith.index_cast %get3A_348 : i32 to index
      %get3A_351 = arith.index_cast %get3A_349 : i32 to index
      %get3A_352 = arith.constant 0 : index
      %get3A_353 = tpu.vector_load %arg12[%get3A_350, %get3A_351, %get3A_352] {strides = array<i32>} : memref<16x2x16xf32, #tpu.memory_space<vmem>>, vector<16xf32>,
      %add3A_354 = arith.addf %add3A_340, %get3A_353 : vector<16xf32>
      %get3A_355 = arith.constant 15 : i32
      %get3A_356 = arith.constant 0 : i32
      %get3A_357 = arith.index_cast %get3A_355 : i32 to index
      %get3A_358 = arith.index_cast %get3A_356 : i32 to index
      %get3A_359 = arith.constant 0 : index
      %get3A_360 = tpu.vector_load %arg12[%get3A_357, %get3A_358, %get3A_359] {strides = array<i32>} : memref<16x2x16xf32, #tpu.memory_space<vmem>>, vector<16xf32>,
      %add3A_361 = arith.addf %add3A_347, %get3A_360 : vector<16xf32>
      %get3A_362 = arith.constant 15 : i32
      %get3A_363 = arith.constant 1 : i32
      %get3A_364 = arith.index_cast %get3A_362 : i32 to index
      %get3A_365 = arith.index_cast %get3A_363 : i32 to index
      %get3A_366 = arith.constant 0 : index
      %get3A_367 = tpu.vector_load %arg12[%get3A_364, %get3A_365, %get3A_366] {strides = array<i32>} : memref<16x2x16xf32, #tpu.memory_space<vmem>>, vector<16xf32>,
      %add3A_368 = arith.addf %add3A_354, %get3A_367 : vector<16xf32>
      %reduce_sum3A_369 = arith.constant true
      %reduce_sum3A_370 = vector.broadcast %reduce_sum3A_369 : i1 to vector<16xi1>
      %reduce_sum3A_371 = tpu.scan <sum>, %add3A_361 masked %reduce_sum3A_370 : vector<16xf32>, vector<16xi1> -> vector<16xf32>
      %reduce_sum3A_372 = vector.extract %reduce_sum3A_371[15] : f32 from vector<16xf32>
      %broadcast_in_dim3A_373 = vector.broadcast %reduce_sum3A_372 : f32 to vector<16xf32>
      %reduce_sum3A_374 = arith.constant true
      %reduce_sum3A_375 = vector.broadcast %reduce_sum3A_374 : i1 to vector<16xi1>
      %reduce_sum3A_376 = tpu.scan <sum>, %add3A_368 masked %reduce_sum3A_375 : vector<16xf32>, vector<16xi1> -> vector<16xf32>
      %reduce_sum3A_377 = vector.extract %reduce_sum3A_376[15] : f32 from vector<16xf32>
      %broadcast_in_dim3A_378 = vector.broadcast %reduce_sum3A_377 : f32 to vector<16xf32>
      %div3A = arith.divf %broadcast_in_dim3A_373, %broadcast_in_dim3A_378 : vector<16xf32>
      %swap3A_379 = arith.constant 0 : index
      %swap3A_380 = tpu.vector_load %arg13[%swap3A_379] {strides = array<i32>} : memref<16xf32, #tpu.memory_space<vmem>>, vector<16xf32>,
      tpu.vector_store %arg13[%swap3A_379], %div3A {strides = array<i32>} : memref<16xf32, #tpu.memory_space<vmem>>, vector<16xf32>,
      "tpu.region"() ({
        %run_scoped3A_381 = tpu.sem_alloc : memref<!tpu.dma_semaphore, #tpu.memory_space<semaphore_mem>>
        tpu.enqueue_dma source(%arg13 : memref<16xf32, #tpu.memory_space<vmem>>) target(%arg4 : memref<16xf32, #tpu.memory_space<hbm>>) target_semaphore(%run_scoped3A_381 : memref<!tpu.dma_semaphore, #tpu.memory_space<semaphore_mem>>)
        tpu.wait_dma2 semaphore(%run_scoped3A_381 : memref<!tpu.dma_semaphore, #tpu.memory_space<semaphore_mem>>) src(%arg13 : memref<16xf32, #tpu.memory_space<vmem>>) dst(%arg4 : memref<16xf32, #tpu.memory_space<hbm>>)
        tpu.yield
      }) : () -> ()
    } else {
    }
    return
  }
}

module attributes {stable_mosaic.version = 14 : i64} {
  func.func @_dense_body(%arg0: i32, %arg1: i32, %arg2: memref<1x19x64x512xf32, #tpu.memory_space<vmem>>, %arg3: memref<1x64x512xi32, #tpu.memory_space<vmem>>, %arg4: memref<19x512xf32, #tpu.memory_space<vmem>>, %arg5: memref<1x64x512xi32, #tpu.memory_space<vmem>>, %arg6: memref<1x64x512xf32, #tpu.memory_space<vmem>>) attributes {dimension_semantics = [#tpu.dimension_semantics<arbitrary>, #tpu.dimension_semantics<arbitrary>], iteration_bounds = array<i64: 4, 8>, scalar_prefetch = 0 : i64, scratch_operands = 0 : i64, tpu.core_type = #tpu.core_type<tc>, window_params = [{transform_indices = @transform_0, window_bounds = array<i64: 1, 19, 64, 512>}, {transform_indices = @transform_1, window_bounds = array<i64: 1, 64, 512>}, {pipeline_mode = #tpu.pipeline_mode<synchronous>, transform_indices = @transform_2, window_bounds = array<i64: 19, 512>}, {transform_indices = @transform_3, window_bounds = array<i64: 1, 64, 512>}, {transform_indices = @transform_4, window_bounds = array<i64: 1, 64, 512>}]} {
    %get3A = arith.constant 0 : index
    %get3A_0 = arith.constant 0 : index
    %get3A_1 = arith.constant 0 : index
    %get3A_2 = arith.constant 0 : index
    %get3A_3 = vector.load %arg2[%get3A, %get3A_0, %get3A_1, %get3A_2] : memref<1x19x64x512xf32, #tpu.memory_space<vmem>>, vector<1x19x64x512xf32>
    %get3A_4 = vector.shape_cast %get3A_3 : vector<1x19x64x512xf32> to vector<19x64x512xf32>
    %get3A_5 = arith.constant 0 : index
    %get3A_6 = arith.constant 0 : index
    %get3A_7 = arith.constant 0 : index
    %get3A_8 = vector.load %arg3[%get3A_5, %get3A_6, %get3A_7] : memref<1x64x512xi32, #tpu.memory_space<vmem>>, vector<1x64x512xi32>
    %get3A_9 = vector.shape_cast %get3A_8 : vector<1x64x512xi32> to vector<64x512xi32>
    %reduce_max3A = arith.constant dense<0xFF800000> : vector<64x512xf32>
    %reduce_max3A_10 = vector.multi_reduction <maximumf>, %get3A_4, %reduce_max3A [0] : vector<19x64x512xf32> to vector<64x512xf32>
    %broadcast_in_dim3A = vector.shape_cast %reduce_max3A_10 : vector<64x512xf32> to vector<1x64x512xf32>
    %sub3A = vector.broadcast %broadcast_in_dim3A : vector<1x64x512xf32> to vector<19x64x512xf32>
    %sub3A_11 = arith.subf %get3A_4, %sub3A : vector<19x64x512xf32>
    %exp3A = math.exp %sub3A_11 : vector<19x64x512xf32>
    %reduce_sum3A = arith.constant dense<0.000000e+00> : vector<64x512xf32>
    %reduce_sum3A_12 = vector.multi_reduction <add>, %exp3A, %reduce_sum3A [0] : vector<19x64x512xf32> to vector<64x512xf32>
    %broadcast_in_dim3A_13 = arith.constant 0.000000e+00 : f32
    %broadcast_in_dim3A_14 = vector.broadcast %broadcast_in_dim3A_13 : f32 to vector<64x512xf32>
    %broadcast_in_dim3A_15 = arith.constant 0.000000e+00 : f32
    %broadcast_in_dim3A_16 = vector.broadcast %broadcast_in_dim3A_15 : f32 to vector<64x512xf32>
    %broadcast_in_dim3A_17 = arith.constant 0.000000e+00 : f32
    %broadcast_in_dim3A_18 = vector.broadcast %broadcast_in_dim3A_17 : f32 to vector<64x512xf32>
    %eq3A = arith.constant 0 : i32
    %eq3A_19 = vector.broadcast %eq3A : i32 to vector<64x512xi32>
    %eq3A_20 = arith.cmpi eq, %get3A_9, %eq3A_19 : vector<64x512xi32>
    %slice3A = vector.extract_strided_slice %get3A_4 {offsets = [0, 0, 0], sizes = [1, 64, 512], strides = [1, 1, 1]} : vector<19x64x512xf32> to vector<1x64x512xf32>
    %squeeze3A = vector.shape_cast %slice3A : vector<1x64x512xf32> to vector<64x512xf32>
    %select_n3A = arith.select %eq3A_20, %squeeze3A, %broadcast_in_dim3A_14 : vector<64x512xi1>, vector<64x512xf32>
    %slice3A_21 = vector.extract_strided_slice %exp3A {offsets = [0, 0, 0], sizes = [1, 64, 512], strides = [1, 1, 1]} : vector<19x64x512xf32> to vector<1x64x512xf32>
    %squeeze3A_22 = vector.shape_cast %slice3A_21 : vector<1x64x512xf32> to vector<64x512xf32>
    %select_n3A_23 = arith.select %eq3A_20, %squeeze3A_22, %broadcast_in_dim3A_16 : vector<64x512xi1>, vector<64x512xf32>
    %get3A_24 = arith.constant 0 : index
    %get3A_25 = arith.constant 0 : index
    %get3A_26 = vector.load %arg4[%get3A_24, %get3A_25] : memref<19x512xf32, #tpu.memory_space<vmem>>, vector<1x512xf32>
    %get3A_27 = vector.shape_cast %get3A_26 : vector<1x512xf32> to vector<512xf32>
    %broadcast_in_dim3A_28 = vector.shape_cast %get3A_27 : vector<512xf32> to vector<1x512xf32>
    %broadcast_in_dim3A_29 = vector.shape_cast %broadcast_in_dim3A_28 : vector<1x512xf32> to vector<1x512xf32>
    %broadcast_in_dim3A_30 = vector.broadcast %broadcast_in_dim3A_29 : vector<1x512xf32> to vector<64x512xf32>
    %select_n3A_31 = arith.select %eq3A_20, %broadcast_in_dim3A_30, %broadcast_in_dim3A_18 : vector<64x512xi1>, vector<64x512xf32>
    %eq3A_32 = arith.constant 1 : i32
    %eq3A_33 = vector.broadcast %eq3A_32 : i32 to vector<64x512xi32>
    %eq3A_34 = arith.cmpi eq, %get3A_9, %eq3A_33 : vector<64x512xi32>
    %slice3A_35 = vector.extract_strided_slice %get3A_4 {offsets = [1, 0, 0], sizes = [1, 64, 512], strides = [1, 1, 1]} : vector<19x64x512xf32> to vector<1x64x512xf32>
    %squeeze3A_36 = vector.shape_cast %slice3A_35 : vector<1x64x512xf32> to vector<64x512xf32>
    %select_n3A_37 = arith.select %eq3A_34, %squeeze3A_36, %select_n3A : vector<64x512xi1>, vector<64x512xf32>
    %slice3A_38 = vector.extract_strided_slice %exp3A {offsets = [1, 0, 0], sizes = [1, 64, 512], strides = [1, 1, 1]} : vector<19x64x512xf32> to vector<1x64x512xf32>
    %squeeze3A_39 = vector.shape_cast %slice3A_38 : vector<1x64x512xf32> to vector<64x512xf32>
    %select_n3A_40 = arith.select %eq3A_34, %squeeze3A_39, %select_n3A_23 : vector<64x512xi1>, vector<64x512xf32>
    %get3A_41 = arith.constant 1 : index
    %get3A_42 = arith.constant 0 : index
    %get3A_43 = vector.load %arg4[%get3A_41, %get3A_42] : memref<19x512xf32, #tpu.memory_space<vmem>>, vector<1x512xf32>
    %get3A_44 = vector.shape_cast %get3A_43 : vector<1x512xf32> to vector<512xf32>
    %broadcast_in_dim3A_45 = vector.shape_cast %get3A_44 : vector<512xf32> to vector<1x512xf32>
    %broadcast_in_dim3A_46 = vector.shape_cast %broadcast_in_dim3A_45 : vector<1x512xf32> to vector<1x512xf32>
    %broadcast_in_dim3A_47 = vector.broadcast %broadcast_in_dim3A_46 : vector<1x512xf32> to vector<64x512xf32>
    %select_n3A_48 = arith.select %eq3A_34, %broadcast_in_dim3A_47, %select_n3A_31 : vector<64x512xi1>, vector<64x512xf32>
    %eq3A_49 = arith.constant 2 : i32
    %eq3A_50 = vector.broadcast %eq3A_49 : i32 to vector<64x512xi32>
    %eq3A_51 = arith.cmpi eq, %get3A_9, %eq3A_50 : vector<64x512xi32>
    %slice3A_52 = vector.extract_strided_slice %get3A_4 {offsets = [2, 0, 0], sizes = [1, 64, 512], strides = [1, 1, 1]} : vector<19x64x512xf32> to vector<1x64x512xf32>
    %squeeze3A_53 = vector.shape_cast %slice3A_52 : vector<1x64x512xf32> to vector<64x512xf32>
    %select_n3A_54 = arith.select %eq3A_51, %squeeze3A_53, %select_n3A_37 : vector<64x512xi1>, vector<64x512xf32>
    %slice3A_55 = vector.extract_strided_slice %exp3A {offsets = [2, 0, 0], sizes = [1, 64, 512], strides = [1, 1, 1]} : vector<19x64x512xf32> to vector<1x64x512xf32>
    %squeeze3A_56 = vector.shape_cast %slice3A_55 : vector<1x64x512xf32> to vector<64x512xf32>
    %select_n3A_57 = arith.select %eq3A_51, %squeeze3A_56, %select_n3A_40 : vector<64x512xi1>, vector<64x512xf32>
    %get3A_58 = arith.constant 2 : index
    %get3A_59 = arith.constant 0 : index
    %get3A_60 = vector.load %arg4[%get3A_58, %get3A_59] : memref<19x512xf32, #tpu.memory_space<vmem>>, vector<1x512xf32>
    %get3A_61 = vector.shape_cast %get3A_60 : vector<1x512xf32> to vector<512xf32>
    %broadcast_in_dim3A_62 = vector.shape_cast %get3A_61 : vector<512xf32> to vector<1x512xf32>
    %broadcast_in_dim3A_63 = vector.shape_cast %broadcast_in_dim3A_62 : vector<1x512xf32> to vector<1x512xf32>
    %broadcast_in_dim3A_64 = vector.broadcast %broadcast_in_dim3A_63 : vector<1x512xf32> to vector<64x512xf32>
    %select_n3A_65 = arith.select %eq3A_51, %broadcast_in_dim3A_64, %select_n3A_48 : vector<64x512xi1>, vector<64x512xf32>
    %eq3A_66 = arith.constant 3 : i32
    %eq3A_67 = vector.broadcast %eq3A_66 : i32 to vector<64x512xi32>
    %eq3A_68 = arith.cmpi eq, %get3A_9, %eq3A_67 : vector<64x512xi32>
    %slice3A_69 = vector.extract_strided_slice %get3A_4 {offsets = [3, 0, 0], sizes = [1, 64, 512], strides = [1, 1, 1]} : vector<19x64x512xf32> to vector<1x64x512xf32>
    %squeeze3A_70 = vector.shape_cast %slice3A_69 : vector<1x64x512xf32> to vector<64x512xf32>
    %select_n3A_71 = arith.select %eq3A_68, %squeeze3A_70, %select_n3A_54 : vector<64x512xi1>, vector<64x512xf32>
    %slice3A_72 = vector.extract_strided_slice %exp3A {offsets = [3, 0, 0], sizes = [1, 64, 512], strides = [1, 1, 1]} : vector<19x64x512xf32> to vector<1x64x512xf32>
    %squeeze3A_73 = vector.shape_cast %slice3A_72 : vector<1x64x512xf32> to vector<64x512xf32>
    %select_n3A_74 = arith.select %eq3A_68, %squeeze3A_73, %select_n3A_57 : vector<64x512xi1>, vector<64x512xf32>
    %get3A_75 = arith.constant 3 : index
    %get3A_76 = arith.constant 0 : index
    %get3A_77 = vector.load %arg4[%get3A_75, %get3A_76] : memref<19x512xf32, #tpu.memory_space<vmem>>, vector<1x512xf32>
    %get3A_78 = vector.shape_cast %get3A_77 : vector<1x512xf32> to vector<512xf32>
    %broadcast_in_dim3A_79 = vector.shape_cast %get3A_78 : vector<512xf32> to vector<1x512xf32>
    %broadcast_in_dim3A_80 = vector.shape_cast %broadcast_in_dim3A_79 : vector<1x512xf32> to vector<1x512xf32>
    %broadcast_in_dim3A_81 = vector.broadcast %broadcast_in_dim3A_80 : vector<1x512xf32> to vector<64x512xf32>
    %select_n3A_82 = arith.select %eq3A_68, %broadcast_in_dim3A_81, %select_n3A_65 : vector<64x512xi1>, vector<64x512xf32>
    %eq3A_83 = arith.constant 4 : i32
    %eq3A_84 = vector.broadcast %eq3A_83 : i32 to vector<64x512xi32>
    %eq3A_85 = arith.cmpi eq, %get3A_9, %eq3A_84 : vector<64x512xi32>
    %slice3A_86 = vector.extract_strided_slice %get3A_4 {offsets = [4, 0, 0], sizes = [1, 64, 512], strides = [1, 1, 1]} : vector<19x64x512xf32> to vector<1x64x512xf32>
    %squeeze3A_87 = vector.shape_cast %slice3A_86 : vector<1x64x512xf32> to vector<64x512xf32>
    %select_n3A_88 = arith.select %eq3A_85, %squeeze3A_87, %select_n3A_71 : vector<64x512xi1>, vector<64x512xf32>
    %slice3A_89 = vector.extract_strided_slice %exp3A {offsets = [4, 0, 0], sizes = [1, 64, 512], strides = [1, 1, 1]} : vector<19x64x512xf32> to vector<1x64x512xf32>
    %squeeze3A_90 = vector.shape_cast %slice3A_89 : vector<1x64x512xf32> to vector<64x512xf32>
    %select_n3A_91 = arith.select %eq3A_85, %squeeze3A_90, %select_n3A_74 : vector<64x512xi1>, vector<64x512xf32>
    %get3A_92 = arith.constant 4 : index
    %get3A_93 = arith.constant 0 : index
    %get3A_94 = vector.load %arg4[%get3A_92, %get3A_93] : memref<19x512xf32, #tpu.memory_space<vmem>>, vector<1x512xf32>
    %get3A_95 = vector.shape_cast %get3A_94 : vector<1x512xf32> to vector<512xf32>
    %broadcast_in_dim3A_96 = vector.shape_cast %get3A_95 : vector<512xf32> to vector<1x512xf32>
    %broadcast_in_dim3A_97 = vector.shape_cast %broadcast_in_dim3A_96 : vector<1x512xf32> to vector<1x512xf32>
    %broadcast_in_dim3A_98 = vector.broadcast %broadcast_in_dim3A_97 : vector<1x512xf32> to vector<64x512xf32>
    %select_n3A_99 = arith.select %eq3A_85, %broadcast_in_dim3A_98, %select_n3A_82 : vector<64x512xi1>, vector<64x512xf32>
    %eq3A_100 = arith.constant 5 : i32
    %eq3A_101 = vector.broadcast %eq3A_100 : i32 to vector<64x512xi32>
    %eq3A_102 = arith.cmpi eq, %get3A_9, %eq3A_101 : vector<64x512xi32>
    %slice3A_103 = vector.extract_strided_slice %get3A_4 {offsets = [5, 0, 0], sizes = [1, 64, 512], strides = [1, 1, 1]} : vector<19x64x512xf32> to vector<1x64x512xf32>
    %squeeze3A_104 = vector.shape_cast %slice3A_103 : vector<1x64x512xf32> to vector<64x512xf32>
    %select_n3A_105 = arith.select %eq3A_102, %squeeze3A_104, %select_n3A_88 : vector<64x512xi1>, vector<64x512xf32>
    %slice3A_106 = vector.extract_strided_slice %exp3A {offsets = [5, 0, 0], sizes = [1, 64, 512], strides = [1, 1, 1]} : vector<19x64x512xf32> to vector<1x64x512xf32>
    %squeeze3A_107 = vector.shape_cast %slice3A_106 : vector<1x64x512xf32> to vector<64x512xf32>
    %select_n3A_108 = arith.select %eq3A_102, %squeeze3A_107, %select_n3A_91 : vector<64x512xi1>, vector<64x512xf32>
    %get3A_109 = arith.constant 5 : index
    %get3A_110 = arith.constant 0 : index
    %get3A_111 = vector.load %arg4[%get3A_109, %get3A_110] : memref<19x512xf32, #tpu.memory_space<vmem>>, vector<1x512xf32>
    %get3A_112 = vector.shape_cast %get3A_111 : vector<1x512xf32> to vector<512xf32>
    %broadcast_in_dim3A_113 = vector.shape_cast %get3A_112 : vector<512xf32> to vector<1x512xf32>
    %broadcast_in_dim3A_114 = vector.shape_cast %broadcast_in_dim3A_113 : vector<1x512xf32> to vector<1x512xf32>
    %broadcast_in_dim3A_115 = vector.broadcast %broadcast_in_dim3A_114 : vector<1x512xf32> to vector<64x512xf32>
    %select_n3A_116 = arith.select %eq3A_102, %broadcast_in_dim3A_115, %select_n3A_99 : vector<64x512xi1>, vector<64x512xf32>
    %eq3A_117 = arith.constant 6 : i32
    %eq3A_118 = vector.broadcast %eq3A_117 : i32 to vector<64x512xi32>
    %eq3A_119 = arith.cmpi eq, %get3A_9, %eq3A_118 : vector<64x512xi32>
    %slice3A_120 = vector.extract_strided_slice %get3A_4 {offsets = [6, 0, 0], sizes = [1, 64, 512], strides = [1, 1, 1]} : vector<19x64x512xf32> to vector<1x64x512xf32>
    %squeeze3A_121 = vector.shape_cast %slice3A_120 : vector<1x64x512xf32> to vector<64x512xf32>
    %select_n3A_122 = arith.select %eq3A_119, %squeeze3A_121, %select_n3A_105 : vector<64x512xi1>, vector<64x512xf32>
    %slice3A_123 = vector.extract_strided_slice %exp3A {offsets = [6, 0, 0], sizes = [1, 64, 512], strides = [1, 1, 1]} : vector<19x64x512xf32> to vector<1x64x512xf32>
    %squeeze3A_124 = vector.shape_cast %slice3A_123 : vector<1x64x512xf32> to vector<64x512xf32>
    %select_n3A_125 = arith.select %eq3A_119, %squeeze3A_124, %select_n3A_108 : vector<64x512xi1>, vector<64x512xf32>
    %get3A_126 = arith.constant 6 : index
    %get3A_127 = arith.constant 0 : index
    %get3A_128 = vector.load %arg4[%get3A_126, %get3A_127] : memref<19x512xf32, #tpu.memory_space<vmem>>, vector<1x512xf32>
    %get3A_129 = vector.shape_cast %get3A_128 : vector<1x512xf32> to vector<512xf32>
    %broadcast_in_dim3A_130 = vector.shape_cast %get3A_129 : vector<512xf32> to vector<1x512xf32>
    %broadcast_in_dim3A_131 = vector.shape_cast %broadcast_in_dim3A_130 : vector<1x512xf32> to vector<1x512xf32>
    %broadcast_in_dim3A_132 = vector.broadcast %broadcast_in_dim3A_131 : vector<1x512xf32> to vector<64x512xf32>
    %select_n3A_133 = arith.select %eq3A_119, %broadcast_in_dim3A_132, %select_n3A_116 : vector<64x512xi1>, vector<64x512xf32>
    %eq3A_134 = arith.constant 7 : i32
    %eq3A_135 = vector.broadcast %eq3A_134 : i32 to vector<64x512xi32>
    %eq3A_136 = arith.cmpi eq, %get3A_9, %eq3A_135 : vector<64x512xi32>
    %slice3A_137 = vector.extract_strided_slice %get3A_4 {offsets = [7, 0, 0], sizes = [1, 64, 512], strides = [1, 1, 1]} : vector<19x64x512xf32> to vector<1x64x512xf32>
    %squeeze3A_138 = vector.shape_cast %slice3A_137 : vector<1x64x512xf32> to vector<64x512xf32>
    %select_n3A_139 = arith.select %eq3A_136, %squeeze3A_138, %select_n3A_122 : vector<64x512xi1>, vector<64x512xf32>
    %slice3A_140 = vector.extract_strided_slice %exp3A {offsets = [7, 0, 0], sizes = [1, 64, 512], strides = [1, 1, 1]} : vector<19x64x512xf32> to vector<1x64x512xf32>
    %squeeze3A_141 = vector.shape_cast %slice3A_140 : vector<1x64x512xf32> to vector<64x512xf32>
    %select_n3A_142 = arith.select %eq3A_136, %squeeze3A_141, %select_n3A_125 : vector<64x512xi1>, vector<64x512xf32>
    %get3A_143 = arith.constant 7 : index
    %get3A_144 = arith.constant 0 : index
    %get3A_145 = vector.load %arg4[%get3A_143, %get3A_144] : memref<19x512xf32, #tpu.memory_space<vmem>>, vector<1x512xf32>
    %get3A_146 = vector.shape_cast %get3A_145 : vector<1x512xf32> to vector<512xf32>
    %broadcast_in_dim3A_147 = vector.shape_cast %get3A_146 : vector<512xf32> to vector<1x512xf32>
    %broadcast_in_dim3A_148 = vector.shape_cast %broadcast_in_dim3A_147 : vector<1x512xf32> to vector<1x512xf32>
    %broadcast_in_dim3A_149 = vector.broadcast %broadcast_in_dim3A_148 : vector<1x512xf32> to vector<64x512xf32>
    %select_n3A_150 = arith.select %eq3A_136, %broadcast_in_dim3A_149, %select_n3A_133 : vector<64x512xi1>, vector<64x512xf32>
    %eq3A_151 = arith.constant 8 : i32
    %eq3A_152 = vector.broadcast %eq3A_151 : i32 to vector<64x512xi32>
    %eq3A_153 = arith.cmpi eq, %get3A_9, %eq3A_152 : vector<64x512xi32>
    %slice3A_154 = vector.extract_strided_slice %get3A_4 {offsets = [8, 0, 0], sizes = [1, 64, 512], strides = [1, 1, 1]} : vector<19x64x512xf32> to vector<1x64x512xf32>
    %squeeze3A_155 = vector.shape_cast %slice3A_154 : vector<1x64x512xf32> to vector<64x512xf32>
    %select_n3A_156 = arith.select %eq3A_153, %squeeze3A_155, %select_n3A_139 : vector<64x512xi1>, vector<64x512xf32>
    %slice3A_157 = vector.extract_strided_slice %exp3A {offsets = [8, 0, 0], sizes = [1, 64, 512], strides = [1, 1, 1]} : vector<19x64x512xf32> to vector<1x64x512xf32>
    %squeeze3A_158 = vector.shape_cast %slice3A_157 : vector<1x64x512xf32> to vector<64x512xf32>
    %select_n3A_159 = arith.select %eq3A_153, %squeeze3A_158, %select_n3A_142 : vector<64x512xi1>, vector<64x512xf32>
    %get3A_160 = arith.constant 8 : index
    %get3A_161 = arith.constant 0 : index
    %get3A_162 = vector.load %arg4[%get3A_160, %get3A_161] : memref<19x512xf32, #tpu.memory_space<vmem>>, vector<1x512xf32>
    %get3A_163 = vector.shape_cast %get3A_162 : vector<1x512xf32> to vector<512xf32>
    %broadcast_in_dim3A_164 = vector.shape_cast %get3A_163 : vector<512xf32> to vector<1x512xf32>
    %broadcast_in_dim3A_165 = vector.shape_cast %broadcast_in_dim3A_164 : vector<1x512xf32> to vector<1x512xf32>
    %broadcast_in_dim3A_166 = vector.broadcast %broadcast_in_dim3A_165 : vector<1x512xf32> to vector<64x512xf32>
    %select_n3A_167 = arith.select %eq3A_153, %broadcast_in_dim3A_166, %select_n3A_150 : vector<64x512xi1>, vector<64x512xf32>
    %eq3A_168 = arith.constant 9 : i32
    %eq3A_169 = vector.broadcast %eq3A_168 : i32 to vector<64x512xi32>
    %eq3A_170 = arith.cmpi eq, %get3A_9, %eq3A_169 : vector<64x512xi32>
    %slice3A_171 = vector.extract_strided_slice %get3A_4 {offsets = [9, 0, 0], sizes = [1, 64, 512], strides = [1, 1, 1]} : vector<19x64x512xf32> to vector<1x64x512xf32>
    %squeeze3A_172 = vector.shape_cast %slice3A_171 : vector<1x64x512xf32> to vector<64x512xf32>
    %select_n3A_173 = arith.select %eq3A_170, %squeeze3A_172, %select_n3A_156 : vector<64x512xi1>, vector<64x512xf32>
    %slice3A_174 = vector.extract_strided_slice %exp3A {offsets = [9, 0, 0], sizes = [1, 64, 512], strides = [1, 1, 1]} : vector<19x64x512xf32> to vector<1x64x512xf32>
    %squeeze3A_175 = vector.shape_cast %slice3A_174 : vector<1x64x512xf32> to vector<64x512xf32>
    %select_n3A_176 = arith.select %eq3A_170, %squeeze3A_175, %select_n3A_159 : vector<64x512xi1>, vector<64x512xf32>
    %get3A_177 = arith.constant 9 : index
    %get3A_178 = arith.constant 0 : index
    %get3A_179 = vector.load %arg4[%get3A_177, %get3A_178] : memref<19x512xf32, #tpu.memory_space<vmem>>, vector<1x512xf32>
    %get3A_180 = vector.shape_cast %get3A_179 : vector<1x512xf32> to vector<512xf32>
    %broadcast_in_dim3A_181 = vector.shape_cast %get3A_180 : vector<512xf32> to vector<1x512xf32>
    %broadcast_in_dim3A_182 = vector.shape_cast %broadcast_in_dim3A_181 : vector<1x512xf32> to vector<1x512xf32>
    %broadcast_in_dim3A_183 = vector.broadcast %broadcast_in_dim3A_182 : vector<1x512xf32> to vector<64x512xf32>
    %select_n3A_184 = arith.select %eq3A_170, %broadcast_in_dim3A_183, %select_n3A_167 : vector<64x512xi1>, vector<64x512xf32>
    %eq3A_185 = arith.constant 10 : i32
    %eq3A_186 = vector.broadcast %eq3A_185 : i32 to vector<64x512xi32>
    %eq3A_187 = arith.cmpi eq, %get3A_9, %eq3A_186 : vector<64x512xi32>
    %slice3A_188 = vector.extract_strided_slice %get3A_4 {offsets = [10, 0, 0], sizes = [1, 64, 512], strides = [1, 1, 1]} : vector<19x64x512xf32> to vector<1x64x512xf32>
    %squeeze3A_189 = vector.shape_cast %slice3A_188 : vector<1x64x512xf32> to vector<64x512xf32>
    %select_n3A_190 = arith.select %eq3A_187, %squeeze3A_189, %select_n3A_173 : vector<64x512xi1>, vector<64x512xf32>
    %slice3A_191 = vector.extract_strided_slice %exp3A {offsets = [10, 0, 0], sizes = [1, 64, 512], strides = [1, 1, 1]} : vector<19x64x512xf32> to vector<1x64x512xf32>
    %squeeze3A_192 = vector.shape_cast %slice3A_191 : vector<1x64x512xf32> to vector<64x512xf32>
    %select_n3A_193 = arith.select %eq3A_187, %squeeze3A_192, %select_n3A_176 : vector<64x512xi1>, vector<64x512xf32>
    %get3A_194 = arith.constant 10 : index
    %get3A_195 = arith.constant 0 : index
    %get3A_196 = vector.load %arg4[%get3A_194, %get3A_195] : memref<19x512xf32, #tpu.memory_space<vmem>>, vector<1x512xf32>
    %get3A_197 = vector.shape_cast %get3A_196 : vector<1x512xf32> to vector<512xf32>
    %broadcast_in_dim3A_198 = vector.shape_cast %get3A_197 : vector<512xf32> to vector<1x512xf32>
    %broadcast_in_dim3A_199 = vector.shape_cast %broadcast_in_dim3A_198 : vector<1x512xf32> to vector<1x512xf32>
    %broadcast_in_dim3A_200 = vector.broadcast %broadcast_in_dim3A_199 : vector<1x512xf32> to vector<64x512xf32>
    %select_n3A_201 = arith.select %eq3A_187, %broadcast_in_dim3A_200, %select_n3A_184 : vector<64x512xi1>, vector<64x512xf32>
    %eq3A_202 = arith.constant 11 : i32
    %eq3A_203 = vector.broadcast %eq3A_202 : i32 to vector<64x512xi32>
    %eq3A_204 = arith.cmpi eq, %get3A_9, %eq3A_203 : vector<64x512xi32>
    %slice3A_205 = vector.extract_strided_slice %get3A_4 {offsets = [11, 0, 0], sizes = [1, 64, 512], strides = [1, 1, 1]} : vector<19x64x512xf32> to vector<1x64x512xf32>
    %squeeze3A_206 = vector.shape_cast %slice3A_205 : vector<1x64x512xf32> to vector<64x512xf32>
    %select_n3A_207 = arith.select %eq3A_204, %squeeze3A_206, %select_n3A_190 : vector<64x512xi1>, vector<64x512xf32>
    %slice3A_208 = vector.extract_strided_slice %exp3A {offsets = [11, 0, 0], sizes = [1, 64, 512], strides = [1, 1, 1]} : vector<19x64x512xf32> to vector<1x64x512xf32>
    %squeeze3A_209 = vector.shape_cast %slice3A_208 : vector<1x64x512xf32> to vector<64x512xf32>
    %select_n3A_210 = arith.select %eq3A_204, %squeeze3A_209, %select_n3A_193 : vector<64x512xi1>, vector<64x512xf32>
    %get3A_211 = arith.constant 11 : index
    %get3A_212 = arith.constant 0 : index
    %get3A_213 = vector.load %arg4[%get3A_211, %get3A_212] : memref<19x512xf32, #tpu.memory_space<vmem>>, vector<1x512xf32>
    %get3A_214 = vector.shape_cast %get3A_213 : vector<1x512xf32> to vector<512xf32>
    %broadcast_in_dim3A_215 = vector.shape_cast %get3A_214 : vector<512xf32> to vector<1x512xf32>
    %broadcast_in_dim3A_216 = vector.shape_cast %broadcast_in_dim3A_215 : vector<1x512xf32> to vector<1x512xf32>
    %broadcast_in_dim3A_217 = vector.broadcast %broadcast_in_dim3A_216 : vector<1x512xf32> to vector<64x512xf32>
    %select_n3A_218 = arith.select %eq3A_204, %broadcast_in_dim3A_217, %select_n3A_201 : vector<64x512xi1>, vector<64x512xf32>
    %eq3A_219 = arith.constant 12 : i32
    %eq3A_220 = vector.broadcast %eq3A_219 : i32 to vector<64x512xi32>
    %eq3A_221 = arith.cmpi eq, %get3A_9, %eq3A_220 : vector<64x512xi32>
    %slice3A_222 = vector.extract_strided_slice %get3A_4 {offsets = [12, 0, 0], sizes = [1, 64, 512], strides = [1, 1, 1]} : vector<19x64x512xf32> to vector<1x64x512xf32>
    %squeeze3A_223 = vector.shape_cast %slice3A_222 : vector<1x64x512xf32> to vector<64x512xf32>
    %select_n3A_224 = arith.select %eq3A_221, %squeeze3A_223, %select_n3A_207 : vector<64x512xi1>, vector<64x512xf32>
    %slice3A_225 = vector.extract_strided_slice %exp3A {offsets = [12, 0, 0], sizes = [1, 64, 512], strides = [1, 1, 1]} : vector<19x64x512xf32> to vector<1x64x512xf32>
    %squeeze3A_226 = vector.shape_cast %slice3A_225 : vector<1x64x512xf32> to vector<64x512xf32>
    %select_n3A_227 = arith.select %eq3A_221, %squeeze3A_226, %select_n3A_210 : vector<64x512xi1>, vector<64x512xf32>
    %get3A_228 = arith.constant 12 : index
    %get3A_229 = arith.constant 0 : index
    %get3A_230 = vector.load %arg4[%get3A_228, %get3A_229] : memref<19x512xf32, #tpu.memory_space<vmem>>, vector<1x512xf32>
    %get3A_231 = vector.shape_cast %get3A_230 : vector<1x512xf32> to vector<512xf32>
    %broadcast_in_dim3A_232 = vector.shape_cast %get3A_231 : vector<512xf32> to vector<1x512xf32>
    %broadcast_in_dim3A_233 = vector.shape_cast %broadcast_in_dim3A_232 : vector<1x512xf32> to vector<1x512xf32>
    %broadcast_in_dim3A_234 = vector.broadcast %broadcast_in_dim3A_233 : vector<1x512xf32> to vector<64x512xf32>
    %select_n3A_235 = arith.select %eq3A_221, %broadcast_in_dim3A_234, %select_n3A_218 : vector<64x512xi1>, vector<64x512xf32>
    %eq3A_236 = arith.constant 13 : i32
    %eq3A_237 = vector.broadcast %eq3A_236 : i32 to vector<64x512xi32>
    %eq3A_238 = arith.cmpi eq, %get3A_9, %eq3A_237 : vector<64x512xi32>
    %slice3A_239 = vector.extract_strided_slice %get3A_4 {offsets = [13, 0, 0], sizes = [1, 64, 512], strides = [1, 1, 1]} : vector<19x64x512xf32> to vector<1x64x512xf32>
    %squeeze3A_240 = vector.shape_cast %slice3A_239 : vector<1x64x512xf32> to vector<64x512xf32>
    %select_n3A_241 = arith.select %eq3A_238, %squeeze3A_240, %select_n3A_224 : vector<64x512xi1>, vector<64x512xf32>
    %slice3A_242 = vector.extract_strided_slice %exp3A {offsets = [13, 0, 0], sizes = [1, 64, 512], strides = [1, 1, 1]} : vector<19x64x512xf32> to vector<1x64x512xf32>
    %squeeze3A_243 = vector.shape_cast %slice3A_242 : vector<1x64x512xf32> to vector<64x512xf32>
    %select_n3A_244 = arith.select %eq3A_238, %squeeze3A_243, %select_n3A_227 : vector<64x512xi1>, vector<64x512xf32>
    %get3A_245 = arith.constant 13 : index
    %get3A_246 = arith.constant 0 : index
    %get3A_247 = vector.load %arg4[%get3A_245, %get3A_246] : memref<19x512xf32, #tpu.memory_space<vmem>>, vector<1x512xf32>
    %get3A_248 = vector.shape_cast %get3A_247 : vector<1x512xf32> to vector<512xf32>
    %broadcast_in_dim3A_249 = vector.shape_cast %get3A_248 : vector<512xf32> to vector<1x512xf32>
    %broadcast_in_dim3A_250 = vector.shape_cast %broadcast_in_dim3A_249 : vector<1x512xf32> to vector<1x512xf32>
    %broadcast_in_dim3A_251 = vector.broadcast %broadcast_in_dim3A_250 : vector<1x512xf32> to vector<64x512xf32>
    %select_n3A_252 = arith.select %eq3A_238, %broadcast_in_dim3A_251, %select_n3A_235 : vector<64x512xi1>, vector<64x512xf32>
    %eq3A_253 = arith.constant 14 : i32
    %eq3A_254 = vector.broadcast %eq3A_253 : i32 to vector<64x512xi32>
    %eq3A_255 = arith.cmpi eq, %get3A_9, %eq3A_254 : vector<64x512xi32>
    %slice3A_256 = vector.extract_strided_slice %get3A_4 {offsets = [14, 0, 0], sizes = [1, 64, 512], strides = [1, 1, 1]} : vector<19x64x512xf32> to vector<1x64x512xf32>
    %squeeze3A_257 = vector.shape_cast %slice3A_256 : vector<1x64x512xf32> to vector<64x512xf32>
    %select_n3A_258 = arith.select %eq3A_255, %squeeze3A_257, %select_n3A_241 : vector<64x512xi1>, vector<64x512xf32>
    %slice3A_259 = vector.extract_strided_slice %exp3A {offsets = [14, 0, 0], sizes = [1, 64, 512], strides = [1, 1, 1]} : vector<19x64x512xf32> to vector<1x64x512xf32>
    %squeeze3A_260 = vector.shape_cast %slice3A_259 : vector<1x64x512xf32> to vector<64x512xf32>
    %select_n3A_261 = arith.select %eq3A_255, %squeeze3A_260, %select_n3A_244 : vector<64x512xi1>, vector<64x512xf32>
    %get3A_262 = arith.constant 14 : index
    %get3A_263 = arith.constant 0 : index
    %get3A_264 = vector.load %arg4[%get3A_262, %get3A_263] : memref<19x512xf32, #tpu.memory_space<vmem>>, vector<1x512xf32>
    %get3A_265 = vector.shape_cast %get3A_264 : vector<1x512xf32> to vector<512xf32>
    %broadcast_in_dim3A_266 = vector.shape_cast %get3A_265 : vector<512xf32> to vector<1x512xf32>
    %broadcast_in_dim3A_267 = vector.shape_cast %broadcast_in_dim3A_266 : vector<1x512xf32> to vector<1x512xf32>
    %broadcast_in_dim3A_268 = vector.broadcast %broadcast_in_dim3A_267 : vector<1x512xf32> to vector<64x512xf32>
    %select_n3A_269 = arith.select %eq3A_255, %broadcast_in_dim3A_268, %select_n3A_252 : vector<64x512xi1>, vector<64x512xf32>
    %eq3A_270 = arith.constant 15 : i32
    %eq3A_271 = vector.broadcast %eq3A_270 : i32 to vector<64x512xi32>
    %eq3A_272 = arith.cmpi eq, %get3A_9, %eq3A_271 : vector<64x512xi32>
    %slice3A_273 = vector.extract_strided_slice %get3A_4 {offsets = [15, 0, 0], sizes = [1, 64, 512], strides = [1, 1, 1]} : vector<19x64x512xf32> to vector<1x64x512xf32>
    %squeeze3A_274 = vector.shape_cast %slice3A_273 : vector<1x64x512xf32> to vector<64x512xf32>
    %select_n3A_275 = arith.select %eq3A_272, %squeeze3A_274, %select_n3A_258 : vector<64x512xi1>, vector<64x512xf32>
    %slice3A_276 = vector.extract_strided_slice %exp3A {offsets = [15, 0, 0], sizes = [1, 64, 512], strides = [1, 1, 1]} : vector<19x64x512xf32> to vector<1x64x512xf32>
    %squeeze3A_277 = vector.shape_cast %slice3A_276 : vector<1x64x512xf32> to vector<64x512xf32>
    %select_n3A_278 = arith.select %eq3A_272, %squeeze3A_277, %select_n3A_261 : vector<64x512xi1>, vector<64x512xf32>
    %get3A_279 = arith.constant 15 : index
    %get3A_280 = arith.constant 0 : index
    %get3A_281 = vector.load %arg4[%get3A_279, %get3A_280] : memref<19x512xf32, #tpu.memory_space<vmem>>, vector<1x512xf32>
    %get3A_282 = vector.shape_cast %get3A_281 : vector<1x512xf32> to vector<512xf32>
    %broadcast_in_dim3A_283 = vector.shape_cast %get3A_282 : vector<512xf32> to vector<1x512xf32>
    %broadcast_in_dim3A_284 = vector.shape_cast %broadcast_in_dim3A_283 : vector<1x512xf32> to vector<1x512xf32>
    %broadcast_in_dim3A_285 = vector.broadcast %broadcast_in_dim3A_284 : vector<1x512xf32> to vector<64x512xf32>
    %select_n3A_286 = arith.select %eq3A_272, %broadcast_in_dim3A_285, %select_n3A_269 : vector<64x512xi1>, vector<64x512xf32>
    %eq3A_287 = arith.constant 16 : i32
    %eq3A_288 = vector.broadcast %eq3A_287 : i32 to vector<64x512xi32>
    %eq3A_289 = arith.cmpi eq, %get3A_9, %eq3A_288 : vector<64x512xi32>
    %slice3A_290 = vector.extract_strided_slice %get3A_4 {offsets = [16, 0, 0], sizes = [1, 64, 512], strides = [1, 1, 1]} : vector<19x64x512xf32> to vector<1x64x512xf32>
    %squeeze3A_291 = vector.shape_cast %slice3A_290 : vector<1x64x512xf32> to vector<64x512xf32>
    %select_n3A_292 = arith.select %eq3A_289, %squeeze3A_291, %select_n3A_275 : vector<64x512xi1>, vector<64x512xf32>
    %slice3A_293 = vector.extract_strided_slice %exp3A {offsets = [16, 0, 0], sizes = [1, 64, 512], strides = [1, 1, 1]} : vector<19x64x512xf32> to vector<1x64x512xf32>
    %squeeze3A_294 = vector.shape_cast %slice3A_293 : vector<1x64x512xf32> to vector<64x512xf32>
    %select_n3A_295 = arith.select %eq3A_289, %squeeze3A_294, %select_n3A_278 : vector<64x512xi1>, vector<64x512xf32>
    %get3A_296 = arith.constant 16 : index
    %get3A_297 = arith.constant 0 : index
    %get3A_298 = vector.load %arg4[%get3A_296, %get3A_297] : memref<19x512xf32, #tpu.memory_space<vmem>>, vector<1x512xf32>
    %get3A_299 = vector.shape_cast %get3A_298 : vector<1x512xf32> to vector<512xf32>
    %broadcast_in_dim3A_300 = vector.shape_cast %get3A_299 : vector<512xf32> to vector<1x512xf32>
    %broadcast_in_dim3A_301 = vector.shape_cast %broadcast_in_dim3A_300 : vector<1x512xf32> to vector<1x512xf32>
    %broadcast_in_dim3A_302 = vector.broadcast %broadcast_in_dim3A_301 : vector<1x512xf32> to vector<64x512xf32>
    %select_n3A_303 = arith.select %eq3A_289, %broadcast_in_dim3A_302, %select_n3A_286 : vector<64x512xi1>, vector<64x512xf32>
    %eq3A_304 = arith.constant 17 : i32
    %eq3A_305 = vector.broadcast %eq3A_304 : i32 to vector<64x512xi32>
    %eq3A_306 = arith.cmpi eq, %get3A_9, %eq3A_305 : vector<64x512xi32>
    %slice3A_307 = vector.extract_strided_slice %get3A_4 {offsets = [17, 0, 0], sizes = [1, 64, 512], strides = [1, 1, 1]} : vector<19x64x512xf32> to vector<1x64x512xf32>
    %squeeze3A_308 = vector.shape_cast %slice3A_307 : vector<1x64x512xf32> to vector<64x512xf32>
    %select_n3A_309 = arith.select %eq3A_306, %squeeze3A_308, %select_n3A_292 : vector<64x512xi1>, vector<64x512xf32>
    %slice3A_310 = vector.extract_strided_slice %exp3A {offsets = [17, 0, 0], sizes = [1, 64, 512], strides = [1, 1, 1]} : vector<19x64x512xf32> to vector<1x64x512xf32>
    %squeeze3A_311 = vector.shape_cast %slice3A_310 : vector<1x64x512xf32> to vector<64x512xf32>
    %select_n3A_312 = arith.select %eq3A_306, %squeeze3A_311, %select_n3A_295 : vector<64x512xi1>, vector<64x512xf32>
    %get3A_313 = arith.constant 17 : index
    %get3A_314 = arith.constant 0 : index
    %get3A_315 = vector.load %arg4[%get3A_313, %get3A_314] : memref<19x512xf32, #tpu.memory_space<vmem>>, vector<1x512xf32>
    %get3A_316 = vector.shape_cast %get3A_315 : vector<1x512xf32> to vector<512xf32>
    %broadcast_in_dim3A_317 = vector.shape_cast %get3A_316 : vector<512xf32> to vector<1x512xf32>
    %broadcast_in_dim3A_318 = vector.shape_cast %broadcast_in_dim3A_317 : vector<1x512xf32> to vector<1x512xf32>
    %broadcast_in_dim3A_319 = vector.broadcast %broadcast_in_dim3A_318 : vector<1x512xf32> to vector<64x512xf32>
    %select_n3A_320 = arith.select %eq3A_306, %broadcast_in_dim3A_319, %select_n3A_303 : vector<64x512xi1>, vector<64x512xf32>
    %eq3A_321 = arith.constant 18 : i32
    %eq3A_322 = vector.broadcast %eq3A_321 : i32 to vector<64x512xi32>
    %eq3A_323 = arith.cmpi eq, %get3A_9, %eq3A_322 : vector<64x512xi32>
    %slice3A_324 = vector.extract_strided_slice %get3A_4 {offsets = [18, 0, 0], sizes = [1, 64, 512], strides = [1, 1, 1]} : vector<19x64x512xf32> to vector<1x64x512xf32>
    %squeeze3A_325 = vector.shape_cast %slice3A_324 : vector<1x64x512xf32> to vector<64x512xf32>
    %select_n3A_326 = arith.select %eq3A_323, %squeeze3A_325, %select_n3A_309 : vector<64x512xi1>, vector<64x512xf32>
    %slice3A_327 = vector.extract_strided_slice %exp3A {offsets = [18, 0, 0], sizes = [1, 64, 512], strides = [1, 1, 1]} : vector<19x64x512xf32> to vector<1x64x512xf32>
    %squeeze3A_328 = vector.shape_cast %slice3A_327 : vector<1x64x512xf32> to vector<64x512xf32>
    %select_n3A_329 = arith.select %eq3A_323, %squeeze3A_328, %select_n3A_312 : vector<64x512xi1>, vector<64x512xf32>
    %get3A_330 = arith.constant 18 : index
    %get3A_331 = arith.constant 0 : index
    %get3A_332 = vector.load %arg4[%get3A_330, %get3A_331] : memref<19x512xf32, #tpu.memory_space<vmem>>, vector<1x512xf32>
    %get3A_333 = vector.shape_cast %get3A_332 : vector<1x512xf32> to vector<512xf32>
    %broadcast_in_dim3A_334 = vector.shape_cast %get3A_333 : vector<512xf32> to vector<1x512xf32>
    %broadcast_in_dim3A_335 = vector.shape_cast %broadcast_in_dim3A_334 : vector<1x512xf32> to vector<1x512xf32>
    %broadcast_in_dim3A_336 = vector.broadcast %broadcast_in_dim3A_335 : vector<1x512xf32> to vector<64x512xf32>
    %select_n3A_337 = arith.select %eq3A_323, %broadcast_in_dim3A_336, %select_n3A_320 : vector<64x512xi1>, vector<64x512xf32>
    %sub3A_338 = arith.subf %select_n3A_326, %reduce_max3A_10 : vector<64x512xf32>
    %log3A = math.log %reduce_sum3A_12 : vector<64x512xf32>
    %sub3A_339 = arith.subf %sub3A_338, %log3A : vector<64x512xf32>
    %div3A = arith.divf %select_n3A_329, %reduce_sum3A_12 : vector<64x512xf32>
    %bitcast_convert_type3A = tpu.bitcast %div3A : vector<64x512xf32> -> vector<64x512xi32>
    %swap3A = arith.constant 0 : index
    %swap3A_340 = arith.constant 0 : index
    %swap3A_341 = arith.constant 0 : index
    %swap3A_342 = vector.load %arg5[%swap3A, %swap3A_340, %swap3A_341] : memref<1x64x512xi32, #tpu.memory_space<vmem>>, vector<1x64x512xi32>
    %swap3A_343 = vector.shape_cast %swap3A_342 : vector<1x64x512xi32> to vector<64x512xi32>
    %swap3A_344 = vector.shape_cast %bitcast_convert_type3A : vector<64x512xi32> to vector<1x64x512xi32>
    tpu.vector_store %arg5[%swap3A, %swap3A_340, %swap3A_341], %swap3A_344 {strides = array<i32>} : memref<1x64x512xi32, #tpu.memory_space<vmem>>, vector<1x64x512xi32>,
    %neg3A = arith.constant 0.000000e+00 : f32
    %neg3A_345 = vector.broadcast %neg3A : f32 to vector<64x512xf32>
    %neg3A_346 = arith.subf %neg3A_345, %select_n3A_337 : vector<64x512xf32>
    %mul3A = arith.mulf %neg3A_346, %sub3A_339 : vector<64x512xf32>
    %swap3A_347 = arith.constant 0 : index
    %swap3A_348 = arith.constant 0 : index
    %swap3A_349 = arith.constant 0 : index
    %swap3A_350 = vector.load %arg6[%swap3A_347, %swap3A_348, %swap3A_349] : memref<1x64x512xf32, #tpu.memory_space<vmem>>, vector<1x64x512xf32>
    %swap3A_351 = vector.shape_cast %swap3A_350 : vector<1x64x512xf32> to vector<64x512xf32>
    %swap3A_352 = vector.shape_cast %mul3A : vector<64x512xf32> to vector<1x64x512xf32>
    tpu.vector_store %arg6[%swap3A_347, %swap3A_348, %swap3A_349], %swap3A_352 {strides = array<i32>} : memref<1x64x512xf32, #tpu.memory_space<vmem>>, vector<1x64x512xf32>,
    return
  }
  func.func @transform_0(%arg0: i32, %arg1: i32) -> (i32, i32, i32, i32) {
    %c0_i32 = arith.constant 0 : i32
    %c0_i32_0 = arith.constant 0 : i32
    %c0_i32_1 = arith.constant 0 : i32
    return %arg0, %c0_i32, %arg1, %c0_i32_0 : i32, i32, i32, i32
  }
  func.func @transform_1(%arg0: i32, %arg1: i32) -> (i32, i32, i32) {
    %c0_i32 = arith.constant 0 : i32
    %c0_i32_0 = arith.constant 0 : i32
    return %arg0, %arg1, %c0_i32 : i32, i32, i32
  }
  func.func @transform_2(%arg0: i32, %arg1: i32) -> (i32, i32) {
    %c0_i32 = arith.constant 0 : i32
    %c0_i32_0 = arith.constant 0 : i32
    %c0_i32_1 = arith.constant 0 : i32
    return %c0_i32, %c0_i32_0 : i32, i32
  }
  func.func @transform_3(%arg0: i32, %arg1: i32) -> (i32, i32, i32) {
    %c0_i32 = arith.constant 0 : i32
    %c0_i32_0 = arith.constant 0 : i32
    return %arg0, %arg1, %c0_i32 : i32, i32, i32
  }
  func.func @transform_4(%arg0: i32, %arg1: i32) -> (i32, i32, i32) {
    %c0_i32 = arith.constant 0 : i32
    %c0_i32_0 = arith.constant 0 : i32
    return %arg0, %arg1, %c0_i32 : i32, i32, i32
  }
}

</mosaic_0001>

<sc_bundles>
// kernel: kernel.4.cloned.1.call-start
scs
__scs_entry_jumppad:
0x0: {  	(pc) =	sbr.rel $0x88, $3  }
0x1: {  	(tag) =	ssettag $0x0;
	lr =	simm.s32 $0x1  }
0x2: {  	[smem:$0x3F9E] =	sst lr;
	_ =	strace $0xD0000000  }
0x3: {  	_ = 	snop  }
0x4: {  	_ = 	snop  }
0x5: {  	_ = 	snop  }
0x6: {  	_ = 	snop  }
0x7: {  	_ = 	snop  }
__scs_overlays_trampoline_lowered:
0x8: {  	[smem:$0x3FAD] =	sst s0  }
0x9: {  	[smem:$0x3FAE] =	sst s1  }
0xa: {  	[smem:$0x3FAF] =	sst s2  }
0xb: {  	[smem:$0x3FB0] =	sst s3  }
0xc: {  	[smem:$0x3FB1] =	sst s4  }
0xd: {  	[smem:$0x3FB2] =	sst s5  }
0xe: {  	[smem:$0x3FB3] =	sst s6  }
0xf: {  	[smem:$0x3FB4] =	sst s7  }
0x10: {  	[smem:$0x3FB5] =	sst s8  }
0x11: {  	[smem:$0x3FB6] =	sst s9;
	s0 =	simm.s32 @!p0 $0x0  }
0x12: {  	s1 =	sld [smem:$0x3F9C];
	s0 =	simm.s32 @p0 $0x1  }
0x13: {  	[smem:$0x3FB7] =	sst s0;
	s0 =	simm.s32 @!p1 $0x0  }
0x14: {  	s2 =	sld [smem:$0x3F9B];
	s0 =	simm.s32 @p1 $0x1  }
0x15: {  	[smem:$0x3FB8] =	sst s0;
	s0 =	simm.s32 @!p2 $0x0  }
0x16: {  	s3 =	sld [smem:$0x3FDB];
	s0 =	simm.s32 @p2 $0x1  }
0x17: {  	s4 =	simm.s32 $0x1BF5;
	[smem:$0x3FBA] =	sst s0  }
0x18: {  	s0 =	sld [smem:$0x3F9D];
	_ =	swait.ge [sflag:s4], $0x0  }
0x19: {  	s7 =	sld [smem:$0x3F9E]  }
0x1a: {  	s8 =	sadd.s32 $0xFFFFE003, lr  }
0x1b: {  	s9 =	sadd.s32 $0xFFFFFEF7, lr;
	s5 =	simm.s32 $0xFFFFFFFF;
	p2 =	slt.u32 s8, $0xFFFFF086  }
0x1c: {  	p1 =	slt.u32 s9, $0xF7A;
	s5 =	simm.s32 @!p2 $0x0  }
0x1d: {  	s5 =	simm.s32 @p1 $0x1;
	p0 =	seq.s32 s7, s2  }
0x1e: {  	s7 =	smul.u32 @!p0 $0xF7A, s2;
	p2 =	seq.s32 @!p0 s5, $0x0  }
0x1f: {  	s9 =	smul.u32 $0xF7A, s1;
	s8 =	simm.s32 @!p0 $0x1BF5;
	p2 =	por !p2, p0  }
0x20: {  	[sflag:s8] =	ssyncset.s32 @!p0 $0xFFFFF086;
	s6 =	sadd.s32 @!p0 s3, s7;
	s7 =	simm.s32 @!p0 $0x108  }
0x21: {  	s3 =	sadd.s32 s3, s9;
	s6 =	sadd.s32 @!p0 $0x88, s6;
	s7 =	simm.s32 @p2 $0x1082  }
0x22: {  	[simem:s7], [sflag:s8] =	dma.local @!p0 [hbm:s6], $0xF7A  }
0x23: {  	s9 =	sor.u32 $0xD0000000, s2;
	s6 =	simm.s32 $0x108;
	_ =	swait.ge @!p0 [sflag:s8], $0x0  }
0x24: {  	s3 =	sadd.s32 $0x88, s3;
	s6 =	simm.s32 @!p1 $0x1082;
	[sflag:s4] =	ssyncset.s32 $0xFFFFF086  }
0x25: {  	[simem:s6], [sflag:s4] =	dma.local [hbm:s3], $0xF7A  }
0x26: {  	[smem:$0x3F9E] =	sst s1;
	(tag) =	ssettag s2;
	_ =	strace s9  }
0x27: {  	s1 =	sld [smem:$0x3FAE]  }
0x28: {  	s2 =	sld [smem:$0x3FAF]  }
0x29: {  	s4 =	sld [smem:$0x3FB1]  }
0x2a: {  	p0 =	seq.s32 s5, $0x0;
	s5 =	sld [smem:$0x3FB2]  }
0x2b: {  	s6 =	sld [smem:$0x3FB3]  }
0x2c: {  	s7 =	sld [smem:$0x3FB4]  }
0x2d: {  	s3 =	simm.s32 $0x108;
	s8 =	sld [smem:$0x3FB5]  }
0x2e: {  	s3 =	simm.s32 @!p0 $0x1082;
	s9 =	sld [smem:$0x3FB6]  }
0x2f: {  	lr =	sadd.s32 s0, s3;
	s0 =	sld [smem:$0x3FAD]  }
0x30: {  	s3 =	sld [smem:$0x3FB0]  }
0x31: {  	[smem:$0x3FB9] =	sst s10  }
0x32: {  	s10 =	sld [smem:$0x3FB7];
	_ =	sdelay $0x3  }
0x33: {  	p0 =	seq.s32 s10, $0x1;
	s10 =	sld [smem:$0x3FB9];
	_ =	sdelay $0x3  }
0x34: {  	[smem:$0x3FB9] =	sst s10  }
0x35: {  	s10 =	sld [smem:$0x3FB8];
	_ =	sdelay $0x3  }
0x36: {  	p1 =	seq.s32 s10, $0x1;
	s10 =	sld [smem:$0x3FB9];
	_ =	sdelay $0x3  }
0x37: {  	[smem:$0x3FB9] =	sst s10  }
0x38: {  	s10 =	sld [smem:$0x3FBA]  }
0x39: {  	_ = 	snop;
	(pc) =	sbr.ind lr, $3  }
0x3a: {  	_ = 	snop  }
0x3b: {  	_ = 	snop  }
0x3c: {  	p2 =	seq.s32 s10, $0x1;
	s10 =	sld [smem:$0x3FB9]  }
0x3d: {  	_ =	shalt  }
0x3e: {  	_ =	shalt  }
0x3f: {  	_ =	shalt  }
0x40: {  	_ =	shalt  }
0x41: {  	_ =	shalt  }
0x42: {  	_ =	shalt  }
0x43: {  	_ =	shalt  }
0x44: {  	_ =	shalt  }
0x45: {  	_ =	shalt  }
0x46: {  	_ =	shalt  }
0x47: {  	_ =	shalt  }
0x48: {  	_ =	shalt  }
0x49: {  	_ =	shalt  }
0x4a: {  	_ =	shalt  }
0x4b: {  	_ =	shalt  }
0x4c: {  	_ =	shalt  }
0x4d: {  	_ =	shalt  }
0x4e: {  	_ =	shalt  }
0x4f: {  	_ =	shalt  }
0x50: {  	_ =	shalt  }
0x51: {  	_ =	shalt  }
0x52: {  	_ =	shalt  }
0x53: {  	_ =	shalt  }
0x54: {  	_ =	shalt  }
0x55: {  	_ =	shalt  }
0x56: {  	_ =	shalt  }
0x57: {  	_ =	shalt  }
0x58: {  	_ =	shalt  }
0x59: {  	_ =	shalt  }
0x5a: {  	_ =	shalt  }
0x5b: {  	_ =	shalt  }
0x5c: {  	_ =	shalt  }
0x5d: {  	_ =	shalt  }
0x5e: {  	_ =	shalt  }
0x5f: {  	_ =	shalt  }
0x60: {  	_ =	shalt  }
0x61: {  	_ =	shalt  }
0x62: {  	_ =	shalt  }
0x63: {  	_ =	shalt  }
0x64: {  	_ =	shalt  }
0x65: {  	_ =	shalt  }
0x66: {  	_ =	shalt  }
0x67: {  	_ =	shalt  }
0x68: {  	_ =	shalt  }
0x69: {  	_ =	shalt  }
0x6a: {  	_ =	shalt  }
0x6b: {  	_ =	shalt  }
0x6c: {  	_ =	shalt  }
0x6d: {  	_ =	shalt  }
0x6e: {  	_ =	shalt  }
0x6f: {  	_ =	shalt  }
0x70: {  	_ =	shalt  }
0x71: {  	_ =	shalt  }
0x72: {  	_ =	shalt  }
0x73: {  	_ =	shalt  }
0x74: {  	_ =	shalt  }
0x75: {  	_ =	shalt  }
0x76: {  	_ =	shalt  }
0x77: {  	_ =	shalt  }
0x78: {  	_ =	shalt  }
0x79: {  	_ =	shalt  }
0x7a: {  	_ =	shalt  }
0x7b: {  	_ =	shalt  }
0x7c: {  	_ =	shalt  }
0x7d: {  	_ =	shalt  }
0x7e: {  	_ =	shalt  }
0x7f: {  	_ =	shalt  }
0x80: {  	_ =	shalt  }
0x81: {  	_ =	shalt  }
0x82: {  	_ =	shalt  }
0x83: {  	_ =	shalt  }
0x84: {  	_ =	shalt  }
0x85: {  	_ =	shalt  }
0x86: {  	_ =	shalt  }
0x87: {  	_ =	shalt  }
.Lfunc_end0:
.L_simem_size_0:
called_computation_lowered:
.L_overlay_start_0:
0x88: {  	s0 =	sld [smem:$0x3FD9]  }
0x89: {  	s1 =	sld [smem:$0x3FFE];
	_ =	sdelay $0x3  }
0x8a: {  	s0 =	sadd.s32 s1, s0  }
0x8b: {  	[smem:$0x3FC5] =	sst s0  }
0x8c: {  	_ = 	snop  }
0x8d: {  	s0 =	sld [smem:$0x3FD0];
	(tm) =	ssettm $0x1  }
0x8e: {  	s16 =	sld [smem:$0x3FFB];
	_ =	sdelay $0x3  }
0x8f: {  	_ =	strace s16  }
0x90: {  	s1 =	sld [smem:$0x3FFC];
	_ =	sdelay $0x3  }
0x91: {  	_ =	strace s1  }
0x92: {  	s1 =	sld [smem:$0x3FFD];
	_ =	sdelay $0x3  }
0x93: {  	_ =	strace s1  }
0x94: {  	_ =	strace $0x8FFFFFFF  }
0x95: {  	s17 =	sld [smem:$0x3FDB];
	_ =	sdelay $0x1  }
0x96: {  	s2 =	simm.s32 $_scs_section_size  }
0x97: {  	s3 =	simm.s32 $_size__tile_overlayer_lowered;
	s4 =	simm.s32 $_tile_overlayer_lowered  }
0x98: {  	s20 =	simm.s32 $0x1BFF;
	s19 =	sshll.u32 s4, $0x1;
	s1 =	sadd.s32 s2, s17  }
0x99: {  	s5 =	simm.s32 $0x0;
	s18 =	sshll.u32 s3, $0x1;
	s3 =	sadd.s32 s19, s1  }
0x9a: {  	[timem:s5], [sflag:s20] =	dma.local [hbm:s3], s18  }
0x9b: {  	_ =	swait.ge [sflag:s20], s18  }
0x9c: {  	s2 =	ssub.s32 $0x0, s18;
	[sflag:s20] =	ssyncset.done $0x0  }
0x9d: {  	[sflag:s20] =	ssyncadd.s32 s2;
	_ =	sdelay $0x1  }
0x9e: {  	s21 =	simm.s32 $0x1B8B  }
0x9f: {  	_ =	swait.ge [sflag:s21], $0x1  }
0xa0: {  	[sflag:s21] =	ssyncset.done $0x0  }
0xa1: {  	s23 =	simm.s32 $0x1B8E;
	s22 =	sld [smem:$0x3FFE];
	[sflag:s21] =	ssyncadd.s32 $0xFFFFFFFF  }
0xa2: {  	s24 =	simm.s32 $execute0_lowered;
	[smem:$0x3FD2] =	sst s23  }
0xa3: {  	s3 =	sshll.u32 s24, $0x1;
	_ =	strace $0x80000046;
	[dreg:$0x1] =	wrdreg $0xFFFFFFFF  }
0xa4: {  	s25 =	simm.s32 $_size_execute0_lowered;
	s1 =	sadd.s32 s1, s3;
	[dreg:$0x0] =	wrdreg $0x0  }
0xa5: {  	s3 =	sshll.u32 s25, $0x1;
	[dreg:$0x2] =	wrdreg s1  }
0xa6: {  	[dreg:$0x3] =	wrdreg s3  }
0xa7: {  	[dreg:$0x4] =	wrdreg $0xC0  }
0xa8: {  	_ =	task [dreg:s5], $0x5FFFF  }
0xa9: {  	[dreg:$0x1] =	wrdreg $0xFFFFFFFF  }
0xaa: {  	[dreg:$0x0] =	wrdreg $0x60  }
0xab: {  	[dreg:$0x2] =	wrdreg s22  }
0xac: {  	[dreg:$0x3] =	wrdreg s0  }
0xad: {  	[dreg:$0x4] =	wrdreg $0x1CB300  }
0xae: {  	[dreg:$0x5] =	wrdreg $0x1C7300  }
0xaf: {  	[dreg:$0x6] =	wrdreg $0x1CB400  }
0xb0: {  	[dreg:$0x7] =	wrdreg $0x9  }
0xb1: {  	_ =	task.clear_ibuf [dreg:s5], $0x8FFFF;
	_ =	strace $0x90000046  }
0xb2: {  	s26 =	simm.s32 $0x9;
	_ =	strace $0x80000048  }
0xb3: {  	_ =	swait.ge [sflag:s26], $0x1  }
0xb4: {  	[sflag:s26] =	ssyncadd.s32 $0xFFFFFFFF  }
0xb5: {  	_ =	strace $0x90000048  }
0xb6: {  	_ =	sfence  }
0xb7: {  	s28 =	sld [smem:$0x0];
	_ =	sdelay $0x1  }
0xb8: {  	s29 =	srdreg.scid  }
0xb9: {  	s30 =	sshll.u32 s29, $0xD;
	s31 =	sshrl.u32 s29, $0x2  }
0xba: {  	s2 =	sand.u32 $0x4000, s30;
	s1 =	sand.u32 $0x1, s29;
	s0 =	sadd.s32 s31, s28  }
0xbb: {  	s1 =	sor.u32 s2, s1;
	s0 =	sshll.u32 s0, $0x11  }
0xbc: {  	s0 =	sor.u32 s0, s1  }
0xbd: {  	s0 =	sadd.s32 $0x8F2B, s0  }
0xbe: {  	[sflag:s0] =	ssyncadd.remote.s32 $0x1  }
0xbf: {  	_ =	sfence.sel $0xFFFF  }
0xc0: {  	[dreg:$0x0] =	wrdreg $0xFFFFFFFF;
	(pc) =	sbr.abs _section_cstart, $3  }
0xc1: {  	[dreg:$0x1] =	wrdreg $0xFFFFFFFF  }
0xc2: {  	_ =	task.clear_ibuf [dreg:s5], $0x2FFFF;
	_ =	strace $0x9FFFFFFF  }
0xc3: {  	(tm) =	ssettm $0x7FFFFFFF  }
tec
execute0_lowered:
.L_overlay_start_1:
0x0: {  	(tag) =	ssettag $0x1  }
0x1: {  	s4 =	rddreg [dreg:$0x0]  }
0x2: {  	s1 =	rddreg [dreg:$0x1]  }
0x3: {  	s8 =	rddreg [dreg:$0x2]  }
0x4: {  	s7 =	rddreg [dreg:$0x3]  }
0x5: {  	s2 =	rddreg [dreg:$0x4];
	s3 =	stileid.u32  }
0x6: {  	s0 =	rddreg [dreg:$0x5];
	s6 =	simm.s32 $0x0;
	s5 =	sshll.u32 s3, $0xD  }
0x7: {  	[smem:$0x7FF] =	sst s6;
	s9 =	sadd.s32 s5, s4  }
0x8: {  	s30 =	simm.s32 $0x1;
	_ =	strace $0x80000047;
	s9 =	sadd.s32 $0x800, s9  }
0x9: {  	[tilespmem:s6], [sflag:$0x1] =	stream.linear.gather [hbm4b:s9+s6], $0x10000, $0x38;
	[tilespmem:$0x1CB60] =	vst v63  }
0xa: {  	_ =	swait.ge [sflag:s30], $0x10000  }
0xb: {  	[sflag:s30] =	ssyncset.done $0x0  }
0xc: {  	s31 =	simm.s32 $0x0;
	[sflag:s30] =	ssyncadd.s32 $0xFFFF0000  }
0xd: {  	v4 =	vld [tilespmem:s31+$0x0]  }
0xe: {  	v3 =	vld [tilespmem:s31+$0x10]  }
0xf: {  	v1 =	vld [tilespmem:s31+$0x20]  }
0x10: {  	v2 =	vld [tilespmem:s31+$0x30]  }
0x11: {  	v0 =	vimm.s32 $0x0;
	v5 =	vimm.s32 $0x0;
	s6 =	sadd.s32 $0x20800, s4;
	s4 =	simm.s32 $0x100  }
.LBB2_1:
0x12: {  	s9 =	sshra.s32 s4, $0x2;
	p0 =	sne.s32 s4, $0x3FF00;
	s4 =	sadd.s32 $0x100, s4;
	vm0 =	vlt.s32 v4, $0x3F333333  }
.Ltmp0:
0x13: {  	v4 =	vld [tilespmem:s9+$0x0];
	v6 =	vsel vm0, $0x1, v0;
	vm0 =	vlt.s32 v3, $0x3F333333;
	(pc) =	sbr.rel @p0 .LBB2_1-.Ltmp0, $4  }
0x14: {  	v3 =	vld [tilespmem:s9+$0x10];
	v5 =	vadd.s32 v6, v5;
	v6 =	vsel vm0, $0x1, v0;
	vm0 =	vlt.s32 v1, $0x3F333333  }
0x15: {  	v1 =	vld [tilespmem:s9+$0x20];
	v5 =	vadd.s32 v6, v5;
	v6 =	vsel vm0, $0x1, v0;
	vm0 =	vlt.s32 v2, $0x3F333333  }
0x16: {  	v2 =	vld [tilespmem:s9+$0x30];
	v5 =	vadd.s32 v6, v5;
	v6 =	vsel vm0, $0x1, v0  }
0x17: {  	v5 =	vadd.s32 v6, v5  }
0x18: {  	vm0 =	vlt.s32 v4, $0x3F333333  }
0x19: {  	v4 =	vsel vm0, $0x1, v0;
	vm13 =	vlt.s32 v3, $0x3F333333  }
0x1a: {  	v43 =	vadd.s32 v4, v5;
	v44 =	vsel vm13, $0x1, v0;
	vm14 =	vlt.s32 v1, $0x3F333333  }
0x1b: {  	v45 =	vadd.s32 v44, v43;
	v46 =	vsel vm14, $0x1, v0;
	vm15 =	vlt.s32 v2, $0x3F333333  }
0x1c: {  	v1 =	vadd.s32 v46, v45;
	v47 =	vsel vm15, $0x1, v0  }
0x1d: {  	s4 =	sshll.u32 s3, $0x4;
	v0 =	vadd.s32 v47, v1  }
0x1e: {  	s9 =	simm.s32 $0x1C400;
	s4 =	sadd.s32 s4, s8;
	[tilespmem:$0x1C400] =	vst v0  }
0x1f: {  	[spmem:s4] =	stream.linear.scatter [tilespmem:s9], [sflag:$0x1], $0x10, $0x38;
	[tilespmem:$0x1CB60] =	vst v63  }
0x20: {  	s4 =	simm.s32 $0x1  }
0x21: {  	_ =	swait.ge [sflag:s4], $0x10  }
0x22: {  	[sflag:s4] =	ssyncset.done $0x0  }
0x23: {  	[sflag:s4] =	ssyncadd.s32 $0xFFFFFFF0  }
0x24: {  	[bflag:$0x0] =	sbarrier.arrive $0xFFFF  }
0x25: {  	[tilespmem:s9], [sflag:$0x1] =	stream.linear.gather [spmem:s8], $0x100, $0x38;
	[tilespmem:$0x1CB60] =	vst v63  }
0x26: {  	_ =	swait.ge [sflag:s4], $0x100  }
0x27: {  	[sflag:s4] =	ssyncset.done $0x0  }
0x28: {  	[sflag:s4] =	ssyncadd.s32 $0xFFFFFF00  }
0x29: {  	[bflag:$0x0] =	sbarrier.arrive $0xFFFF  }
0x2a: {  	v48 =	vld [tilespmem:$0x1C400]  }
0x2b: {  	v49 =	vld [tilespmem:$0x1C410]  }
0x2c: {  	v50 =	vld [tilespmem:$0x1C420]  }
0x2d: {  	v51 =	vld [tilespmem:$0x1C430]  }
0x2e: {  	v52 =	vld [tilespmem:$0x1C440]  }
0x2f: {  	v53 =	vld [tilespmem:$0x1C450]  }
0x30: {  	v54 =	vld [tilespmem:$0x1C460];
	v0 =	vadd.s32 v48, v49  }
0x31: {  	v55 =	vld [tilespmem:$0x1C470];
	v0 =	vadd.s32 v50, v0  }
0x32: {  	v56 =	vld [tilespmem:$0x1C480];
	v0 =	vadd.s32 v51, v0  }
0x33: {  	v57 =	vld [tilespmem:$0x1C490];
	v0 =	vadd.s32 v52, v0  }
0x34: {  	v58 =	vld [tilespmem:$0x1C4A0];
	v0 =	vadd.s32 v53, v0  }
0x35: {  	v59 =	vld [tilespmem:$0x1C4B0];
	v0 =	vadd.s32 v54, v0  }
0x36: {  	v60 =	vld [tilespmem:$0x1C4C0];
	v0 =	vadd.s32 v55, v0  }
0x37: {  	v61 =	vld [tilespmem:$0x1C4D0];
	v0 =	vadd.s32 v56, v0  }
0x38: {  	v62 =	vld [tilespmem:$0x1C4E0];
	v0 =	vadd.s32 v57, v0  }
0x39: {  	v63 =	vld [tilespmem:$0x1C4F0];
	v0 =	vadd.s32 v58, v0  }
0x3a: {  	v0 =	vadd.s32 v59, v0  }
0x3b: {  	v0 =	vadd.s32 v60, v0  }
0x3c: {  	v0 =	vadd.s32 v61, v0  }
0x3d: {  	v0 =	vadd.s32 v62, v0  }
0x3e: {  	v0 =	vadd.s32 v63, v0  }
0x3f: {  	(xrf0) =	vadd.scan.msk.s32 $0xffff, v0;
	_ =	sdelay $0x5  }
0x40: {  	v0, _, _ =	vpop (xrf0)  }
0x41: {  	(v2sf) =	vpush v0, $0xF;
	_ =	sdelay $0xe  }
0x42: {  	s31 =	spop (v2sf)  }
0x43: {  	p0 =	sgt.s32 s31, $0x186A0  }
.Ltmp1:
0x44: {  	_ = 	snop;
	(pc) =	sbr.rel @p0 .LBB2_39-.Ltmp1, $2  }
0x45: {  	_ =	sdelay $0x2  }
0x46: {  	s6 =	sadd.s32 s6, s5;
	s5 =	sshll.u32 s3, $0x5;
	s8 =	simm.s32 $0x3F333333  }
0x47: {  	s8 =	sshll.u32 s3, $0xA  }
0x48: {  	s9 =	simm.s32 $0x0;
	v0 =	vimm.s32 $0x0;
	s8 =	sadd.s32 s8, s7  }
.LBB2_4:
0x49: {  	p0 =	sne.s32 s9, $0xFFC0  }
.Ltmp2:
0x4a: {  	_ = 	snop;
	(pc) =	sbr.rel @p0 .LBB2_4-.Ltmp2, $3  }
0x4b: {  	_ =	sdelay $0x1  }
0x4c: {  	s10 =	sshra.s32 s9, $0x2  }
0x4d: {  	s9 =	sadd.s32 $0x40, s9;
	[tilespmem:s10+$0x14000] =	vst v0  }
0x4e: {  	v0 =	vlaneseq.u32  }
0x4f: {  	v1 =	vimm.s32 $0x1;
	s9 =	simm.s32 $0x14000;
	s11 =	simm.s32 $0x0;
	s10 =	simm.s32 $0x40;
	v0 =	vmul.u32 $0x400, v0  }
.LBB2_6:
0x50: {  	p0 =	sne.s32 s10, $0x3FFC0;
	v2 =	vld [tilespmem:s11+$0x0];
	_ =	sdelay $0x4  }
0x51: {  	v2 =	vshrl.u32 v2, $0x14  }
0x52: {  	v2 =	vand.u32 $0x3FF, v2  }
0x53: {  	v2 =	vor.u32 v0, v2  }
.Ltmp3:
0x54: {  	(pc) =	sbr.rel @p0 .LBB2_6-.Ltmp3, $2  }
0x55: {  	_ =	sdelay $0x2  }
0x56: {  	s11 =	sshra.s32 s10, $0x2;
	s10 =	sadd.s32 $0x40, s10;
	[tilespmem:v2+s9+$0x0] =	vst.idx.add.s32.msk $0xffff, v1  }
0x57: {  	v2 =	vld [tilespmem:s11+$0x0];
	_ =	sdelay $0x4  }
0x58: {  	v2 =	vshrl.u32 v2, $0x14  }
0x59: {  	v2 =	vand.u32 $0x3FF, v2  }
0x5a: {  	v0 =	vor.u32 v0, v2;
	_ =	sdelay $0x4  }
0x5b: {  	[tilespmem:v0+s9+$0x0] =	vst.idx.add.s32.msk $0xffff, v1;
	s9 =	simm.s32 $0x0  }
0x5c: {  	v0 =	vld [tilespmem:s9+$0x14000]  }
0x5d: {  	v1 =	vld [tilespmem:s9+$0x14400]  }
0x5e: {  	v2 =	vld [tilespmem:s9+$0x14800]  }
0x5f: {  	v3 =	vld [tilespmem:s9+$0x14C00]  }
0x60: {  	v4 =	vld [tilespmem:s9+$0x15000]  }
0x61: {  	v5 =	vld [tilespmem:s9+$0x15400]  }
0x62: {  	v0 =	vadd.s32 v0, v1;
	v1 =	vld [tilespmem:s9+$0x15800]  }
0x63: {  	v0 =	vadd.s32 v2, v0;
	v2 =	vld [tilespmem:s9+$0x15C00]  }
0x64: {  	v0 =	vadd.s32 v3, v0;
	v3 =	vld [tilespmem:s9+$0x16000]  }
0x65: {  	v0 =	vadd.s32 v4, v0;
	v4 =	vld [tilespmem:s9+$0x16400]  }
0x66: {  	v0 =	vadd.s32 v5, v0;
	v5 =	vld [tilespmem:s9+$0x16800]  }
0x67: {  	v6 =	vld [tilespmem:s9+$0x16C00];
	v0 =	vadd.s32 v1, v0  }
0x68: {  	v1 =	vld [tilespmem:s9+$0x17000];
	v0 =	vadd.s32 v2, v0  }
0x69: {  	v2 =	vld [tilespmem:s9+$0x17400];
	v0 =	vadd.s32 v3, v0  }
0x6a: {  	v3 =	vld [tilespmem:s9+$0x17800];
	v0 =	vadd.s32 v4, v0  }
0x6b: {  	s10 =	simm.s32 $0x10;
	v4 =	vld [tilespmem:s9+$0x17C00];
	v5 =	vadd.s32 v5, v0  }
0x6c: {  	s11 =	simm.s32 $0x80;
	v0 =	vld [tilespmem:s10+$0x14000];
	v5 =	vadd.s32 v6, v5  }
.LBB2_8:
0x6d: {  	p0 =	sne.s32 s11, $0xFC0;
	v6 =	vld [tilespmem:s10+$0x14400];
	v1 =	vadd.s32 v1, v5  }
0x6e: {  	v5 =	vld [tilespmem:s10+$0x14800];
	v1 =	vadd.s32 v2, v1  }
0x6f: {  	v2 =	vld [tilespmem:s10+$0x14C00];
	v1 =	vadd.s32 v3, v1  }
0x70: {  	v3 =	vld [tilespmem:s10+$0x15000];
	v1 =	vadd.s32 v4, v1  }
0x71: {  	v4 =	vld [tilespmem:s10+$0x15400];
	[tilespmem:s9+$0x1C000] =	vst v1;
	s9 =	smov.u32 s10  }
0x72: {  	v0 =	vadd.s32 v0, v6;
	v1 =	vld [tilespmem:s9+$0x15800]  }
0x73: {  	v0 =	vadd.s32 v5, v0;
	v5 =	vld [tilespmem:s9+$0x15C00]  }
0x74: {  	v0 =	vadd.s32 v2, v0;
	v2 =	vld [tilespmem:s9+$0x16000]  }
0x75: {  	v0 =	vadd.s32 v3, v0;
	v3 =	vld [tilespmem:s9+$0x16400]  }
0x76: {  	v0 =	vadd.s32 v4, v0;
	v4 =	vld [tilespmem:s9+$0x16800]  }
0x77: {  	v0 =	vadd.s32 v1, v0;
	v6 =	vld [tilespmem:s9+$0x16C00]  }
.Ltmp4:
0x78: {  	v0 =	vadd.s32 v5, v0;
	v1 =	vld [tilespmem:s9+$0x17000];
	(pc) =	sbr.rel @p0 .LBB2_8-.Ltmp4, $4  }
0x79: {  	v0 =	vadd.s32 v2, v0;
	v2 =	vld [tilespmem:s9+$0x17400]  }
0x7a: {  	v0 =	vadd.s32 v3, v0;
	v3 =	vld [tilespmem:s9+$0x17800]  }
0x7b: {  	s10 =	sshra.s32 s11, $0x2;
	v5 =	vadd.s32 v4, v0;
	v4 =	vld [tilespmem:s9+$0x17C00]  }
0x7c: {  	s11 =	sadd.s32 $0x40, s11;
	v0 =	vld [tilespmem:s10+$0x14000];
	v5 =	vadd.s32 v6, v5  }
0x7d: {  	v6 =	vld [tilespmem:s10+$0x14400];
	v1 =	vadd.s32 v1, v5  }
0x7e: {  	v5 =	vld [tilespmem:s10+$0x14800];
	v1 =	vadd.s32 v2, v1  }
0x7f: {  	v2 =	vld [tilespmem:s10+$0x14C00];
	v1 =	vadd.s32 v3, v1  }
0x80: {  	v3 =	vld [tilespmem:s10+$0x15000];
	v1 =	vadd.s32 v4, v1  }
0x81: {  	v4 =	vld [tilespmem:s10+$0x15400];
	[tilespmem:s9+$0x1C000] =	vst v1  }
0x82: {  	v0 =	vadd.s32 v0, v6;
	v1 =	vld [tilespmem:s10+$0x15800]  }
0x83: {  	v0 =	vadd.s32 v5, v0;
	v5 =	vld [tilespmem:s10+$0x15C00]  }
0x84: {  	v0 =	vadd.s32 v2, v0;
	v2 =	vld [tilespmem:s10+$0x16000]  }
0x85: {  	v0 =	vadd.s32 v3, v0;
	v3 =	vld [tilespmem:s10+$0x16400]  }
0x86: {  	v0 =	vadd.s32 v4, v0;
	v4 =	vld [tilespmem:s10+$0x16800]  }
0x87: {  	v0 =	vadd.s32 v1, v0;
	v1 =	vld [tilespmem:s10+$0x16C00]  }
0x88: {  	v0 =	vadd.s32 v5, v0;
	v5 =	vld [tilespmem:s10+$0x17000]  }
0x89: {  	v0 =	vadd.s32 v2, v0;
	v2 =	vld [tilespmem:s10+$0x17400]  }
0x8a: {  	v0 =	vadd.s32 v3, v0;
	v3 =	vld [tilespmem:s10+$0x17800]  }
0x8b: {  	v0 =	vadd.s32 v4, v0;
	v4 =	vld [tilespmem:s10+$0x17C00]  }
0x8c: {  	v0 =	vadd.s32 v1, v0  }
0x8d: {  	v0 =	vadd.s32 v5, v0  }
0x8e: {  	v0 =	vadd.s32 v2, v0  }
0x8f: {  	v0 =	vadd.s32 v3, v0  }
0x90: {  	v0 =	vadd.s32 v4, v0  }
0x91: {  	s29 =	simm.s32 $0x1C000;
	s30 =	simm.s32 $0x1;
	[tilespmem:s10+$0x1C000] =	vst v0  }
0x92: {  	[spmem:s8] =	stream.linear.scatter [tilespmem:s29], [sflag:$0x1], $0x400, $0x38;
	[tilespmem:$0x1CB60] =	vst v63  }
0x93: {  	_ =	swait.ge [sflag:s30], $0x400  }
0x94: {  	[sflag:s30] =	ssyncset.done $0x0  }
0x95: {  	[sflag:s30] =	ssyncadd.s32 $0xFFFFFC00  }
0x96: {  	s31 =	simm.s32 $0x18000;
	[bflag:$0x0] =	sbarrier.arrive $0xFFFF  }
0x97: {  	[tilespmem:s31], [sflag:$0x1] =	stream.linear.gather [spmem:s7], $0x4000, $0x38;
	[tilespmem:$0x1CB60] =	vst v63  }
0x98: {  	_ =	swait.ge [sflag:s30], $0x4000  }
0x99: {  	[sflag:s30] =	ssyncset.done $0x0  }
0x9a: {  	[sflag:s30] =	ssyncadd.s32 $0xFFFFC000  }
0x9b: {  	s11 =	simm.s32 $0x0;
	[bflag:$0x0] =	sbarrier.arrive $0xFFFF  }
0x9c: {  	v0 =	vld [tilespmem:s11+$0x18000]  }
0x9d: {  	v1 =	vld [tilespmem:s11+$0x18400]  }
0x9e: {  	v2 =	vld [tilespmem:s11+$0x18800]  }
0x9f: {  	v3 =	vld [tilespmem:s11+$0x18C00]  }
0xa0: {  	v4 =	vld [tilespmem:s11+$0x19000]  }
0xa1: {  	v5 =	vld [tilespmem:s11+$0x19400]  }
0xa2: {  	v0 =	vadd.s32 v0, v1;
	v1 =	vld [tilespmem:s11+$0x19800]  }
0xa3: {  	v0 =	vadd.s32 v2, v0;
	v2 =	vld [tilespmem:s11+$0x19C00]  }
0xa4: {  	v0 =	vadd.s32 v3, v0;
	v3 =	vld [tilespmem:s11+$0x1A000]  }
0xa5: {  	v0 =	vadd.s32 v4, v0;
	v4 =	vld [tilespmem:s11+$0x1A400]  }
0xa6: {  	v0 =	vadd.s32 v5, v0;
	v5 =	vld [tilespmem:s11+$0x1A800]  }
0xa7: {  	v6 =	vld [tilespmem:s11+$0x1AC00];
	v0 =	vadd.s32 v1, v0  }
0xa8: {  	v1 =	vld [tilespmem:s11+$0x1B000];
	v0 =	vadd.s32 v2, v0  }
0xa9: {  	v2 =	vld [tilespmem:s11+$0x1B400];
	v0 =	vadd.s32 v3, v0  }
0xaa: {  	v3 =	vld [tilespmem:s11+$0x1B800];
	v0 =	vadd.s32 v4, v0  }
0xab: {  	s12 =	simm.s32 $0x10;
	v4 =	vld [tilespmem:s11+$0x1BC00];
	v5 =	vadd.s32 v5, v0  }
0xac: {  	s13 =	simm.s32 $0x80;
	s9 =	simm.s32 $0x0;
	s10 =	simm.s32 $0x40;
	v0 =	vld [tilespmem:s12+$0x18000];
	v5 =	vadd.s32 v6, v5  }
.LBB2_10:
0xad: {  	p0 =	sne.s32 s13, $0xFC0;
	v6 =	vld [tilespmem:s12+$0x18400];
	v1 =	vadd.s32 v1, v5  }
0xae: {  	v5 =	vld [tilespmem:s12+$0x18800];
	v1 =	vadd.s32 v2, v1  }
0xaf: {  	v2 =	vld [tilespmem:s12+$0x18C00];
	v1 =	vadd.s32 v3, v1  }
0xb0: {  	v3 =	vld [tilespmem:s12+$0x19000];
	v1 =	vadd.s32 v4, v1  }
0xb1: {  	v4 =	vld [tilespmem:s12+$0x19400];
	[tilespmem:s11+$0x1C000] =	vst v1;
	s11 =	smov.u32 s12  }
0xb2: {  	v0 =	vadd.s32 v0, v6;
	v1 =	vld [tilespmem:s11+$0x19800]  }
0xb3: {  	v0 =	vadd.s32 v5, v0;
	v5 =	vld [tilespmem:s11+$0x19C00]  }
0xb4: {  	v0 =	vadd.s32 v2, v0;
	v2 =	vld [tilespmem:s11+$0x1A000]  }
0xb5: {  	v0 =	vadd.s32 v3, v0;
	v3 =	vld [tilespmem:s11+$0x1A400]  }
0xb6: {  	v0 =	vadd.s32 v4, v0;
	v4 =	vld [tilespmem:s11+$0x1A800]  }
0xb7: {  	v0 =	vadd.s32 v1, v0;
	v6 =	vld [tilespmem:s11+$0x1AC00]  }
.Ltmp5:
0xb8: {  	v0 =	vadd.s32 v5, v0;
	v1 =	vld [tilespmem:s11+$0x1B000];
	(pc) =	sbr.rel @p0 .LBB2_10-.Ltmp5, $4  }
0xb9: {  	v0 =	vadd.s32 v2, v0;
	v2 =	vld [tilespmem:s11+$0x1B400]  }
0xba: {  	v0 =	vadd.s32 v3, v0;
	v3 =	vld [tilespmem:s11+$0x1B800]  }
0xbb: {  	s12 =	sshra.s32 s13, $0x2;
	v5 =	vadd.s32 v4, v0;
	v4 =	vld [tilespmem:s11+$0x1BC00]  }
0xbc: {  	s13 =	sadd.s32 $0x40, s13;
	v0 =	vld [tilespmem:s12+$0x18000];
	v5 =	vadd.s32 v6, v5  }
0xbd: {  	v6 =	vld [tilespmem:s12+$0x18400];
	v1 =	vadd.s32 v1, v5  }
0xbe: {  	v58 =	vld [tilespmem:s12+$0x18800];
	v1 =	vadd.s32 v2, v1  }
0xbf: {  	v2 =	vld [tilespmem:s12+$0x18C00];
	v1 =	vadd.s32 v3, v1  }
0xc0: {  	v3 =	vld [tilespmem:s12+$0x19000];
	v1 =	vadd.s32 v4, v1  }
0xc1: {  	v59 =	vld [tilespmem:s12+$0x19400];
	[tilespmem:s11+$0x1C000] =	vst v1  }
0xc2: {  	v0 =	vadd.s32 v0, v6;
	v1 =	vld [tilespmem:s12+$0x19800]  }
0xc3: {  	v60 =	vld [tilespmem:s12+$0x19C00];
	v0 =	vadd.s32 v58, v0  }
0xc4: {  	v0 =	vadd.s32 v2, v0;
	v2 =	vld [tilespmem:s12+$0x1A000]  }
0xc5: {  	v0 =	vadd.s32 v3, v0;
	v3 =	vld [tilespmem:s12+$0x1A400]  }
0xc6: {  	v61 =	vld [tilespmem:s12+$0x1A800];
	v0 =	vadd.s32 v59, v0  }
0xc7: {  	v0 =	vadd.s32 v1, v0;
	v1 =	vld [tilespmem:s12+$0x1AC00]  }
0xc8: {  	v62 =	vld [tilespmem:s12+$0x1B000];
	v0 =	vadd.s32 v60, v0  }
0xc9: {  	v0 =	vadd.s32 v2, v0;
	v2 =	vld [tilespmem:s12+$0x1B400]  }
0xca: {  	v0 =	vadd.s32 v3, v0;
	v3 =	vld [tilespmem:s12+$0x1B800]  }
0xcb: {  	v63 =	vld [tilespmem:s12+$0x1BC00];
	v0 =	vadd.s32 v61, v0  }
0xcc: {  	p1 =	por $0x0, $0x0;
	v0 =	vadd.s32 v1, v0  }
.Ltmp6:
0xcd: {  	v0 =	vadd.s32 v62, v0;
	(pc) =	sbr.rel @p1 .LBB2_16-.Ltmp6, $4  }
0xce: {  	v0 =	vadd.s32 v2, v0  }
0xcf: {  	v0 =	vadd.s32 v3, v0  }
0xd0: {  	p0 =	por $0x0, $0x0;
	v0 =	vadd.s32 v63, v0  }
0xd1: {  	s13 =	simm.s32 $0x0;
	s11 =	simm.s32 $0x0;
	[tilespmem:s12+$0x1C000] =	vst v0;
	s12 =	simm.s32 $0x0  }
0xd2: {  	s11 =	simm.s32 $0x0  }
0xd3: {  	v0 =	vld [tilespmem:s11+$0x1C000];
	_ =	sdelay $0x4  }
0xd4: {  	(xrf0) =	vadd.scan.msk.s32 $0xffff, v0;
	_ =	sdelay $0x5  }
0xd5: {  	v0, _, _ =	vpop (xrf0)  }
0xd6: {  	v0 =	vadd.s32 s9, v0  }
0xd7: {  	v1 =	vxor.u32 $0x80000000, v0  }
0xd8: {  	(xrf0) =	vmax.scan.msk.u32 $0xffff, v1  }
0xd9: {  	vm0 =	vlt.s32 v0, $0x186A1  }
0xda: {  	v0 =	vnsel vm0, $0x80000000, v1  }
0xdb: {  	(xrf0) =	vmax.scan.msk.u32 $0xffff, v0;
	v0 =	vmpcnt.ones.xlane vm0  }
0xdc: {  	p1 =	por $0x0, $0x0  }
.Ltmp7:
0xdd: {  	v0 =	vxor.u32 $0x80000000, v0;
	(pc) =	sbr.rel @p1 .LBB2_13-.Ltmp7, $3  }
0xde: {  	v1, _, _ =	vpop (xrf0);
	(xrf0) =	vmax.scan.msk.u32 $0xffff, v0;
	_ =	sdelay $0x1  }
0xdf: {  	s13 =	simm.s32 $0x80  }
0xe0: {  	p0 =	por $0x1, $0x1;
	s12 =	simm.s32 $0x0;
	s11 =	simm.s32 $0x0;
	(v2sf) =	vpush v1, $0xF;
	v0, _, _ =	vpop (xrf0)  }
.LBB2_14:
0xe1: {  	s14 =	smov.u32 s12  }
0xe2: {  	p1 =	seq.s32 s13, $0xFC0;
	(v2sf) =	vpush v0, $0xF  }
0xe3: {  	v0, _, _ =	vpop (xrf0)  }
0xe4: {  	(v2sf) =	vpush v0, $0xF  }
0xe5: {  	s12 =	sshra.s32 s10, $0x2;
	s10 =	smov.u32 s13  }
0xe6: {  	v0 =	vld [tilespmem:s12+$0x1C000];
	_ =	sdelay $0x4  }
0xe7: {  	(xrf0) =	vadd.scan.msk.s32 $0xffff, v0;
	_ =	sdelay $0x4  }
0xe8: {  	s12 =	spop (v2sf)  }
0xe9: {  	v0, _, _ =	vpop (xrf0);
	s12 =	sxor.u32 $0x80000000, s12;
	s15 =	spop (v2sf)  }
0xea: {  	v0 =	vadd.s32 s12, v0;
	s12 =	sxor.u32 $0x80000000, s15  }
0xeb: {  	v1 =	vxor.u32 $0x80000000, v0;
	vm0 =	vlt.s32 v0, $0x186A1;
	p2 =	sgt.s32 s14, s12;
	s15 =	spop (v2sf)  }
0xec: {  	v0 =	vmpcnt.ones.xlane vm0;
	v2 =	vnsel vm0, $0x80000000, v1;
	(xrf0) =	vmax.scan.msk.u32 $0xffff, v1;
	s11 =	sadd.s32 s15, s11;
	s12 =	smov.u32 @p2 s14  }
0xed: {  	(xrf0) =	vmax.scan.msk.u32 $0xffff, v2;
	s11 =	sadd.s32 $0x80000000, s11  }
0xee: {  	v0 =	vxor.u32 $0x80000000, v0  }
.Ltmp8:
0xef: {  	(xrf0) =	vmax.scan.msk.u32 $0xffff, v0;
	(pc) =	sbr.rel @!p1 .LBB2_14-.Ltmp8, $3  }
0xf0: {  	_ =	sdelay $0x1  }
0xf1: {  	v0, _, _ =	vpop (xrf0)  }
0xf2: {  	s13 =	sadd.s32 $0x40, s13;
	(v2sf) =	vpush v0, $0xF;
	v0, _, _ =	vpop (xrf0)  }
0xf3: {  	s13 =	smov.u32 s10  }
.LBB2_16:
0xf4: {  	_ =	sdelay $0x2  }
0xf5: {  	s10 =	sshra.s32 s13, $0x2  }
0xf6: {  	v1 =	vld [tilespmem:s10+$0x1C000];
	_ =	sdelay $0x4  }
0xf7: {  	(xrf0) =	vadd.scan.msk.s32 $0xffff, v1;
	_ =	sdelay $0x3  }
0xf8: {  	s10 =	spop @p0 (v2sf)  }
0xf9: {  	s13 =	simm.s32 $0x0;
	v1, _, _ =	vpop @p0 (xrf0);
	s10 =	sxor.u32 @p0 $0x80000000, s10  }
0xfa: {  	v2, _, _ =	vpop (xrf0);
	s13 =	smov.u32 @p0 s10  }
0xfb: {  	v2 =	vadd.s32 s13, v2  }
0xfc: {  	vm0 =	vlt.s32 v2, $0x186A1  }
0xfd: {  	v2 =	vxor.u32 $0x80000000, v2;
	v3 =	vmpcnt.ones.xlane vm0  }
0xfe: {  	(xrf0) =	vmax.scan.msk.u32 $0xffff, v2;
	v2 =	vnsel vm0, $0x80000000, v2  }
0xff: {  	(xrf0) =	vmax.scan.msk.u32 $0xffff, v2;
	v2 =	vxor.u32 $0x80000000, v3  }
0x100: {  	(xrf0) =	vmax.scan.msk.u32 $0xffff, v2  }
0x101: {  	(v2sf) =	vpush @p0 v0, $0xF;
	_ =	sdelay $0x1  }
0x102: {  	(v2sf) =	vpush @p0 v1, $0xF  }
0x103: {  	v0, _, _ =	vpop (xrf0)  }
0x104: {  	(v2sf) =	vpush v0, $0xF;
	v0, _, _ =	vpop (xrf0)  }
0x105: {  	(v2sf) =	vpush v0, $0xF;
	v0, _, _ =	vpop (xrf0)  }
0x106: {  	(v2sf) =	vpush v0, $0xF;
	_ =	sdelay $0x8  }
0x107: {  	s10 =	spop @p0 (v2sf)  }
0x108: {  	s10 =	sxor.u32 @p0 $0x80000000, s10  }
0x109: {  	s13 =	spop @p0 (v2sf);
	p1 =	sgt.s32 @p0 s12, s10  }
0x10a: {  	s11 =	sadd.s32 @p0 s13, s11;
	p1 =	por !p1, !p0  }
0x10b: {  	s13 =	simm.s32 $0x0;
	s12 =	smov.u32 @p1 s10;
	s29 =	spop (v2sf)  }
0x10c: {  	s10 =	sadd.s32 @p0 $0x80000000, s11;
	s13 =	smov.u32 @p0 s12;
	s30 =	spop (v2sf)  }
0x10d: {  	s9 =	smov.u32 @p0 s10;
	s10 =	sxor.u32 $0x80000000, s30;
	s31 =	spop (v2sf)  }
0x10e: {  	s11 =	simm.s32 $0x40;
	p0 =	sgt.s32 s13, s10;
	s9 =	sadd.s32 s31, s9  }
0x10f: {  	v0 =	vimm.s32 $0x0;
	s12 =	simm.s32 $0x0;
	s10 =	smov.u32 @p0 s13;
	s9 =	sadd.s32 $0x80000000, s9  }
.LBB2_17:
0x110: {  	p0 =	seq.s32 s11, $0xFFC0;
	[tilespmem:s12+$0x14000] =	vst v0;
	s12 =	smov.u32 s11;
	s11 =	sadd.s32 $0x40, s11  }
.Ltmp9:
0x111: {  	(pc) =	sbr.rel @!p0 .LBB2_17-.Ltmp9, $2  }
0x112: {  	_ =	sdelay $0x2  }
0x113: {  	s12 =	sshra.s32 s12, $0x2  }
0x114: {  	[tilespmem:s12+$0x14000] =	vst v0;
	v0 =	vlaneseq.u32  }
0x115: {  	v2 =	vmov s9;
	v1 =	vimm.s32 $0x1;
	s11 =	simm.s32 $0x14000;
	s13 =	simm.s32 $0x0;
	s12 =	simm.s32 $0x40;
	v0 =	vmul.u32 $0x400, v0  }
.LBB2_19:
0x116: {  	p0 =	sne.s32 s12, $0x3FFC0;
	v3 =	vld [tilespmem:s13+$0x0];
	_ =	sdelay $0x4  }
0x117: {  	v4 =	vshrl.u32 v3, $0xA;
	v3 =	vshra.s32 v3, $0x14  }
0x118: {  	vm0 =	veq.s32 v3, v2;
	v3 =	vand.u32 $0x3FF, v4  }
0x119: {  	v3 =	vor.u32 v0, v3  }
.Ltmp10:
0x11a: {  	(pc) =	sbr.rel @p0 .LBB2_19-.Ltmp10, $2  }
0x11b: {  	_ =	sdelay $0x2  }
0x11c: {  	s13 =	sshra.s32 s12, $0x2;
	s12 =	sadd.s32 $0x40, s12;
	[tilespmem:v3+s11+$0x0] =	vst.idx.add.s32.msk vm0, v1  }
0x11d: {  	v3 =	vld [tilespmem:s13+$0x0];
	_ =	sdelay $0x4  }
0x11e: {  	v4 =	vshrl.u32 v3, $0xA;
	v3 =	vshra.s32 v3, $0x14  }
0x11f: {  	vm0 =	veq.s32 v3, v2;
	v2 =	vand.u32 $0x3FF, v4  }
0x120: {  	v0 =	vor.u32 v0, v2;
	_ =	sdelay $0x4  }
0x121: {  	[tilespmem:v0+s11+$0x0] =	vst.idx.add.s32.msk vm0, v1;
	s11 =	simm.s32 $0x0  }
0x122: {  	v0 =	vld [tilespmem:s11+$0x14000]  }
0x123: {  	v1 =	vld [tilespmem:s11+$0x14400]  }
0x124: {  	v2 =	vld [tilespmem:s11+$0x14800]  }
0x125: {  	v3 =	vld [tilespmem:s11+$0x14C00]  }
0x126: {  	v4 =	vld [tilespmem:s11+$0x15000]  }
0x127: {  	v5 =	vld [tilespmem:s11+$0x15400]  }
0x128: {  	v0 =	vadd.s32 v0, v1;
	v1 =	vld [tilespmem:s11+$0x15800]  }
0x129: {  	v0 =	vadd.s32 v2, v0;
	v2 =	vld [tilespmem:s11+$0x15C00]  }
0x12a: {  	v0 =	vadd.s32 v3, v0;
	v3 =	vld [tilespmem:s11+$0x16000]  }
0x12b: {  	v0 =	vadd.s32 v4, v0;
	v4 =	vld [tilespmem:s11+$0x16400]  }
0x12c: {  	v0 =	vadd.s32 v5, v0;
	v5 =	vld [tilespmem:s11+$0x16800]  }
0x12d: {  	v6 =	vld [tilespmem:s11+$0x16C00];
	v0 =	vadd.s32 v1, v0  }
0x12e: {  	v1 =	vld [tilespmem:s11+$0x17000];
	v0 =	vadd.s32 v2, v0  }
0x12f: {  	v2 =	vld [tilespmem:s11+$0x17400];
	v0 =	vadd.s32 v3, v0  }
0x130: {  	v3 =	vld [tilespmem:s11+$0x17800];
	v0 =	vadd.s32 v4, v0  }
0x131: {  	s12 =	simm.s32 $0x10;
	v4 =	vld [tilespmem:s11+$0x17C00];
	v5 =	vadd.s32 v5, v0  }
0x132: {  	s13 =	simm.s32 $0x80;
	v0 =	vld [tilespmem:s12+$0x14000];
	v5 =	vadd.s32 v6, v5  }
.LBB2_21:
0x133: {  	p0 =	sne.s32 s13, $0xFC0;
	v6 =	vld [tilespmem:s12+$0x14400];
	v1 =	vadd.s32 v1, v5  }
0x134: {  	v5 =	vld [tilespmem:s12+$0x14800];
	v1 =	vadd.s32 v2, v1  }
0x135: {  	v2 =	vld [tilespmem:s12+$0x14C00];
	v1 =	vadd.s32 v3, v1  }
0x136: {  	v3 =	vld [tilespmem:s12+$0x15000];
	v1 =	vadd.s32 v4, v1  }
0x137: {  	v4 =	vld [tilespmem:s12+$0x15400];
	[tilespmem:s11+$0x1C000] =	vst v1;
	s11 =	smov.u32 s12  }
0x138: {  	v0 =	vadd.s32 v0, v6;
	v1 =	vld [tilespmem:s11+$0x15800]  }
0x139: {  	v0 =	vadd.s32 v5, v0;
	v5 =	vld [tilespmem:s11+$0x15C00]  }
0x13a: {  	v0 =	vadd.s32 v2, v0;
	v2 =	vld [tilespmem:s11+$0x16000]  }
0x13b: {  	v0 =	vadd.s32 v3, v0;
	v3 =	vld [tilespmem:s11+$0x16400]  }
0x13c: {  	v0 =	vadd.s32 v4, v0;
	v4 =	vld [tilespmem:s11+$0x16800]  }
0x13d: {  	v0 =	vadd.s32 v1, v0;
	v6 =	vld [tilespmem:s11+$0x16C00]  }
.Ltmp11:
0x13e: {  	v0 =	vadd.s32 v5, v0;
	v1 =	vld [tilespmem:s11+$0x17000];
	(pc) =	sbr.rel @p0 .LBB2_21-.Ltmp11, $4  }
0x13f: {  	v0 =	vadd.s32 v2, v0;
	v2 =	vld [tilespmem:s11+$0x17400]  }
0x140: {  	v0 =	vadd.s32 v3, v0;
	v3 =	vld [tilespmem:s11+$0x17800]  }
0x141: {  	s12 =	sshra.s32 s13, $0x2;
	v5 =	vadd.s32 v4, v0;
	v4 =	vld [tilespmem:s11+$0x17C00]  }
0x142: {  	s13 =	sadd.s32 $0x40, s13;
	v0 =	vld [tilespmem:s12+$0x14000];
	v5 =	vadd.s32 v6, v5  }
0x143: {  	v6 =	vld [tilespmem:s12+$0x14400];
	v1 =	vadd.s32 v1, v5  }
0x144: {  	v5 =	vld [tilespmem:s12+$0x14800];
	v1 =	vadd.s32 v2, v1  }
0x145: {  	v2 =	vld [tilespmem:s12+$0x14C00];
	v1 =	vadd.s32 v3, v1  }
0x146: {  	v3 =	vld [tilespmem:s12+$0x15000];
	v1 =	vadd.s32 v4, v1  }
0x147: {  	v4 =	vld [tilespmem:s12+$0x15400];
	[tilespmem:s11+$0x1C000] =	vst v1  }
0x148: {  	v0 =	vadd.s32 v0, v6;
	v1 =	vld [tilespmem:s12+$0x15800]  }
0x149: {  	v0 =	vadd.s32 v5, v0;
	v5 =	vld [tilespmem:s12+$0x15C00]  }
0x14a: {  	v0 =	vadd.s32 v2, v0;
	v2 =	vld [tilespmem:s12+$0x16000]  }
0x14b: {  	v0 =	vadd.s32 v3, v0;
	v3 =	vld [tilespmem:s12+$0x16400]  }
0x14c: {  	v0 =	vadd.s32 v4, v0;
	v4 =	vld [tilespmem:s12+$0x16800]  }
0x14d: {  	v0 =	vadd.s32 v1, v0;
	v1 =	vld [tilespmem:s12+$0x16C00]  }
0x14e: {  	v0 =	vadd.s32 v5, v0;
	v5 =	vld [tilespmem:s12+$0x17000]  }
0x14f: {  	v0 =	vadd.s32 v2, v0;
	v2 =	vld [tilespmem:s12+$0x17400]  }
0x150: {  	v0 =	vadd.s32 v3, v0;
	v3 =	vld [tilespmem:s12+$0x17800]  }
0x151: {  	v0 =	vadd.s32 v4, v0;
	v4 =	vld [tilespmem:s12+$0x17C00]  }
0x152: {  	v0 =	vadd.s32 v1, v0  }
0x153: {  	v0 =	vadd.s32 v5, v0  }
0x154: {  	v0 =	vadd.s32 v2, v0  }
0x155: {  	v0 =	vadd.s32 v3, v0  }
0x156: {  	v0 =	vadd.s32 v4, v0  }
0x157: {  	s29 =	simm.s32 $0x1C000;
	s30 =	simm.s32 $0x1;
	[tilespmem:s12+$0x1C000] =	vst v0  }
0x158: {  	[spmem:s8] =	stream.linear.scatter [tilespmem:s29], [sflag:$0x1], $0x400, $0x38;
	[tilespmem:$0x1CB60] =	vst v63  }
0x159: {  	_ =	swait.ge [sflag:s30], $0x400  }
0x15a: {  	[sflag:s30] =	ssyncset.done $0x0  }
0x15b: {  	[sflag:s30] =	ssyncadd.s32 $0xFFFFFC00  }
0x15c: {  	s31 =	simm.s32 $0x18000;
	[bflag:$0x0] =	sbarrier.arrive $0xFFFF  }
0x15d: {  	[tilespmem:s31], [sflag:$0x1] =	stream.linear.gather [spmem:s7], $0x4000, $0x38;
	[tilespmem:$0x1CB60] =	vst v63  }
0x15e: {  	_ =	swait.ge [sflag:s30], $0x4000  }
0x15f: {  	[sflag:s30] =	ssyncset.done $0x0  }
0x160: {  	[sflag:s30] =	ssyncadd.s32 $0xFFFFC000  }
0x161: {  	s11 =	simm.s32 $0x0;
	[bflag:$0x0] =	sbarrier.arrive $0xFFFF  }
0x162: {  	v0 =	vld [tilespmem:s11+$0x18000]  }
0x163: {  	v1 =	vld [tilespmem:s11+$0x18400]  }
0x164: {  	v2 =	vld [tilespmem:s11+$0x18800]  }
0x165: {  	v3 =	vld [tilespmem:s11+$0x18C00]  }
0x166: {  	v4 =	vld [tilespmem:s11+$0x19000]  }
0x167: {  	v5 =	vld [tilespmem:s11+$0x19400]  }
0x168: {  	v0 =	vadd.s32 v0, v1;
	v1 =	vld [tilespmem:s11+$0x19800]  }
0x169: {  	v0 =	vadd.s32 v2, v0;
	v2 =	vld [tilespmem:s11+$0x19C00]  }
0x16a: {  	v0 =	vadd.s32 v3, v0;
	v3 =	vld [tilespmem:s11+$0x1A000]  }
0x16b: {  	v0 =	vadd.s32 v4, v0;
	v4 =	vld [tilespmem:s11+$0x1A400]  }
0x16c: {  	v0 =	vadd.s32 v5, v0;
	v5 =	vld [tilespmem:s11+$0x1A800]  }
0x16d: {  	v6 =	vld [tilespmem:s11+$0x1AC00];
	v0 =	vadd.s32 v1, v0  }
0x16e: {  	v1 =	vld [tilespmem:s11+$0x1B000];
	v0 =	vadd.s32 v2, v0  }
0x16f: {  	v2 =	vld [tilespmem:s11+$0x1B400];
	v0 =	vadd.s32 v3, v0  }
0x170: {  	v3 =	vld [tilespmem:s11+$0x1B800];
	v0 =	vadd.s32 v4, v0  }
0x171: {  	s12 =	simm.s32 $0x10;
	v4 =	vld [tilespmem:s11+$0x1BC00];
	v5 =	vadd.s32 v5, v0  }
0x172: {  	s13 =	simm.s32 $0x80;
	v0 =	vld [tilespmem:s12+$0x18000];
	v5 =	vadd.s32 v6, v5  }
.LBB2_23:
0x173: {  	p0 =	seq.s32 s13, $0xFC0;
	v6 =	vld [tilespmem:s12+$0x18400];
	v1 =	vadd.s32 v1, v5  }
0x174: {  	v5 =	vld [tilespmem:s12+$0x18800];
	v1 =	vadd.s32 v2, v1  }
0x175: {  	v2 =	vld [tilespmem:s12+$0x18C00];
	v1 =	vadd.s32 v3, v1  }
0x176: {  	v3 =	vld [tilespmem:s12+$0x19000];
	v1 =	vadd.s32 v4, v1  }
0x177: {  	v4 =	vld [tilespmem:s12+$0x19400];
	[tilespmem:s11+$0x1C000] =	vst v1;
	s11 =	smov.u32 s12  }
0x178: {  	v0 =	vadd.s32 v0, v6;
	v1 =	vld [tilespmem:s11+$0x19800]  }
0x179: {  	v0 =	vadd.s32 v5, v0;
	v5 =	vld [tilespmem:s11+$0x19C00]  }
0x17a: {  	v0 =	vadd.s32 v2, v0;
	v2 =	vld [tilespmem:s11+$0x1A000]  }
0x17b: {  	v0 =	vadd.s32 v3, v0;
	v3 =	vld [tilespmem:s11+$0x1A400]  }
0x17c: {  	v0 =	vadd.s32 v4, v0;
	v4 =	vld [tilespmem:s11+$0x1A800]  }
0x17d: {  	v0 =	vadd.s32 v1, v0;
	v6 =	vld [tilespmem:s11+$0x1AC00]  }
.Ltmp12:
0x17e: {  	v0 =	vadd.s32 v5, v0;
	v1 =	vld [tilespmem:s11+$0x1B000];
	(pc) =	sbr.rel @!p0 .LBB2_23-.Ltmp12, $4  }
0x17f: {  	v0 =	vadd.s32 v2, v0;
	v2 =	vld [tilespmem:s11+$0x1B400]  }
0x180: {  	v0 =	vadd.s32 v3, v0;
	v3 =	vld [tilespmem:s11+$0x1B800]  }
0x181: {  	s12 =	sshra.s32 s13, $0x2;
	v5 =	vadd.s32 v4, v0;
	v4 =	vld [tilespmem:s11+$0x1BC00]  }
0x182: {  	s13 =	sadd.s32 $0x40, s13;
	v0 =	vld [tilespmem:s12+$0x18000];
	v5 =	vadd.s32 v6, v5  }
0x183: {  	v6 =	vld [tilespmem:s12+$0x18400];
	v1 =	vadd.s32 v1, v5  }
0x184: {  	v58 =	vld [tilespmem:s12+$0x18800];
	v1 =	vadd.s32 v2, v1  }
0x185: {  	v2 =	vld [tilespmem:s12+$0x18C00];
	v1 =	vadd.s32 v3, v1  }
0x186: {  	v3 =	vld [tilespmem:s12+$0x19000];
	v1 =	vadd.s32 v4, v1  }
0x187: {  	v59 =	vld [tilespmem:s12+$0x19400];
	[tilespmem:s11+$0x1C000] =	vst v1  }
0x188: {  	v0 =	vadd.s32 v0, v6;
	v1 =	vld [tilespmem:s12+$0x19800]  }
0x189: {  	v60 =	vld [tilespmem:s12+$0x19C00];
	v0 =	vadd.s32 v58, v0  }
0x18a: {  	v0 =	vadd.s32 v2, v0;
	v2 =	vld [tilespmem:s12+$0x1A000]  }
0x18b: {  	v0 =	vadd.s32 v3, v0;
	v3 =	vld [tilespmem:s12+$0x1A400]  }
0x18c: {  	v61 =	vld [tilespmem:s12+$0x1A800];
	v0 =	vadd.s32 v59, v0  }
0x18d: {  	v0 =	vadd.s32 v1, v0;
	v1 =	vld [tilespmem:s12+$0x1AC00]  }
0x18e: {  	v62 =	vld [tilespmem:s12+$0x1B000];
	v0 =	vadd.s32 v60, v0  }
0x18f: {  	v0 =	vadd.s32 v2, v0;
	v2 =	vld [tilespmem:s12+$0x1B400]  }
0x190: {  	v0 =	vadd.s32 v3, v0;
	v3 =	vld [tilespmem:s12+$0x1B800]  }
0x191: {  	v63 =	vld [tilespmem:s12+$0x1BC00];
	v0 =	vadd.s32 v61, v0  }
0x192: {  	p1 =	por $0x0, $0x0;
	v0 =	vadd.s32 v1, v0  }
.Ltmp13:
0x193: {  	v0 =	vadd.s32 v62, v0;
	(pc) =	sbr.rel @p1 .LBB2_28-.Ltmp13, $4  }
0x194: {  	v0 =	vadd.s32 v2, v0  }
0x195: {  	s10 =	ssub.s32 $0x186A0, s10;
	v0 =	vadd.s32 v3, v0  }
0x196: {  	s13 =	simm.s32 $0x0;
	p0 =	por $0x0, $0x0;
	s15 =	simm.s32 $0x0;
	v0 =	vadd.s32 v63, v0  }
0x197: {  	s14 =	simm.s32 $0x0;
	s11 =	simm.s32 $0x0;
	[tilespmem:s12+$0x1C000] =	vst v0;
	v0 =	vmov s10;
	s12 =	simm.s32 $0x40  }
0x198: {  	s11 =	simm.s32 $0x0  }
0x199: {  	v1 =	vld [tilespmem:s11+$0x1C000];
	_ =	sdelay $0x4  }
0x19a: {  	(xrf0) =	vadd.scan.msk.s32 $0xffff, v1;
	_ =	sdelay $0x5  }
0x19b: {  	v1, _, _ =	vpop (xrf0)  }
0x19c: {  	v1 =	vadd.s32 s13, v1  }
0x19d: {  	v2 =	vxor.u32 $0x80000000, v1  }
0x19e: {  	(xrf0) =	vmax.scan.msk.u32 $0xffff, v2  }
0x19f: {  	vm0 =	vle.s32 v1, v0  }
0x1a0: {  	v1 =	vnsel vm0, $0x80000000, v2  }
0x1a1: {  	(xrf0) =	vmax.scan.msk.u32 $0xffff, v1;
	v1 =	vmpcnt.ones.xlane vm0  }
0x1a2: {  	p1 =	por $0x0, $0x0  }
.Ltmp14:
0x1a3: {  	v1 =	vxor.u32 $0x80000000, v1;
	(pc) =	sbr.rel @p1 .LBB2_26-.Ltmp14, $3  }
0x1a4: {  	v2, _, _ =	vpop (xrf0);
	(xrf0) =	vmax.scan.msk.u32 $0xffff, v1;
	_ =	sdelay $0x1  }
0x1a5: {  	s16 =	simm.s32 $0x80;
	p0 =	por $0x1, $0x1  }
0x1a6: {  	s15 =	simm.s32 $0x40;
	s14 =	simm.s32 $0x0;
	s11 =	simm.s32 $0x0;
	(v2sf) =	vpush v2, $0xF;
	v1, _, _ =	vpop (xrf0)  }
.LBB2_27:
0x1a7: {  	s17 =	smov.u32 s14  }
0x1a8: {  	p1 =	seq.s32 s16, $0xFC0;
	(v2sf) =	vpush v1, $0xF  }
0x1a9: {  	v1, _, _ =	vpop (xrf0)  }
0x1aa: {  	(v2sf) =	vpush v1, $0xF  }
0x1ab: {  	s14 =	sshra.s32 s15, $0x2;
	s15 =	smov.u32 s16  }
0x1ac: {  	v1 =	vld [tilespmem:s14+$0x1C000];
	_ =	sdelay $0x4  }
0x1ad: {  	(xrf0) =	vadd.scan.msk.s32 $0xffff, v1;
	_ =	sdelay $0x4  }
0x1ae: {  	s14 =	spop (v2sf)  }
0x1af: {  	v1, _, _ =	vpop (xrf0);
	s14 =	sxor.u32 $0x80000000, s14;
	s18 =	spop (v2sf)  }
0x1b0: {  	v1 =	vadd.s32 s14, v1;
	s14 =	sxor.u32 $0x80000000, s18  }
0x1b1: {  	v2 =	vxor.u32 $0x80000000, v1;
	vm0 =	vle.s32 v1, v0;
	p2 =	sgt.s32 s17, s14;
	s18 =	spop (v2sf)  }
0x1b2: {  	v1 =	vmpcnt.ones.xlane vm0;
	v3 =	vnsel vm0, $0x80000000, v2;
	(xrf0) =	vmax.scan.msk.u32 $0xffff, v2;
	s11 =	sadd.s32 s18, s11;
	s14 =	smov.u32 @p2 s17  }
0x1b3: {  	(xrf0) =	vmax.scan.msk.u32 $0xffff, v3;
	s11 =	sadd.s32 $0x80000000, s11  }
0x1b4: {  	v1 =	vxor.u32 $0x80000000, v1  }
.Ltmp15:
0x1b5: {  	(xrf0) =	vmax.scan.msk.u32 $0xffff, v1;
	(pc) =	sbr.rel @!p1 .LBB2_27-.Ltmp15, $3  }
0x1b6: {  	_ =	sdelay $0x1  }
0x1b7: {  	v1, _, _ =	vpop (xrf0)  }
0x1b8: {  	s16 =	sadd.s32 $0x40, s16;
	(v2sf) =	vpush v1, $0xF;
	v1, _, _ =	vpop (xrf0)  }
.LBB2_28:
0x1b9: {  	_ =	sdelay $0x3  }
0x1ba: {  	s15 =	sshra.s32 s15, $0x2  }
0x1bb: {  	v2 =	vld [tilespmem:s15+$0x1C000];
	_ =	sdelay $0x4  }
0x1bc: {  	(xrf0) =	vadd.scan.msk.s32 $0xffff, v2;
	_ =	sdelay $0x3  }
0x1bd: {  	s15 =	spop @p0 (v2sf)  }
0x1be: {  	s16 =	simm.s32 $0x0;
	v2, _, _ =	vpop @p0 (xrf0);
	s15 =	sxor.u32 @p0 $0x80000000, s15  }
0x1bf: {  	v3, _, _ =	vpop (xrf0);
	s16 =	smov.u32 @p0 s15  }
0x1c0: {  	v3 =	vadd.s32 s16, v3  }
0x1c1: {  	vm0 =	vle.s32 v3, v0  }
0x1c2: {  	v0 =	vxor.u32 $0x80000000, v3;
	v3 =	vmpcnt.ones.xlane vm0  }
0x1c3: {  	(xrf0) =	vmax.scan.msk.u32 $0xffff, v0;
	v0 =	vnsel vm0, $0x80000000, v0  }
0x1c4: {  	(xrf0) =	vmax.scan.msk.u32 $0xffff, v0;
	v0 =	vxor.u32 $0x80000000, v3  }
0x1c5: {  	(xrf0) =	vmax.scan.msk.u32 $0xffff, v0  }
0x1c6: {  	(v2sf) =	vpush @p0 v1, $0xF;
	_ =	sdelay $0x1  }
0x1c7: {  	(v2sf) =	vpush @p0 v2, $0xF  }
0x1c8: {  	v0, _, _ =	vpop (xrf0)  }
0x1c9: {  	(v2sf) =	vpush v0, $0xF;
	v0, _, _ =	vpop (xrf0)  }
0x1ca: {  	(v2sf) =	vpush v0, $0xF;
	v0, _, _ =	vpop (xrf0)  }
0x1cb: {  	(v2sf) =	vpush v0, $0xF;
	_ =	sdelay $0x8  }
0x1cc: {  	s15 =	spop @p0 (v2sf)  }
0x1cd: {  	s15 =	sxor.u32 @p0 $0x80000000, s15  }
0x1ce: {  	s16 =	spop @p0 (v2sf);
	p1 =	sgt.s32 @p0 s14, s15  }
0x1cf: {  	s11 =	sadd.s32 @p0 s16, s11;
	p1 =	por !p1, !p0  }
0x1d0: {  	s11 =	sadd.s32 @p0 $0x80000000, s11;
	s14 =	smov.u32 @p1 s15;
	s29 =	spop (v2sf)  }
0x1d1: {  	s15 =	simm.s32 $0x0;
	s13 =	smov.u32 @p0 s11;
	s30 =	spop (v2sf)  }
0x1d2: {  	s15 =	smov.u32 @p0 s14;
	s11 =	sxor.u32 $0x80000000, s30;
	s31 =	spop (v2sf)  }
0x1d3: {  	p0 =	sgt.s32 s15, s11;
	s13 =	sadd.s32 s31, s13  }
0x1d4: {  	v0 =	vimm.s32 $0x0;
	s14 =	simm.s32 $0x0;
	s11 =	smov.u32 @p0 s15;
	s13 =	sadd.s32 $0x80000000, s13  }
.LBB2_29:
0x1d5: {  	p0 =	seq.s32 s12, $0xFFC0;
	[tilespmem:s14+$0x14000] =	vst v0;
	s14 =	smov.u32 s12;
	s12 =	sadd.s32 $0x40, s12  }
.Ltmp16:
0x1d6: {  	(pc) =	sbr.rel @!p0 .LBB2_29-.Ltmp16, $2  }
0x1d7: {  	_ =	sdelay $0x2  }
0x1d8: {  	s14 =	sshra.s32 s14, $0x2  }
0x1d9: {  	s9 =	sshll.u32 s9, $0xA  }
0x1da: {  	[tilespmem:s14+$0x14000] =	vst v0;
	v0 =	vlaneseq.u32;
	s9 =	sor.u32 s9, s13  }
0x1db: {  	v1 =	vimm.s32 $0x1;
	s12 =	simm.s32 $0x14000;
	s14 =	simm.s32 $0x0;
	v0 =	vmul.u32 $0x400, v0;
	s13 =	simm.s32 $0x40;
	v2 =	vmov s9  }
.LBB2_31:
0x1dc: {  	p0 =	sne.s32 s13, $0x3FFC0;
	v3 =	vld [tilespmem:s14+$0x0];
	_ =	sdelay $0x4  }
0x1dd: {  	v4 =	vshra.s32 v3, $0xA  }
0x1de: {  	v3 =	vand.u32 $0x3FF, v3;
	vm0 =	veq.s32 v4, v2  }
0x1df: {  	v3 =	vor.u32 v0, v3  }
.Ltmp17:
0x1e0: {  	(pc) =	sbr.rel @p0 .LBB2_31-.Ltmp17, $2  }
0x1e1: {  	_ =	sdelay $0x2  }
0x1e2: {  	s14 =	sshra.s32 s13, $0x2;
	s13 =	sadd.s32 $0x40, s13;
	[tilespmem:v3+s12+$0x0] =	vst.idx.add.s32.msk vm0, v1  }
0x1e3: {  	v3 =	vld [tilespmem:s14+$0x0];
	_ =	sdelay $0x4  }
0x1e4: {  	v4 =	vshra.s32 v3, $0xA  }
0x1e5: {  	vm0 =	veq.s32 v4, v2;
	v2 =	vand.u32 $0x3FF, v3  }
0x1e6: {  	v0 =	vor.u32 v0, v2;
	_ =	sdelay $0x4  }
0x1e7: {  	[tilespmem:v0+s12+$0x0] =	vst.idx.add.s32.msk vm0, v1;
	s12 =	simm.s32 $0x0  }
0x1e8: {  	v0 =	vld [tilespmem:s12+$0x14000]  }
0x1e9: {  	v1 =	vld [tilespmem:s12+$0x14400]  }
0x1ea: {  	v2 =	vld [tilespmem:s12+$0x14800]  }
0x1eb: {  	v3 =	vld [tilespmem:s12+$0x14C00]  }
0x1ec: {  	v4 =	vld [tilespmem:s12+$0x15000]  }
0x1ed: {  	v5 =	vld [tilespmem:s12+$0x15400]  }
0x1ee: {  	v0 =	vadd.s32 v0, v1;
	v1 =	vld [tilespmem:s12+$0x15800]  }
0x1ef: {  	v0 =	vadd.s32 v2, v0;
	v2 =	vld [tilespmem:s12+$0x15C00]  }
0x1f0: {  	v0 =	vadd.s32 v3, v0;
	v3 =	vld [tilespmem:s12+$0x16000]  }
0x1f1: {  	v0 =	vadd.s32 v4, v0;
	v4 =	vld [tilespmem:s12+$0x16400]  }
0x1f2: {  	v0 =	vadd.s32 v5, v0;
	v5 =	vld [tilespmem:s12+$0x16800]  }
0x1f3: {  	v6 =	vld [tilespmem:s12+$0x16C00];
	v0 =	vadd.s32 v1, v0  }
0x1f4: {  	v1 =	vld [tilespmem:s12+$0x17000];
	v0 =	vadd.s32 v2, v0  }
0x1f5: {  	v2 =	vld [tilespmem:s12+$0x17400];
	v0 =	vadd.s32 v3, v0  }
0x1f6: {  	v3 =	vld [tilespmem:s12+$0x17800];
	v0 =	vadd.s32 v4, v0  }
0x1f7: {  	s13 =	simm.s32 $0x10;
	v4 =	vld [tilespmem:s12+$0x17C00];
	v5 =	vadd.s32 v5, v0  }
0x1f8: {  	s14 =	simm.s32 $0x80;
	v0 =	vld [tilespmem:s13+$0x14000];
	v5 =	vadd.s32 v6, v5  }
.LBB2_33:
0x1f9: {  	p0 =	sne.s32 s14, $0xFC0;
	v6 =	vld [tilespmem:s13+$0x14400];
	v1 =	vadd.s32 v1, v5  }
0x1fa: {  	v5 =	vld [tilespmem:s13+$0x14800];
	v1 =	vadd.s32 v2, v1  }
0x1fb: {  	v2 =	vld [tilespmem:s13+$0x14C00];
	v1 =	vadd.s32 v3, v1  }
0x1fc: {  	v3 =	vld [tilespmem:s13+$0x15000];
	v1 =	vadd.s32 v4, v1  }
0x1fd: {  	v4 =	vld [tilespmem:s13+$0x15400];
	[tilespmem:s12+$0x1C000] =	vst v1;
	s12 =	smov.u32 s13  }
0x1fe: {  	v0 =	vadd.s32 v0, v6;
	v1 =	vld [tilespmem:s12+$0x15800]  }
0x1ff: {  	v0 =	vadd.s32 v5, v0;
	v5 =	vld [tilespmem:s12+$0x15C00]  }
0x200: {  	v0 =	vadd.s32 v2, v0;
	v2 =	vld [tilespmem:s12+$0x16000]  }
0x201: {  	v0 =	vadd.s32 v3, v0;
	v3 =	vld [tilespmem:s12+$0x16400]  }
0x202: {  	v0 =	vadd.s32 v4, v0;
	v4 =	vld [tilespmem:s12+$0x16800]  }
0x203: {  	v0 =	vadd.s32 v1, v0;
	v6 =	vld [tilespmem:s12+$0x16C00]  }
.Ltmp18:
0x204: {  	v0 =	vadd.s32 v5, v0;
	v1 =	vld [tilespmem:s12+$0x17000];
	(pc) =	sbr.rel @p0 .LBB2_33-.Ltmp18, $4  }
0x205: {  	v0 =	vadd.s32 v2, v0;
	v2 =	vld [tilespmem:s12+$0x17400]  }
0x206: {  	v0 =	vadd.s32 v3, v0;
	v3 =	vld [tilespmem:s12+$0x17800]  }
0x207: {  	s13 =	sshra.s32 s14, $0x2;
	v5 =	vadd.s32 v4, v0;
	v4 =	vld [tilespmem:s12+$0x17C00]  }
0x208: {  	s14 =	sadd.s32 $0x40, s14;
	v0 =	vld [tilespmem:s13+$0x14000];
	v5 =	vadd.s32 v6, v5  }
0x209: {  	v6 =	vld [tilespmem:s13+$0x14400];
	v1 =	vadd.s32 v1, v5  }
0x20a: {  	v5 =	vld [tilespmem:s13+$0x14800];
	v1 =	vadd.s32 v2, v1  }
0x20b: {  	v2 =	vld [tilespmem:s13+$0x14C00];
	v1 =	vadd.s32 v3, v1  }
0x20c: {  	v3 =	vld [tilespmem:s13+$0x15000];
	v1 =	vadd.s32 v4, v1  }
0x20d: {  	v4 =	vld [tilespmem:s13+$0x15400];
	[tilespmem:s12+$0x1C000] =	vst v1  }
0x20e: {  	v0 =	vadd.s32 v0, v6;
	v1 =	vld [tilespmem:s13+$0x15800]  }
0x20f: {  	v0 =	vadd.s32 v5, v0;
	v5 =	vld [tilespmem:s13+$0x15C00]  }
0x210: {  	v0 =	vadd.s32 v2, v0;
	v2 =	vld [tilespmem:s13+$0x16000]  }
0x211: {  	v0 =	vadd.s32 v3, v0;
	v3 =	vld [tilespmem:s13+$0x16400]  }
0x212: {  	v0 =	vadd.s32 v4, v0;
	v4 =	vld [tilespmem:s13+$0x16800]  }
0x213: {  	v0 =	vadd.s32 v1, v0;
	v1 =	vld [tilespmem:s13+$0x16C00]  }
0x214: {  	v0 =	vadd.s32 v5, v0;
	v5 =	vld [tilespmem:s13+$0x17000]  }
0x215: {  	v0 =	vadd.s32 v2, v0;
	v2 =	vld [tilespmem:s13+$0x17400]  }
0x216: {  	v0 =	vadd.s32 v3, v0;
	v3 =	vld [tilespmem:s13+$0x17800]  }
0x217: {  	v0 =	vadd.s32 v4, v0;
	v4 =	vld [tilespmem:s13+$0x17C00]  }
0x218: {  	v0 =	vadd.s32 v1, v0  }
0x219: {  	v0 =	vadd.s32 v5, v0  }
0x21a: {  	v0 =	vadd.s32 v2, v0  }
0x21b: {  	v0 =	vadd.s32 v3, v0  }
0x21c: {  	v0 =	vadd.s32 v4, v0  }
0x21d: {  	s29 =	simm.s32 $0x1C000;
	s30 =	simm.s32 $0x1;
	[tilespmem:s13+$0x1C000] =	vst v0  }
0x21e: {  	[spmem:s8] =	stream.linear.scatter [tilespmem:s29], [sflag:$0x1], $0x400, $0x38;
	[tilespmem:$0x1CB60] =	vst v63  }
0x21f: {  	_ =	swait.ge [sflag:s30], $0x400  }
0x220: {  	[sflag:s30] =	ssyncset.done $0x0  }
0x221: {  	[sflag:s30] =	ssyncadd.s32 $0xFFFFFC00  }
0x222: {  	s31 =	simm.s32 $0x18000;
	[bflag:$0x0] =	sbarrier.arrive $0xFFFF  }
0x223: {  	[tilespmem:s31], [sflag:$0x1] =	stream.linear.gather [spmem:s7], $0x4000, $0x38;
	[tilespmem:$0x1CB60] =	vst v63  }
0x224: {  	_ =	swait.ge [sflag:s30], $0x4000  }
0x225: {  	[sflag:s30] =	ssyncset.done $0x0  }
0x226: {  	[sflag:s30] =	ssyncadd.s32 $0xFFFFC000  }
0x227: {  	s7 =	simm.s32 $0x0;
	[bflag:$0x0] =	sbarrier.arrive $0xFFFF  }
0x228: {  	v0 =	vld [tilespmem:s7+$0x18000]  }
0x229: {  	v1 =	vld [tilespmem:s7+$0x18400]  }
0x22a: {  	v2 =	vld [tilespmem:s7+$0x18800]  }
0x22b: {  	v3 =	vld [tilespmem:s7+$0x18C00]  }
0x22c: {  	v4 =	vld [tilespmem:s7+$0x19000]  }
0x22d: {  	v5 =	vld [tilespmem:s7+$0x19400]  }
0x22e: {  	v0 =	vadd.s32 v0, v1;
	v1 =	vld [tilespmem:s7+$0x19800]  }
0x22f: {  	v0 =	vadd.s32 v2, v0;
	v2 =	vld [tilespmem:s7+$0x19C00]  }
0x230: {  	v0 =	vadd.s32 v3, v0;
	v3 =	vld [tilespmem:s7+$0x1A000]  }
0x231: {  	v0 =	vadd.s32 v4, v0;
	v4 =	vld [tilespmem:s7+$0x1A400]  }
0x232: {  	v0 =	vadd.s32 v5, v0;
	v5 =	vld [tilespmem:s7+$0x1A800]  }
0x233: {  	v6 =	vld [tilespmem:s7+$0x1AC00];
	v0 =	vadd.s32 v1, v0  }
0x234: {  	v1 =	vld [tilespmem:s7+$0x1B000];
	v0 =	vadd.s32 v2, v0  }
0x235: {  	v2 =	vld [tilespmem:s7+$0x1B400];
	v0 =	vadd.s32 v3, v0  }
0x236: {  	v3 =	vld [tilespmem:s7+$0x1B800];
	v0 =	vadd.s32 v4, v0  }
0x237: {  	s8 =	simm.s32 $0x10;
	v4 =	vld [tilespmem:s7+$0x1BC00];
	v5 =	vadd.s32 v5, v0  }
0x238: {  	s12 =	simm.s32 $0x80;
	v0 =	vld [tilespmem:s8+$0x18000];
	v5 =	vadd.s32 v6, v5  }
.LBB2_35:
0x239: {  	p0 =	seq.s32 s12, $0xFC0;
	v6 =	vld [tilespmem:s8+$0x18400];
	v1 =	vadd.s32 v1, v5  }
0x23a: {  	v5 =	vld [tilespmem:s8+$0x18800];
	v1 =	vadd.s32 v2, v1  }
0x23b: {  	v2 =	vld [tilespmem:s8+$0x18C00];
	v1 =	vadd.s32 v3, v1  }
0x23c: {  	v3 =	vld [tilespmem:s8+$0x19000];
	v1 =	vadd.s32 v4, v1  }
0x23d: {  	v4 =	vld [tilespmem:s8+$0x19400];
	[tilespmem:s7+$0x1C000] =	vst v1;
	s7 =	smov.u32 s8  }
0x23e: {  	v0 =	vadd.s32 v0, v6;
	v1 =	vld [tilespmem:s7+$0x19800]  }
0x23f: {  	v0 =	vadd.s32 v5, v0;
	v5 =	vld [tilespmem:s7+$0x19C00]  }
0x240: {  	v0 =	vadd.s32 v2, v0;
	v2 =	vld [tilespmem:s7+$0x1A000]  }
0x241: {  	v0 =	vadd.s32 v3, v0;
	v3 =	vld [tilespmem:s7+$0x1A400]  }
0x242: {  	v0 =	vadd.s32 v4, v0;
	v4 =	vld [tilespmem:s7+$0x1A800]  }
0x243: {  	v0 =	vadd.s32 v1, v0;
	v6 =	vld [tilespmem:s7+$0x1AC00]  }
.Ltmp19:
0x244: {  	v0 =	vadd.s32 v5, v0;
	v1 =	vld [tilespmem:s7+$0x1B000];
	(pc) =	sbr.rel @!p0 .LBB2_35-.Ltmp19, $4  }
0x245: {  	v0 =	vadd.s32 v2, v0;
	v2 =	vld [tilespmem:s7+$0x1B400]  }
0x246: {  	v0 =	vadd.s32 v3, v0;
	v3 =	vld [tilespmem:s7+$0x1B800]  }
0x247: {  	s8 =	sshra.s32 s12, $0x2;
	v5 =	vadd.s32 v4, v0;
	v4 =	vld [tilespmem:s7+$0x1BC00]  }
0x248: {  	s12 =	sadd.s32 $0x40, s12;
	v0 =	vld [tilespmem:s8+$0x18000];
	v5 =	vadd.s32 v6, v5  }
0x249: {  	v6 =	vld [tilespmem:s8+$0x18400];
	v1 =	vadd.s32 v1, v5  }
0x24a: {  	v58 =	vld [tilespmem:s8+$0x18800];
	v1 =	vadd.s32 v2, v1  }
0x24b: {  	v2 =	vld [tilespmem:s8+$0x18C00];
	v1 =	vadd.s32 v3, v1  }
0x24c: {  	v3 =	vld [tilespmem:s8+$0x19000];
	v1 =	vadd.s32 v4, v1  }
0x24d: {  	v59 =	vld [tilespmem:s8+$0x19400];
	[tilespmem:s7+$0x1C000] =	vst v1  }
0x24e: {  	v0 =	vadd.s32 v0, v6;
	v1 =	vld [tilespmem:s8+$0x19800]  }
0x24f: {  	v60 =	vld [tilespmem:s8+$0x19C00];
	v0 =	vadd.s32 v58, v0  }
0x250: {  	v0 =	vadd.s32 v2, v0;
	v2 =	vld [tilespmem:s8+$0x1A000]  }
0x251: {  	v0 =	vadd.s32 v3, v0;
	v3 =	vld [tilespmem:s8+$0x1A400]  }
0x252: {  	v61 =	vld [tilespmem:s8+$0x1A800];
	v0 =	vadd.s32 v59, v0  }
0x253: {  	v0 =	vadd.s32 v1, v0;
	v1 =	vld [tilespmem:s8+$0x1AC00]  }
0x254: {  	v62 =	vld [tilespmem:s8+$0x1B000];
	v0 =	vadd.s32 v60, v0  }
0x255: {  	v0 =	vadd.s32 v2, v0;
	v2 =	vld [tilespmem:s8+$0x1B400]  }
0x256: {  	v0 =	vadd.s32 v3, v0;
	v3 =	vld [tilespmem:s8+$0x1B800]  }
0x257: {  	v63 =	vld [tilespmem:s8+$0x1BC00];
	v0 =	vadd.s32 v61, v0  }
0x258: {  	v0 =	vadd.s32 v1, v0  }
0x259: {  	v0 =	vadd.s32 v62, v0  }
0x25a: {  	v0 =	vadd.s32 v2, v0  }
0x25b: {  	v0 =	vadd.s32 v3, v0  }
0x25c: {  	v0 =	vadd.s32 v63, v0  }
0x25d: {  	s31 =	simm.s32 $0x0;
	[tilespmem:s8+$0x1C000] =	vst v0  }
0x25e: {  	v1 =	vld [tilespmem:s31+$0x1C000];
	_ =	sdelay $0x4  }
0x25f: {  	(xrf0) =	vadd.scan.msk.s32 $0xffff, v1;
	_ =	sdelay $0x5  }
0x260: {  	s7 =	simm.s32 $0x0;
	v1, _, _ =	vpop (xrf0)  }
0x261: {  	v1 =	vadd.s32 s7, v1  }
0x262: {  	v2 =	vxor.u32 $0x80000000, v1  }
0x263: {  	s30 =	ssub.s32 s10, s11;
	(xrf0) =	vmax.scan.msk.u32 $0xffff, v2  }
0x264: {  	v0 =	vmov s30  }
0x265: {  	vm0 =	vle.s32 v1, v0  }
0x266: {  	v1 =	vmpcnt.ones.xlane vm0;
	_ =	sdelay $0x1  }
0x267: {  	v1 =	vxor.u32 $0x80000000, v1  }
0x268: {  	v2, _, _ =	vpop (xrf0);
	(xrf0) =	vmax.scan.msk.u32 $0xffff, v1;
	_ =	sdelay $0x3  }
0x269: {  	s10 =	simm.s32 $0x80;
	s8 =	simm.s32 $0x40;
	(v2sf) =	vpush v2, $0xF  }
.LBB2_37:
0x26a: {  	p0 =	sne.s32 s10, $0xFC0  }
0x26b: {  	v1, _, _ =	vpop (xrf0)  }
0x26c: {  	(v2sf) =	vpush v1, $0xF  }
0x26d: {  	s11 =	sshra.s32 s8, $0x2;
	s8 =	smov.u32 s10  }
0x26e: {  	v1 =	vld [tilespmem:s11+$0x1C000];
	_ =	sdelay $0x4  }
0x26f: {  	(xrf0) =	vadd.scan.msk.s32 $0xffff, v1;
	_ =	sdelay $0x4  }
0x270: {  	s11 =	spop (v2sf)  }
0x271: {  	v1, _, _ =	vpop (xrf0);
	s11 =	sxor.u32 $0x80000000, s11  }
0x272: {  	v1 =	vadd.s32 s11, v1  }
0x273: {  	v2 =	vxor.u32 $0x80000000, v1;
	vm0 =	vle.s32 v1, v0;
	s11 =	spop (v2sf)  }
0x274: {  	v1 =	vmpcnt.ones.xlane vm0;
	(xrf0) =	vmax.scan.msk.u32 $0xffff, v2;
	s7 =	sadd.s32 s11, s7  }
0x275: {  	s7 =	sadd.s32 $0x80000000, s7  }
0x276: {  	v1 =	vxor.u32 $0x80000000, v1  }
.Ltmp20:
0x277: {  	(xrf0) =	vmax.scan.msk.u32 $0xffff, v1;
	(pc) =	sbr.rel @p0 .LBB2_37-.Ltmp20, $3  }
0x278: {  	_ =	sdelay $0x1  }
0x279: {  	v1, _, _ =	vpop (xrf0)  }
0x27a: {  	s10 =	sadd.s32 $0x40, s10;
	(v2sf) =	vpush v1, $0xF  }
0x27b: {  	_ =	sdelay $0x2  }
0x27c: {  	s8 =	sshra.s32 s8, $0x2  }
0x27d: {  	v1 =	vld [tilespmem:s8+$0x1C000];
	_ =	sdelay $0x4  }
0x27e: {  	(xrf0) =	vadd.scan.msk.s32 $0xffff, v1;
	_ =	sdelay $0x4  }
0x27f: {  	v61, _, _ =	vpop (xrf0);
	s28 =	spop (v2sf)  }
0x280: {  	v2, _, _ =	vpop (xrf0);
	s8 =	sxor.u32 $0x80000000, s28  }
0x281: {  	v2 =	vadd.s32 s8, v2  }
0x282: {  	vm0 =	vle.s32 v2, v0  }
0x283: {  	v0 =	vmpcnt.ones.xlane vm0  }
0x284: {  	v2 =	vxor.u32 $0x80000000, v2  }
0x285: {  	(xrf0) =	vmax.scan.msk.u32 $0xffff, v2;
	v0 =	vxor.u32 $0x80000000, v0  }
0x286: {  	(xrf0) =	vmax.scan.msk.u32 $0xffff, v0;
	_ =	sdelay $0x4  }
0x287: {  	(v2sf) =	vpush v61, $0xF;
	v62, _, _ =	vpop (xrf0)  }
0x288: {  	(v2sf) =	vpush v62, $0xF;
	v63, _, _ =	vpop (xrf0)  }
0x289: {  	(v2sf) =	vpush v63, $0xF;
	_ =	sdelay $0xc  }
0x28a: {  	s29 =	spop (v2sf)  }
0x28b: {  	s7 =	sadd.s32 s29, s7;
	s30 =	spop (v2sf)  }
0x28c: {  	s7 =	sadd.s32 $0x80000000, s7;
	s8 =	spop (v2sf)  }
0x28d: {  	s7 =	sadd.s32 s8, s7  }
0x28e: {  	s31 =	sshll.u32 s9, $0xA;
	s7 =	sadd.s32 $0x80000000, s7  }
0x28f: {  	s8 =	sor.u32 s31, s7  }
0x290: {  	p0 =	sgt.s32 s8, $0x3F333333  }
0x291: {  	s8 =	simm.s32 @!p0 $0x3F333333  }
.LBB2_39:
0x292: {  	s7 =	simm.s32 $0x0;
	s9 =	simm.s32 $0x10000  }
0x293: {  	[tilespmem:s9], [sflag:$0x1] =	stream.linear.gather [hbm4b:s6+s7], $0x4000, $0x38;
	[tilespmem:$0x1CB60] =	vst v63  }
0x294: {  	_ =	swait.ge [sflag:s4], $0x4000  }
0x295: {  	[sflag:s4] =	ssyncset.done $0x0  }
0x296: {  	s10 =	simm.s32 $0x0;
	[sflag:s4] =	ssyncadd.s32 $0xFFFFC000  }
0x297: {  	v3 =	vld [tilespmem:s10+$0x0]  }
0x298: {  	v5 =	vld [tilespmem:s10+$0x10000]  }
0x299: {  	v6 =	vld [tilespmem:s10+$0x10]  }
0x29a: {  	v4 =	vld [tilespmem:s10+$0x10010]  }
0x29b: {  	v0 =	vmov s8;
	v2 =	vld [tilespmem:s10+$0x20]  }
0x29c: {  	v1 =	vimm.f32 $0.0e+00;
	vm0 =	vlt.s32 v3, v0;
	v3 =	vld [tilespmem:s10+$0x10020]  }
0x29d: {  	s8 =	sadd.s32 $0x800, s6;
	s7 =	sadd.s32 $0x1000, s6;
	s6 =	sadd.s32 $0x1800, s6;
	v7 =	vnsel vm0, $0x0, v5;
	v9 =	vsel vm0, $0x3F800000, v1;
	v5 =	vld [tilespmem:s10+$0x30]  }
0x29e: {  	s9 =	simm.s32 $0x200;
	s4 =	sadd.s32 s5, s2;
	s5 =	simm.s32 $0x40;
	vm0 =	vlt.s32 v6, v0;
	v6 =	vld [tilespmem:s10+$0x10030];
	v8 =	vadd.f32 v7, v1;
	v7 =	vadd.f32 v9, v1  }
.LBB2_40:
0x29f: {  	p0 =	sne.s32 s9, $0xFF00;
	v9 =	vld [tilespmem:s5+$0x0];
	v4 =	vnsel vm0, $0x0, v4;
	v10 =	vsel vm0, $0x3F800000, v1  }
0x2a0: {  	v11 =	vld [tilespmem:s5+$0x10000];
	v8 =	vadd.f32 v4, v8;
	v7 =	vadd.f32 v10, v7;
	vm0 =	vlt.s32 v2, v0  }
0x2a1: {  	v10 =	vld [tilespmem:s5+$0x10];
	v2 =	vnsel vm0, $0x0, v3;
	v3 =	vsel vm0, $0x3F800000, v1  }
.Ltmp21:
0x2a2: {  	v4 =	vld [tilespmem:s5+$0x10010];
	v8 =	vadd.f32 v2, v8;
	v7 =	vadd.f32 v3, v7;
	vm0 =	vlt.s32 v5, v0;
	(pc) =	sbr.rel @p0 .LBB2_40-.Ltmp21, $4  }
0x2a3: {  	v2 =	vld [tilespmem:s5+$0x20];
	v5 =	vnsel vm0, $0x0, v6;
	v6 =	vsel vm0, $0x3F800000, v1  }
0x2a4: {  	vm0 =	vlt.s32 v9, v0;
	v3 =	vld [tilespmem:s5+$0x10020];
	v8 =	vadd.f32 v5, v8;
	v6 =	vadd.f32 v6, v7  }
0x2a5: {  	v7 =	vnsel vm0, $0x0, v11;
	v9 =	vsel vm0, $0x3F800000, v1;
	v5 =	vld [tilespmem:s5+$0x30]  }
0x2a6: {  	v8 =	vadd.f32 v7, v8;
	v7 =	vadd.f32 v9, v6;
	vm0 =	vlt.s32 v10, v0;
	v6 =	vld [tilespmem:s5+$0x10030];
	s5 =	sshra.s32 s9, $0x2;
	s9 =	sadd.s32 $0x100, s9  }
0x2a7: {  	v9 =	vld [tilespmem:s5+$0x0]  }
0x2a8: {  	v10 =	vld [tilespmem:s5+$0x10000]  }
0x2a9: {  	v11 =	vld [tilespmem:s5+$0x10];
	v4 =	vnsel vm0, $0x0, v4  }
0x2aa: {  	v12 =	vld [tilespmem:s5+$0x10010];
	v4 =	vadd.f32 v4, v8;
	v8 =	vsel vm0, $0x3F800000, v1;
	vm0 =	vlt.s32 v2, v0  }
0x2ab: {  	v13 =	vld [tilespmem:s5+$0x20];
	v7 =	vadd.f32 v8, v7;
	v3 =	vnsel vm0, $0x0, v3  }
0x2ac: {  	v2 =	vld [tilespmem:s5+$0x10020];
	v3 =	vadd.f32 v3, v4;
	v4 =	vsel vm0, $0x3F800000, v1;
	vm0 =	vlt.s32 v5, v0  }
0x2ad: {  	s29 =	simm.s32 $0x0;
	s9 =	simm.s32 $0x10000;
	s30 =	simm.s32 $0x1;
	v8 =	vld [tilespmem:s5+$0x30];
	v4 =	vadd.f32 v4, v7;
	v6 =	vnsel vm0, $0x0, v6  }
0x2ae: {  	v5 =	vld [tilespmem:s5+$0x10030];
	[tilespmem:s9], [sflag:$0x1] =	stream.linear.gather [hbm4b:s8+s29], $0x4000, $0x38;
	v7 =	vsel vm0, $0x3F800000, v1;
	vm0 =	vlt.s32 v9, v0;
	v3 =	vadd.f32 v6, v3  }
0x2af: {  	_ =	swait.ge [sflag:s30], $0x4000;
	v4 =	vadd.f32 v7, v4;
	v6 =	vnsel vm0, $0x0, v10  }
0x2b0: {  	[sflag:s30] =	ssyncset.done $0x0;
	v7 =	vsel vm0, $0x3F800000, v1;
	vm0 =	vlt.s32 v11, v0;
	v3 =	vadd.f32 v6, v3  }
0x2b1: {  	s31 =	simm.s32 $0x0;
	[sflag:s30] =	ssyncadd.s32 $0xFFFFC000;
	v6 =	vnsel vm0, $0x0, v12;
	v4 =	vadd.f32 v7, v4  }
0x2b2: {  	v7 =	vsel vm0, $0x3F800000, v1;
	vm0 =	vlt.s32 v13, v0;
	v3 =	vadd.f32 v6, v3;
	v6 =	vld [tilespmem:s31+$0x4000]  }
0x2b3: {  	v2 =	vnsel vm0, $0x0, v2;
	v4 =	vadd.f32 v7, v4;
	v7 =	vld [tilespmem:s31+$0x10000]  }
0x2b4: {  	v10 =	vld [tilespmem:s31+$0x4010];
	v9 =	vsel vm0, $0x3F800000, v1;
	vm0 =	vlt.s32 v8, v0;
	v2 =	vadd.f32 v2, v3  }
0x2b5: {  	v5 =	vnsel vm0, $0x0, v5;
	v3 =	vld [tilespmem:s31+$0x10010];
	v4 =	vadd.f32 v9, v4  }
0x2b6: {  	v1 =	vsel vm0, $0x3F800000, v1;
	v8 =	vadd.f32 v5, v2;
	v2 =	vld [tilespmem:s31+$0x4020]  }
0x2b7: {  	v5 =	vld [tilespmem:s31+$0x10020];
	v9 =	vadd.f32 v1, v4;
	v1 =	vimm.f32 $0.0e+00;
	vm0 =	vlt.s32 v6, v0  }
0x2b8: {  	v4 =	vld [tilespmem:s31+$0x4030];
	v6 =	vnsel vm0, $0x0, v7;
	v7 =	vsel vm0, $0x3F800000, v1  }
0x2b9: {  	s5 =	simm.s32 $0x40;
	s8 =	simm.s32 $0x200;
	vm0 =	vlt.s32 v10, v0;
	v8 =	vadd.f32 v6, v8;
	v7 =	vadd.f32 v7, v9;
	v6 =	vld [tilespmem:s31+$0x10030]  }
.LBB2_42:
0x2ba: {  	p0 =	sne.s32 s8, $0xFF00;
	v9 =	vld [tilespmem:s5+$0x4000];
	v3 =	vnsel vm0, $0x0, v3;
	v10 =	vsel vm0, $0x3F800000, v1  }
0x2bb: {  	v11 =	vld [tilespmem:s5+$0x10000];
	v8 =	vadd.f32 v3, v8;
	v7 =	vadd.f32 v10, v7;
	vm0 =	vlt.s32 v2, v0  }
0x2bc: {  	v10 =	vld [tilespmem:s5+$0x4010];
	v2 =	vnsel vm0, $0x0, v5;
	v5 =	vsel vm0, $0x3F800000, v1  }
.Ltmp22:
0x2bd: {  	v3 =	vld [tilespmem:s5+$0x10010];
	v8 =	vadd.f32 v2, v8;
	v7 =	vadd.f32 v5, v7;
	vm0 =	vlt.s32 v4, v0;
	(pc) =	sbr.rel @p0 .LBB2_42-.Ltmp22, $4  }
0x2be: {  	v2 =	vld [tilespmem:s5+$0x4020];
	v4 =	vnsel vm0, $0x0, v6;
	v6 =	vsel vm0, $0x3F800000, v1  }
0x2bf: {  	vm0 =	vlt.s32 v9, v0;
	v5 =	vld [tilespmem:s5+$0x10020];
	v8 =	vadd.f32 v4, v8;
	v6 =	vadd.f32 v6, v7  }
0x2c0: {  	v7 =	vnsel vm0, $0x0, v11;
	v9 =	vsel vm0, $0x3F800000, v1;
	v4 =	vld [tilespmem:s5+$0x4030]  }
0x2c1: {  	v8 =	vadd.f32 v7, v8;
	v7 =	vadd.f32 v9, v6;
	vm0 =	vlt.s32 v10, v0;
	v6 =	vld [tilespmem:s5+$0x10030];
	s5 =	sshra.s32 s8, $0x2;
	s8 =	sadd.s32 $0x100, s8  }
0x2c2: {  	v9 =	vld [tilespmem:s5+$0x4000]  }
0x2c3: {  	v10 =	vld [tilespmem:s5+$0x10000]  }
0x2c4: {  	v11 =	vld [tilespmem:s5+$0x4010];
	v3 =	vnsel vm0, $0x0, v3  }
0x2c5: {  	v12 =	vld [tilespmem:s5+$0x10010];
	v3 =	vadd.f32 v3, v8;
	v8 =	vsel vm0, $0x3F800000, v1;
	vm0 =	vlt.s32 v2, v0  }
0x2c6: {  	v13 =	vld [tilespmem:s5+$0x4020];
	v7 =	vadd.f32 v8, v7;
	v5 =	vnsel vm0, $0x0, v5  }
0x2c7: {  	v2 =	vld [tilespmem:s5+$0x10020];
	v3 =	vadd.f32 v5, v3;
	v5 =	vsel vm0, $0x3F800000, v1;
	vm0 =	vlt.s32 v4, v0  }
0x2c8: {  	s29 =	simm.s32 $0x0;
	s8 =	simm.s32 $0x10000;
	s30 =	simm.s32 $0x1;
	v8 =	vld [tilespmem:s5+$0x4030];
	v5 =	vadd.f32 v5, v7;
	v6 =	vnsel vm0, $0x0, v6  }
0x2c9: {  	v4 =	vld [tilespmem:s5+$0x10030];
	[tilespmem:s8], [sflag:$0x1] =	stream.linear.gather [hbm4b:s7+s29], $0x4000, $0x38;
	v7 =	vsel vm0, $0x3F800000, v1;
	vm0 =	vlt.s32 v9, v0;
	v3 =	vadd.f32 v6, v3  }
0x2ca: {  	_ =	swait.ge [sflag:s30], $0x4000;
	v5 =	vadd.f32 v7, v5;
	v6 =	vnsel vm0, $0x0, v10  }
0x2cb: {  	[sflag:s30] =	ssyncset.done $0x0;
	v7 =	vsel vm0, $0x3F800000, v1;
	vm0 =	vlt.s32 v11, v0;
	v3 =	vadd.f32 v6, v3  }
0x2cc: {  	s31 =	simm.s32 $0x0;
	[sflag:s30] =	ssyncadd.s32 $0xFFFFC000;
	v6 =	vnsel vm0, $0x0, v12;
	v5 =	vadd.f32 v7, v5  }
0x2cd: {  	v7 =	vsel vm0, $0x3F800000, v1;
	vm0 =	vlt.s32 v13, v0;
	v3 =	vadd.f32 v6, v3;
	v6 =	vld [tilespmem:s31+$0x8000]  }
0x2ce: {  	v2 =	vnsel vm0, $0x0, v2;
	v5 =	vadd.f32 v7, v5;
	v7 =	vld [tilespmem:s31+$0x10000]  }
0x2cf: {  	v10 =	vld [tilespmem:s31+$0x8010];
	v9 =	vsel vm0, $0x3F800000, v1;
	vm0 =	vlt.s32 v8, v0;
	v2 =	vadd.f32 v2, v3  }
0x2d0: {  	v4 =	vnsel vm0, $0x0, v4;
	v3 =	vld [tilespmem:s31+$0x10010];
	v5 =	vadd.f32 v9, v5  }
0x2d1: {  	v1 =	vsel vm0, $0x3F800000, v1;
	v8 =	vadd.f32 v4, v2;
	v2 =	vld [tilespmem:s31+$0x8020]  }
0x2d2: {  	v9 =	vadd.f32 v1, v5;
	v1 =	vimm.f32 $0.0e+00;
	vm0 =	vlt.s32 v6, v0;
	v5 =	vld [tilespmem:s31+$0x10020]  }
0x2d3: {  	v4 =	vld [tilespmem:s31+$0x8030];
	v6 =	vnsel vm0, $0x0, v7;
	v7 =	vsel vm0, $0x3F800000, v1  }
0x2d4: {  	s5 =	simm.s32 $0x40;
	s7 =	simm.s32 $0x200;
	vm0 =	vlt.s32 v10, v0;
	v8 =	vadd.f32 v6, v8;
	v7 =	vadd.f32 v7, v9;
	v6 =	vld [tilespmem:s31+$0x10030]  }
.LBB2_44:
0x2d5: {  	p0 =	sne.s32 s7, $0xFF00;
	v9 =	vld [tilespmem:s5+$0x8000];
	v3 =	vnsel vm0, $0x0, v3;
	v10 =	vsel vm0, $0x3F800000, v1  }
0x2d6: {  	v11 =	vld [tilespmem:s5+$0x10000];
	v8 =	vadd.f32 v3, v8;
	v7 =	vadd.f32 v10, v7;
	vm0 =	vlt.s32 v2, v0  }
0x2d7: {  	v10 =	vld [tilespmem:s5+$0x8010];
	v2 =	vnsel vm0, $0x0, v5;
	v5 =	vsel vm0, $0x3F800000, v1  }
.Ltmp23:
0x2d8: {  	v3 =	vld [tilespmem:s5+$0x10010];
	v8 =	vadd.f32 v2, v8;
	v7 =	vadd.f32 v5, v7;
	vm0 =	vlt.s32 v4, v0;
	(pc) =	sbr.rel @p0 .LBB2_44-.Ltmp23, $4  }
0x2d9: {  	v2 =	vld [tilespmem:s5+$0x8020];
	v4 =	vnsel vm0, $0x0, v6;
	v6 =	vsel vm0, $0x3F800000, v1  }
0x2da: {  	vm0 =	vlt.s32 v9, v0;
	v5 =	vld [tilespmem:s5+$0x10020];
	v8 =	vadd.f32 v4, v8;
	v6 =	vadd.f32 v6, v7  }
0x2db: {  	v7 =	vnsel vm0, $0x0, v11;
	v9 =	vsel vm0, $0x3F800000, v1;
	v4 =	vld [tilespmem:s5+$0x8030]  }
0x2dc: {  	v8 =	vadd.f32 v7, v8;
	v7 =	vadd.f32 v9, v6;
	vm0 =	vlt.s32 v10, v0;
	v6 =	vld [tilespmem:s5+$0x10030];
	s5 =	sshra.s32 s7, $0x2;
	s7 =	sadd.s32 $0x100, s7  }
0x2dd: {  	v9 =	vld [tilespmem:s5+$0x8000]  }
0x2de: {  	v10 =	vld [tilespmem:s5+$0x10000]  }
0x2df: {  	v11 =	vld [tilespmem:s5+$0x8010];
	v3 =	vnsel vm0, $0x0, v3  }
0x2e0: {  	v12 =	vld [tilespmem:s5+$0x10010];
	v3 =	vadd.f32 v3, v8;
	v8 =	vsel vm0, $0x3F800000, v1;
	vm0 =	vlt.s32 v2, v0  }
0x2e1: {  	v13 =	vld [tilespmem:s5+$0x8020];
	v7 =	vadd.f32 v8, v7;
	v5 =	vnsel vm0, $0x0, v5  }
0x2e2: {  	v2 =	vld [tilespmem:s5+$0x10020];
	v3 =	vadd.f32 v5, v3;
	v5 =	vsel vm0, $0x3F800000, v1;
	vm0 =	vlt.s32 v4, v0  }
0x2e3: {  	s29 =	simm.s32 $0x0;
	s7 =	simm.s32 $0x10000;
	s30 =	simm.s32 $0x1;
	v8 =	vld [tilespmem:s5+$0x8030];
	v5 =	vadd.f32 v5, v7;
	v6 =	vnsel vm0, $0x0, v6  }
0x2e4: {  	v4 =	vld [tilespmem:s5+$0x10030];
	[tilespmem:s7], [sflag:$0x1] =	stream.linear.gather [hbm4b:s6+s29], $0x4000, $0x38;
	v7 =	vsel vm0, $0x3F800000, v1;
	vm0 =	vlt.s32 v9, v0;
	v3 =	vadd.f32 v6, v3  }
0x2e5: {  	_ =	swait.ge [sflag:s30], $0x4000;
	v5 =	vadd.f32 v7, v5;
	v6 =	vnsel vm0, $0x0, v10  }
0x2e6: {  	[sflag:s30] =	ssyncset.done $0x0;
	v7 =	vsel vm0, $0x3F800000, v1;
	vm0 =	vlt.s32 v11, v0;
	v3 =	vadd.f32 v6, v3  }
0x2e7: {  	s31 =	simm.s32 $0x0;
	[sflag:s30] =	ssyncadd.s32 $0xFFFFC000;
	v6 =	vnsel vm0, $0x0, v12;
	v5 =	vadd.f32 v7, v5  }
0x2e8: {  	v7 =	vsel vm0, $0x3F800000, v1;
	vm0 =	vlt.s32 v13, v0;
	v3 =	vadd.f32 v6, v3;
	v6 =	vld [tilespmem:s31+$0xC000]  }
0x2e9: {  	v2 =	vnsel vm0, $0x0, v2;
	v5 =	vadd.f32 v7, v5;
	v7 =	vld [tilespmem:s31+$0x10000]  }
0x2ea: {  	v10 =	vld [tilespmem:s31+$0xC010];
	v9 =	vsel vm0, $0x3F800000, v1;
	vm0 =	vlt.s32 v8, v0;
	v2 =	vadd.f32 v2, v3  }
0x2eb: {  	v4 =	vnsel vm0, $0x0, v4;
	v3 =	vld [tilespmem:s31+$0x10010];
	v5 =	vadd.f32 v9, v5  }
0x2ec: {  	v1 =	vsel vm0, $0x3F800000, v1;
	v8 =	vadd.f32 v4, v2;
	v2 =	vld [tilespmem:s31+$0xC020]  }
0x2ed: {  	v9 =	vadd.f32 v1, v5;
	v1 =	vimm.f32 $0.0e+00;
	vm0 =	vlt.s32 v6, v0;
	v5 =	vld [tilespmem:s31+$0x10020]  }
0x2ee: {  	v4 =	vld [tilespmem:s31+$0xC030];
	v6 =	vnsel vm0, $0x0, v7;
	v7 =	vsel vm0, $0x3F800000, v1  }
0x2ef: {  	s5 =	simm.s32 $0x40;
	s6 =	simm.s32 $0x200;
	vm0 =	vlt.s32 v10, v0;
	v8 =	vadd.f32 v6, v8;
	v7 =	vadd.f32 v7, v9;
	v6 =	vld [tilespmem:s31+$0x10030]  }
.LBB2_46:
0x2f0: {  	p0 =	sne.s32 s6, $0xFF00;
	v9 =	vld [tilespmem:s5+$0xC000];
	v3 =	vnsel vm0, $0x0, v3;
	v10 =	vsel vm0, $0x3F800000, v1  }
0x2f1: {  	v11 =	vld [tilespmem:s5+$0x10000];
	v8 =	vadd.f32 v3, v8;
	v7 =	vadd.f32 v10, v7;
	vm0 =	vlt.s32 v2, v0  }
0x2f2: {  	v10 =	vld [tilespmem:s5+$0xC010];
	v2 =	vnsel vm0, $0x0, v5;
	v5 =	vsel vm0, $0x3F800000, v1  }
.Ltmp24:
0x2f3: {  	v3 =	vld [tilespmem:s5+$0x10010];
	v8 =	vadd.f32 v2, v8;
	v7 =	vadd.f32 v5, v7;
	vm0 =	vlt.s32 v4, v0;
	(pc) =	sbr.rel @p0 .LBB2_46-.Ltmp24, $4  }
0x2f4: {  	v2 =	vld [tilespmem:s5+$0xC020];
	v4 =	vnsel vm0, $0x0, v6;
	v6 =	vsel vm0, $0x3F800000, v1  }
0x2f5: {  	vm0 =	vlt.s32 v9, v0;
	v5 =	vld [tilespmem:s5+$0x10020];
	v8 =	vadd.f32 v4, v8;
	v6 =	vadd.f32 v6, v7  }
0x2f6: {  	v7 =	vnsel vm0, $0x0, v11;
	v9 =	vsel vm0, $0x3F800000, v1;
	v4 =	vld [tilespmem:s5+$0xC030]  }
0x2f7: {  	v8 =	vadd.f32 v7, v8;
	v7 =	vadd.f32 v9, v6;
	vm0 =	vlt.s32 v10, v0;
	v6 =	vld [tilespmem:s5+$0x10030];
	s5 =	sshra.s32 s6, $0x2;
	s6 =	sadd.s32 $0x100, s6  }
0x2f8: {  	v9 =	vld [tilespmem:s5+$0xC000];
	v3 =	vnsel vm0, $0x0, v3  }
0x2f9: {  	v10 =	vsel vm0, $0x3F800000, v1;
	v11 =	vld [tilespmem:s5+$0x10000];
	v3 =	vadd.f32 v3, v8;
	vm10 =	vlt.s32 v2, v0  }
0x2fa: {  	v49 =	vld [tilespmem:s5+$0xC010];
	v48 =	vadd.f32 v10, v7;
	v5 =	vnsel vm10, $0x0, v5  }
0x2fb: {  	v51 =	vld [tilespmem:s5+$0x10010];
	v50 =	vsel vm10, $0x3F800000, v1;
	v3 =	vadd.f32 v5, v3;
	vm11 =	vlt.s32 v4, v0  }
0x2fc: {  	v52 =	vld [tilespmem:s5+$0xC020];
	v2 =	vadd.f32 v50, v48;
	v53 =	vnsel vm11, $0x0, v6  }
0x2fd: {  	v55 =	vld [tilespmem:s5+$0x10020];
	v54 =	vsel vm11, $0x3F800000, v1;
	vm12 =	vlt.s32 v9, v0;
	v3 =	vadd.f32 v53, v3  }
0x2fe: {  	v57 =	vld [tilespmem:s5+$0xC030];
	v2 =	vadd.f32 v54, v2;
	v56 =	vnsel vm12, $0x0, v11  }
0x2ff: {  	v58 =	vld [tilespmem:s5+$0x10030];
	vm13 =	vlt.s32 v49, v0;
	v9 =	vsel vm12, $0x3F800000, v1;
	v3 =	vadd.f32 v56, v3  }
0x300: {  	v7 =	vnsel vm13, $0x0, v51;
	v2 =	vadd.f32 v9, v2  }
0x301: {  	vm14 =	vlt.s32 v52, v0;
	v59 =	vsel vm13, $0x3F800000, v1;
	v3 =	vadd.f32 v7, v3  }
0x302: {  	v4 =	vnsel vm14, $0x0, v55;
	v2 =	vadd.f32 v59, v2  }
0x303: {  	vm15 =	vlt.s32 v57, v0;
	v60 =	vsel vm14, $0x3F800000, v1;
	v3 =	vadd.f32 v4, v3  }
0x304: {  	v62 =	vnsel vm15, $0x0, v58;
	v61 =	vadd.f32 v60, v2  }
0x305: {  	v63 =	vsel vm15, $0x3F800000, v1;
	v2 =	vadd.f32 v62, v3  }
0x306: {  	v0 =	vadd.f32 v63, v61  }
0x307: {  	[tilespmem:$0x1C500] =	vst v2  }
0x308: {  	s31 =	simm.s32 $0x1C500;
	[tilespmem:$0x1C510] =	vst v0  }
0x309: {  	[spmem:s4] =	stream.linear.scatter [tilespmem:s31], [sflag:$0x1], $0x20, $0x38;
	[tilespmem:$0x1CB60] =	vst v63  }
0x30a: {  	s4 =	simm.s32 $0x1  }
0x30b: {  	_ =	swait.ge [sflag:s4], $0x20  }
0x30c: {  	[sflag:s4] =	ssyncset.done $0x0  }
0x30d: {  	[sflag:s4] =	ssyncadd.s32 $0xFFFFFFE0  }
0x30e: {  	p0 =	sne.s32 s3, $0x0;
	[bflag:$0x0] =	sbarrier.arrive $0xFFFF  }
0x30f: {  	_ =	sfence.sel @p0 $0x180000  }
0x310: {  	[bflag:$0x0] =	sbarrier.arrive @p0 $0xFFFF  }
0x311: {  	_ =	strace @p0 $0x90000047  }
0x312: {  	[bflag:$0x2] =	sbarrier.arrive @p0 $0xFFFF  }
0x313: {  	_ =	shalt @p0  }
.LBB2_48:
0x314: {  	s3 =	simm.s32 $0x1C520  }
0x315: {  	[tilespmem:s3], [sflag:$0x1] =	stream.linear.gather [spmem:s2], $0x200, $0x38;
	[tilespmem:$0x1CB60] =	vst v63  }
0x316: {  	_ =	swait.ge [sflag:s4], $0x200  }
0x317: {  	[sflag:s4] =	ssyncset.done $0x0  }
0x318: {  	[sflag:s4] =	ssyncadd.s32 $0xFFFFFE00  }
0x319: {  	v0 =	vld [tilespmem:$0x1C520]  }
0x31a: {  	v1 =	vld [tilespmem:$0x1C530]  }
0x31b: {  	v2 =	vld [tilespmem:$0x1C540]  }
0x31c: {  	v3 =	vld [tilespmem:$0x1C550]  }
0x31d: {  	v4 =	vld [tilespmem:$0x1C560]  }
0x31e: {  	v5 =	vld [tilespmem:$0x1C570]  }
0x31f: {  	v6 =	vld [tilespmem:$0x1C580]  }
0x320: {  	v39 =	vld [tilespmem:$0x1C590];
	v0 =	vadd.f32 v2, v0  }
0x321: {  	v40 =	vld [tilespmem:$0x1C5A0];
	v1 =	vadd.f32 v3, v1  }
0x322: {  	v41 =	vld [tilespmem:$0x1C5B0];
	v0 =	vadd.f32 v4, v0  }
0x323: {  	v42 =	vld [tilespmem:$0x1C5C0];
	v1 =	vadd.f32 v5, v1  }
0x324: {  	v43 =	vld [tilespmem:$0x1C5D0];
	v0 =	vadd.f32 v6, v0  }
0x325: {  	v44 =	vld [tilespmem:$0x1C5E0];
	v1 =	vadd.f32 v39, v1  }
0x326: {  	v45 =	vld [tilespmem:$0x1C5F0];
	v0 =	vadd.f32 v40, v0  }
0x327: {  	v46 =	vld [tilespmem:$0x1C600];
	v1 =	vadd.f32 v41, v1  }
0x328: {  	v47 =	vld [tilespmem:$0x1C610];
	v0 =	vadd.f32 v42, v0  }
0x329: {  	v48 =	vld [tilespmem:$0x1C620];
	v1 =	vadd.f32 v43, v1  }
0x32a: {  	v49 =	vld [tilespmem:$0x1C630];
	v0 =	vadd.f32 v44, v0  }
0x32b: {  	v50 =	vld [tilespmem:$0x1C640];
	v1 =	vadd.f32 v45, v1  }
0x32c: {  	v51 =	vld [tilespmem:$0x1C650];
	v0 =	vadd.f32 v46, v0  }
0x32d: {  	v52 =	vld [tilespmem:$0x1C660];
	v1 =	vadd.f32 v47, v1  }
0x32e: {  	v53 =	vld [tilespmem:$0x1C670];
	v0 =	vadd.f32 v48, v0  }
0x32f: {  	v54 =	vld [tilespmem:$0x1C680];
	v1 =	vadd.f32 v49, v1  }
0x330: {  	v55 =	vld [tilespmem:$0x1C690];
	v0 =	vadd.f32 v50, v0  }
0x331: {  	v56 =	vld [tilespmem:$0x1C6A0];
	v1 =	vadd.f32 v51, v1  }
0x332: {  	v57 =	vld [tilespmem:$0x1C6B0];
	v0 =	vadd.f32 v52, v0  }
0x333: {  	v58 =	vld [tilespmem:$0x1C6C0];
	v1 =	vadd.f32 v53, v1  }
0x334: {  	v59 =	vld [tilespmem:$0x1C6D0];
	v0 =	vadd.f32 v54, v0  }
0x335: {  	v60 =	vld [tilespmem:$0x1C6E0];
	v1 =	vadd.f32 v55, v1  }
0x336: {  	v61 =	vld [tilespmem:$0x1C6F0];
	v0 =	vadd.f32 v56, v0  }
0x337: {  	v62 =	vld [tilespmem:$0x1C700];
	v1 =	vadd.f32 v57, v1  }
0x338: {  	v63 =	vld [tilespmem:$0x1C710];
	v0 =	vadd.f32 v58, v0  }
0x339: {  	v1 =	vadd.f32 v59, v1  }
0x33a: {  	v0 =	vadd.f32 v60, v0  }
0x33b: {  	v1 =	vadd.f32 v61, v1  }
0x33c: {  	v0 =	vadd.f32 v62, v0  }
0x33d: {  	v1 =	vadd.f32 v63, v1  }
0x33e: {  	(xrf2) =	vadd.scan.msk.f32 $0xffff, v0  }
0x33f: {  	(xrf2) =	vadd.scan.msk.f32 $0xffff, v1;
	_ =	sdelay $0x8  }
0x340: {  	v0, _, _ =	vpop (xrf2)  }
0x341: {  	v1, _, _ =	vpop (xrf2)  }
0x342: {  	v1 =	vbroadcast v1, $0xF;
	_ =	sdelay $0x1  }
0x343: {  	(erf) = vrcp.f32 v1;
	_ =	sdelay $0x7  }
0x344: {  	v0 =	vbroadcast v0, $0xF  }
0x345: {  	v1 =	vpop (erf)  }
0x346: {  	v0 =	vmul.f32 v1, v0;
	_ =	sdelay $0x1  }
0x347: {  	s30 =	simm.s32 $0x0;
	s31 =	simm.s32 $0x1C720;
	[tilespmem:$0x1C720] =	vst v0  }
0x348: {  	[hbm4b:s1+s30] =	stream.linear.scatter [tilespmem:s31], [sflag:$0x1], $0x10, $0x38;
	[tilespmem:$0x1CB60] =	vst v63  }
0x349: {  	_ =	swait.ge [sflag:s4], $0x10  }
0x34a: {  	[sflag:s4] =	ssyncset.done $0x0  }
0x34b: {  	[sflag:s4] =	ssyncadd.s32 $0xFFFFFFF0  }
0x34c: {  	_ =	sfence.sel $0x180000  }
0x34d: {  	[bflag:$0x0] =	sbarrier.arrive $0xFFFF  }
0x34e: {  	_ =	strace $0x90000047  }
0x34f: {  	s0 =	sadd.s32 $0x100000, s0;
	[bflag:$0x2] =	sbarrier.arrive $0xFFFF  }
0x350: {  	[sflag:s0] =	ssyncadd.tile.s32 $0x1;
	_ =	shalt  }
.LBB2_13:
.Ltmp25:
0x351: {  	(pc) =	sbr.rel .LBB2_16-.Ltmp25, $2  }
0x352: {  	_ =	sdelay $0x2  }
0x353: {  	s13 =	simm.s32 $0x40;
	s12 =	simm.s32 $0x0;
	s11 =	simm.s32 $0x0  }
.LBB2_26:
.Ltmp26:
0x354: {  	(pc) =	sbr.rel .LBB2_28-.Ltmp26, $2  }
0x355: {  	_ =	sdelay $0x2  }
0x356: {  	s15 =	simm.s32 $0x40;
	s14 =	simm.s32 $0x0;
	s11 =	simm.s32 $0x0  }
.Lfunc_end2:
_tile_overlayer_lowered:
.L_overlay_start_2:
0x357: {  	(tag) =	ssettag $0x2  }
0x358: {  	s0 =	rddreg [dreg:$0x0];
	s2 =	stileid.u32  }
0x359: {  	s1 =	rddreg [dreg:$0x1];
	p0 =	sne.s32 s2, $0x0  }
0x35a: {  	s3 =	rddreg [dreg:$0x2];
	[bflag:$0x3] =	sbarrier.arrive $0xFFFF;
	s2 =	simm.s32 @!p0 $0x1C01  }
0x35b: {  	[timem:s3], [sflag:s2] =	dma.local @!p0 [hbm:s0], s1  }
0x35c: {  	s0 =	simm.s32 @!p0 $0x1  }
0x35d: {  	_ =	swait.ge @!p0 [sflag:s0], s1  }
0x35e: {  	s1 =	ssub.s32 @!p0 $0x0, s1;
	[sflag:s0] =	ssyncset.done @!p0 $0x0  }
0x35f: {  	[sflag:s0] =	ssyncadd.s32 @!p0 s1  }
0x360: {  	[bflag:$0x3] =	sbarrier.arrive $0xFFFF  }
0x361: {  	_ =	shalt  }

</sc_bundles>
